<compile_context>
chip_gen: v7x
topology: tpu7x:2x2x1
jax: 0.10.2.dev20260603
libtpu: 0.0.44.dev20260713+nightly
codegen_flags: <defaults>
</compile_context>

<pallas_src>
import functools

import jax
import jax.numpy as jnp
from jax import lax
from jax.experimental import pallas as pl
from jax.experimental.pallas import tpu as pltpu
from jax.experimental.pallas import tpu_sc as plsc

N = 10000
D = 128
E = 320000
NC = 2
NS = 16
NW = NC * NS
CHUNK = 80
NCHUNK = 125
E_W = NCHUNK * CHUNK
EPAD = NW * E_W
NP_ = 10240
ROWS_T = NP_ // NS
DEGW = 16

_mesh = plsc.VectorSubcoreMesh(core_axis_name="c", subcore_axis_name="s")


def _deg_count(dst3):
    @functools.partial(
        pl.kernel,
        out_type=jax.ShapeDtypeStruct((NC, NP_, DEGW), jnp.float32),
        mesh=_mesh,
        compiler_params=pltpu.CompilerParams(use_tc_tiling_on_sc=False),
        scratch_types=[
            pltpu.VMEM((NCHUNK, CHUNK), jnp.int32),
            pltpu.VMEM((CHUNK, DEGW), jnp.float32),
            pltpu.VMEM((CHUNK, DEGW), jnp.float32),
            pltpu.VMEM_SHARED((NP_, DEGW), jnp.float32),
        ],
    )
    def k(dst_hbm, deg_hbm, dst_v, zerod_v, ones_v, dega_sh):
        c = lax.axis_index("c")
        s = lax.axis_index("s")
        w = c * NS + s
        base = s * ROWS_T

        @pl.loop(0, CHUNK)
        def _(i):
            zerod_v[i, pl.ds(0, 16)] = jnp.zeros((16,), jnp.float32)
            ones_v[i, pl.ds(0, 16)] = jnp.full((16,), 1.0, jnp.float32)

        @pl.loop(0, ROWS_T // CHUNK)
        def _(k_):
            pltpu.sync_copy(zerod_v, dega_sh.at[pl.ds(base + k_ * CHUNK, CHUNK)])
        _rem = ROWS_T - (ROWS_T // CHUNK) * CHUNK
        if _rem:
            pltpu.sync_copy(zerod_v.at[pl.ds(0, _rem)],
                            dega_sh.at[pl.ds(base + ROWS_T - _rem, _rem)])

        pltpu.sync_copy(dst_hbm.at[w], dst_v)
        plsc.subcore_barrier()

        @pl.loop(0, NCHUNK)
        def _(j):
            pltpu.sync_copy(ones_v, dega_sh.at[dst_v.at[j]], add=True)

        plsc.subcore_barrier()
        pltpu.sync_copy(dega_sh.at[pl.ds(base, ROWS_T)],
                        deg_hbm.at[c, pl.ds(base, ROWS_T)])

    return k(dst3)


def _seg_sum(z, src3, dst3):
    @functools.partial(
        pl.kernel,
        out_type=jax.ShapeDtypeStruct((NC, NP_, D), jnp.float32),
        mesh=_mesh,
        compiler_params=pltpu.CompilerParams(use_tc_tiling_on_sc=False),
        scratch_types=[
            pltpu.VMEM((NCHUNK, CHUNK), jnp.int32),
            pltpu.VMEM((NCHUNK, CHUNK), jnp.int32),
            pltpu.VMEM((CHUNK, D), jnp.float32),
            pltpu.VMEM((CHUNK, D), jnp.float32),
            pltpu.VMEM_SHARED((NP_, D), jnp.float32),
            pltpu.SemaphoreType.DMA,
            pltpu.SemaphoreType.DMA,
            pltpu.SemaphoreType.DMA,
            pltpu.SemaphoreType.DMA,
        ],
    )
    def k(z_hbm, src_hbm, dst_hbm, out_hbm,
          src_v, dst_v, r0, r1, acc_sh, sem0, sem1, sem2, sem3):
        c = lax.axis_index("c")
        s = lax.axis_index("s")
        w = c * NS + s
        base = s * ROWS_T

        @pl.loop(0, CHUNK)
        def _(i):
            @pl.loop(0, D // 16)
            def _(j):
                r0[i, pl.ds(j * 16, 16)] = jnp.zeros((16,), jnp.float32)

        @pl.loop(0, ROWS_T // CHUNK)
        def _(k_):
            pltpu.sync_copy(r0, acc_sh.at[pl.ds(base + k_ * CHUNK, CHUNK)])
        _rem = ROWS_T - (ROWS_T // CHUNK) * CHUNK
        if _rem:
            pltpu.sync_copy(r0.at[pl.ds(0, _rem)],
                            acc_sh.at[pl.ds(base + ROWS_T - _rem, _rem)])

        pltpu.sync_copy(src_hbm.at[w], src_v)
        pltpu.sync_copy(dst_hbm.at[w], dst_v)
        plsc.subcore_barrier()

        def gather_start(j, buf, sem):
            pltpu.async_copy(z_hbm.at[src_v.at[j]], buf, sem)

        def gather_wait(j, buf, sem):
            pltpu.make_async_copy(z_hbm.at[src_v.at[j]], buf, sem).wait()

        def scatter_start(j, buf, sem):
            pltpu.async_copy(buf, acc_sh.at[dst_v.at[j]], sem, add=True)

        def scatter_wait(j, buf, sem):
            pltpu.make_async_copy(buf, acc_sh.at[dst_v.at[j]], sem).wait()

        gather_start(0, r0, sem0)
        gather_start(1, r1, sem1)
        gather_wait(0, r0, sem0)
        scatter_start(0, r0, sem2)

        @pl.loop(1, NCHUNK - 2, step=2)
        def _(j):
            scatter_wait(j - 1, r0, sem2)
            gather_start(j + 1, r0, sem0)
            gather_wait(j, r1, sem1)
            scatter_start(j, r1, sem3)
            scatter_wait(j, r1, sem3)
            gather_start(j + 2, r1, sem1)
            gather_wait(j + 1, r0, sem0)
            scatter_start(j + 1, r0, sem2)

        gather_wait(NCHUNK - 2, r1, sem1)
        scatter_start(NCHUNK - 2, r1, sem3)
        scatter_wait(NCHUNK - 3, r0, sem2)
        gather_start(NCHUNK - 1, r0, sem0)
        gather_wait(NCHUNK - 1, r0, sem0)
        scatter_start(NCHUNK - 1, r0, sem2)
        scatter_wait(NCHUNK - 2, r1, sem3)
        scatter_wait(NCHUNK - 1, r0, sem2)

        plsc.subcore_barrier()
        pltpu.sync_copy(acc_sh.at[pl.ds(base, ROWS_T)],
                        out_hbm.at[c, pl.ds(base, ROWS_T)])

    return k(z, src3, dst3)



_RB = 1000


def _mm_body(x_ref, w_ref, o_ref):
    o_ref[...] = jnp.dot(x_ref[...], w_ref[...],
                         preferred_element_type=jnp.float32)


def _tc_matmul(x, w):
    return pl.pallas_call(
        _mm_body,
        grid=(N // _RB,),
        in_specs=[pl.BlockSpec((_RB, D), lambda i: (i, 0)),
                  pl.BlockSpec((D, D), lambda i: (0, 0))],
        out_specs=pl.BlockSpec((_RB, D), lambda i: (i, 0)),
        out_shape=jax.ShapeDtypeStruct((N, D), jnp.float32),
    )(x, w)


def _dinv_of(deg_ref):
    deg = deg_ref[0, :, :1] + deg_ref[1, :, :1]
    return 1.0 / jnp.maximum(deg, 1.0)


def _l1_body(agg_ref, deg_ref, b1_ref, w2_ref, wo1_ref, z2_ref, z3a_ref):
    agg = agg_ref[0] + agg_ref[1]
    h1 = jnp.maximum(agg * _dinv_of(deg_ref) + b1_ref[...], 0.0)
    z2_ref[...] = jnp.dot(h1, w2_ref[...], preferred_element_type=jnp.float32)
    z3a_ref[...] = jnp.dot(h1, wo1_ref[...], preferred_element_type=jnp.float32)


def _tc_layer1(agg1, deg, b1, W2, Wo1):
    return pl.pallas_call(
        _l1_body,
        grid=(N // _RB,),
        in_specs=[pl.BlockSpec((NC, _RB, D), lambda i: (0, i, 0)),
                  pl.BlockSpec((NC, _RB, DEGW), lambda i: (0, i, 0)),
                  pl.BlockSpec((1, D), lambda i: (0, 0)),
                  pl.BlockSpec((D, D), lambda i: (0, 0)),
                  pl.BlockSpec((D, D), lambda i: (0, 0))],
        out_specs=[pl.BlockSpec((_RB, D), lambda i: (i, 0)),
                   pl.BlockSpec((_RB, D), lambda i: (i, 0))],
        out_shape=[jax.ShapeDtypeStruct((N, D), jnp.float32),
                   jax.ShapeDtypeStruct((N, D), jnp.float32)],
    )(agg1, deg, b1, W2, Wo1)


def _l2_body(agg_ref, deg_ref, b2_ref, wo2_ref, z3a_ref, z3_ref):
    agg = agg_ref[0] + agg_ref[1]
    h2 = jnp.maximum(agg * _dinv_of(deg_ref) + b2_ref[...], 0.0)
    z3_ref[...] = z3a_ref[...] + jnp.dot(h2, wo2_ref[...],
                                         preferred_element_type=jnp.float32)


def _tc_layer2(agg2, deg, b2, Wo2, z3a):
    return pl.pallas_call(
        _l2_body,
        grid=(N // _RB,),
        in_specs=[pl.BlockSpec((NC, _RB, D), lambda i: (0, i, 0)),
                  pl.BlockSpec((NC, _RB, DEGW), lambda i: (0, i, 0)),
                  pl.BlockSpec((1, D), lambda i: (0, 0)),
                  pl.BlockSpec((D, D), lambda i: (0, 0)),
                  pl.BlockSpec((_RB, D), lambda i: (i, 0))],
        out_specs=pl.BlockSpec((_RB, D), lambda i: (i, 0)),
        out_shape=jax.ShapeDtypeStruct((N, D), jnp.float32),
    )(agg2, deg, b2, Wo2, z3a)


def _l3_body(agg_ref, deg_ref, bo_ref, o_ref):
    agg = agg_ref[0] + agg_ref[1]
    o_ref[...] = agg * _dinv_of(deg_ref) + bo_ref[...]


def _tc_layer3(agg3, deg, b_out):
    return pl.pallas_call(
        _l3_body,
        grid=(N // _RB,),
        in_specs=[pl.BlockSpec((NC, _RB, D), lambda i: (0, i, 0)),
                  pl.BlockSpec((NC, _RB, DEGW), lambda i: (0, i, 0)),
                  pl.BlockSpec((1, D), lambda i: (0, 0))],
        out_specs=pl.BlockSpec((_RB, D), lambda i: (i, 0)),
        out_shape=jax.ShapeDtypeStruct((N, D), jnp.float32),
    )(agg3, deg, b_out)


def kernel(feats, edge_index, W1, b1, W2, b2, W_out, b_out):
    ei = edge_index.astype(jnp.int32)
    pad = EPAD - E
    srcp = jnp.concatenate([ei[0], jnp.zeros((pad,), jnp.int32)])
    pad_dst = N + (jnp.arange(pad, dtype=jnp.int32) % (NP_ - N))
    dstp = jnp.concatenate([ei[1], pad_dst])
    src3 = srcp.reshape(NW, NCHUNK, CHUNK)
    dst3 = dstp.reshape(NW, NCHUNK, CHUNK)
    Wo1 = W_out[:D]
    Wo2 = W_out[D:]
    b1r = b1.reshape(1, D)
    b2r = b2.reshape(1, D)
    bor = b_out.reshape(1, D)

    deg = _deg_count(dst3)
    z1 = _tc_matmul(feats, W1)
    z1, deg = lax.optimization_barrier((z1, deg))
    agg1 = _seg_sum(z1, src3, dst3)
    z2, z3a = _tc_layer1(agg1, deg, b1r, W2, Wo1)
    agg2 = _seg_sum(z2, src3, dst3)
    z3 = _tc_layer2(agg2, deg, b2r, Wo2, z3a)
    agg3 = _seg_sum(z3, src3, dst3)
    return _tc_layer3(agg3, deg, bor)

# --- scband reference (transcript-rebuilt; emitter-appended) ---
"""Pipeline reference for scband-jknet-21921513079349 (READ-ONLY COPY).

The authoritative reference and input builder live on the scoring server;
editing this copy changes nothing except your own understanding.
"""

import jax, jax.numpy as jnp
import numpy as np

N_NODES = 10000
N_EDGES = 320000
IN_DIM = 128
HID_DIM = 128
OUT_DIM = 128
NUM_LAYERS = 2


def _glorot(key, shape):
    fan_in, fan_out = shape[0], shape[1]
    limit = float(np.sqrt(6.0 / (fan_in + fan_out)))
    return jax.random.uniform(key, shape, dtype=jnp.float32, minval=-limit, maxval=limit)


def setup_inputs(seed: int = 0) -> dict:
    key = jax.random.key(seed)
    ks = jax.random.split(key, 10)
    feats = jax.random.normal(ks[0], (N_NODES, IN_DIM), dtype=jnp.float32)
    edge_index = jax.random.randint(ks[1], (2, N_EDGES), 0, N_NODES, dtype=jnp.int64)
    W1 = _glorot(ks[2], (IN_DIM, HID_DIM))
    b1 = jnp.zeros((HID_DIM,), dtype=jnp.float32)
    W2 = _glorot(ks[3], (HID_DIM, HID_DIM))
    b2 = jnp.zeros((HID_DIM,), dtype=jnp.float32)
    cat_dim = HID_DIM * NUM_LAYERS
    W_out = _glorot(ks[4], (cat_dim, OUT_DIM))
    b_out = jnp.zeros((OUT_DIM,), dtype=jnp.float32)
    return {"feats": feats, "edge_index": edge_index, "W1": W1, "b1": b1, "W2": W2, "b2": b2, "W_out": W_out, "b_out": b_out}


def _graph_conv(h, src, dst, deg_inv, W, b, activation):
    # DGL GraphConv, norm='right': aggregate src features at dst (sum),
    # normalize by 1/in_degree, then apply weight and bias.
    msgs = jnp.take(h, src, axis=0)
    agg = jax.ops.segment_sum(msgs, dst, num_segments=N_NODES)
    agg = agg * deg_inv[:, None]
    out = agg @ W + b
    if activation:
        out = jax.nn.relu(out)
    return out


def reference(feats, edge_index, W1, b1, W2, b2, W_out, b_out):
    src = edge_index[0]
    dst = edge_index[1]
    deg = jax.ops.segment_sum(jnp.ones((N_EDGES,), dtype=jnp.float32), dst, num_segments=N_NODES)
    # norm_bias = 0; clamp degree to avoid division by zero (matches DGL behavior)
    deg_inv = 1.0 / jnp.maximum(deg, 1.0)

    h = feats
    feat_lst = []
    h = _graph_conv(h, src, dst, deg_inv, W1, b1, activation=True)
    feat_lst.append(h)  # dropout p=0.0 is identity
    h = _graph_conv(h, src, dst, deg_inv, W2, b2, activation=True)
    feat_lst.append(h)
    h = jnp.concatenate(feat_lst, axis=-1)
    h = _graph_conv(h, src, dst, deg_inv, W_out, b_out, activation=False)
    return h

if __name__ == "__main__":
    import jax
    _d = setup_inputs()
    print(jax.jit(kernel)(*tuple(_d.values())))

</pallas_src>

<mosaic_0001>
#map = affine_map<(d0, d1) -> (0, 0)>
#map1 = affine_map<(d0, d1) -> (0, 0, 0)>
module attributes {stable_mosaic.version = 14 : i64} {
  func.func @k(%arg0: i32, %arg1: i32, %arg2: memref<10000x128xf32, #tpu.memory_space<hbm>>, %arg3: memref<32x125x80xi32, #tpu.memory_space<hbm>>, %arg4: memref<32x125x80xi32, #tpu.memory_space<hbm>>, %arg5: memref<2x10240x128xf32, #tpu.memory_space<hbm>>, %arg6: memref<125x80xi32, #tpu.memory_space<vmem>>, %arg7: memref<125x80xi32, #tpu.memory_space<vmem>>, %arg8: memref<80x128xf32, #tpu.memory_space<vmem>>, %arg9: memref<80x128xf32, #tpu.memory_space<vmem>>, %arg10: memref<10240x128xf32, #tpu.memory_space<vmem_shared>>, %arg11: memref<!tpu.dma_semaphore, #tpu.memory_space<semaphore_mem>>, %arg12: memref<!tpu.dma_semaphore, #tpu.memory_space<semaphore_mem>>, %arg13: memref<!tpu.dma_semaphore, #tpu.memory_space<semaphore_mem>>, %arg14: memref<!tpu.dma_semaphore, #tpu.memory_space<semaphore_mem>>) attributes {dimension_semantics = [#tpu.dimension_semantics<core_parallel>, #tpu.dimension_semantics<subcore_parallel>], iteration_bounds = array<i64: 2, 16>, scalar_prefetch = 0 : i64, scratch_operands = 9 : i64, tpu.core_type = #tpu.core_type<sc_vector_subcore>, window_params = [{transform_indices = #map}, {transform_indices = #map1}, {transform_indices = #map1}, {transform_indices = #map1}]} {
    %mul3A = arith.constant 16 : i32
    %mul3A_0 = arith.muli %arg0, %mul3A : i32
    %add3A = arith.addi %mul3A_0, %arg1 : i32
    %mul3A_1 = arith.constant 640 : i32
    %mul3A_2 = arith.muli %arg1, %mul3A_1 : i32
    %scan3A = arith.constant 0 : i32
    %scan3A_3 = arith.constant 80 : i32
    %scan3A_4 = arith.addi %scan3A, %scan3A_3 : i32
    %scan3A_5 = arith.constant 1 : i32
    scf.for %scan3A_100 = %scan3A to %scan3A_4 step %scan3A_5  : i32 {
      %mul3A_101 = arith.constant 1 : i32
      %mul3A_102 = arith.muli %scan3A_100, %mul3A_101 : i32
      %add3A_103 = arith.constant 0 : i32
      %add3A_104 = arith.addi %add3A_103, %mul3A_102 : i32
      %scan3A_105 = arith.constant 0 : i32
      %scan3A_106 = arith.constant 8 : i32
      %scan3A_107 = arith.addi %scan3A_105, %scan3A_106 : i32
      %scan3A_108 = arith.constant 1 : i32
      scf.for %scan3A_110 = %scan3A_105 to %scan3A_107 step %scan3A_108  : i32 {
        %mul3A_111 = arith.constant 1 : i32
        %mul3A_112 = arith.muli %scan3A_110, %mul3A_111 : i32
        %add3A_113 = arith.constant 0 : i32
        %add3A_114 = arith.addi %add3A_113, %mul3A_112 : i32
        %broadcast_in_dim3A = arith.constant 0.000000e+00 : f32
        %broadcast_in_dim3A_115 = vector.broadcast %broadcast_in_dim3A : f32 to vector<16xf32>
        %mul3A_116 = arith.constant 16 : i32
        %mul3A_117 = arith.muli %add3A_114, %mul3A_116 : i32
        %swap3A = arith.index_cast %add3A_104 : i32 to index
        %swap3A_118 = arith.index_cast %mul3A_117 : i32 to index
        %swap3A_119 = tpu.vector_load %arg8[%swap3A, %swap3A_118] {strides = array<i32>} : memref<80x128xf32, #tpu.memory_space<vmem>>, vector<1x16xf32>,
        %swap3A_120 = vector.shape_cast %swap3A_119 : vector<1x16xf32> to vector<16xf32>
        %swap3A_121 = vector.shape_cast %broadcast_in_dim3A_115 : vector<16xf32> to vector<1x16xf32>
        tpu.vector_store %arg8[%swap3A, %swap3A_118], %swap3A_121 {strides = array<i32>} : memref<80x128xf32, #tpu.memory_space<vmem>>, vector<1x16xf32>,
      }
      %scan3A_109 = arith.constant 8 : i32
    }
    %scan3A_6 = arith.constant 80 : i32
    %scan3A_7 = arith.constant 0 : i32
    %scan3A_8 = arith.constant 8 : i32
    %scan3A_9 = arith.addi %scan3A_7, %scan3A_8 : i32
    %scan3A_10 = arith.constant 1 : i32
    scf.for %scan3A_100 = %scan3A_7 to %scan3A_9 step %scan3A_10  : i32 {
      %mul3A_101 = arith.constant 1 : i32
      %mul3A_102 = arith.muli %scan3A_100, %mul3A_101 : i32
      %add3A_103 = arith.constant 0 : i32
      %add3A_104 = arith.addi %add3A_103, %mul3A_102 : i32
      %mul3A_105 = arith.constant 80 : i32
      %mul3A_106 = arith.muli %add3A_104, %mul3A_105 : i32
      %add3A_107 = arith.addi %mul3A_2, %mul3A_106 : i32
      "tpu.region"() ({
        %run_scoped3A = tpu.sem_alloc : memref<!tpu.dma_semaphore, #tpu.memory_space<semaphore_mem>>
        %dma_start3A_108 = arith.constant 0 : i32
        %dma_start3A_109 = tpu.memref_slice %arg10[%add3A_107, %dma_start3A_108] : memref<10240x128xf32, #tpu.memory_space<vmem_shared>> -> memref<80x128xf32, #tpu.memory_space<vmem_shared>>
        %dma_start3A_110 = arith.constant 0 : i32
        %dma_start3A_111 = tpu.memref_slice %arg10[%add3A_107, %dma_start3A_110] : memref<10240x128xf32, #tpu.memory_space<vmem_shared>> -> memref<80x128xf32, #tpu.memory_space<vmem_shared>>
        tpu.enqueue_dma source(%arg8 : memref<80x128xf32, #tpu.memory_space<vmem>>) target(%dma_start3A_111 : memref<80x128xf32, #tpu.memory_space<vmem_shared>>) target_semaphore(%run_scoped3A : memref<!tpu.dma_semaphore, #tpu.memory_space<semaphore_mem>>)
        %dma_wait3A_112 = arith.constant 0 : i32
        %dma_wait3A_113 = tpu.memref_slice %arg10[%add3A_107, %dma_wait3A_112] : memref<10240x128xf32, #tpu.memory_space<vmem_shared>> -> memref<80x128xf32, #tpu.memory_space<vmem_shared>>
        %dma_wait3A_114 = arith.constant 0 : i32
        %dma_wait3A_115 = tpu.memref_slice %arg10[%add3A_107, %dma_wait3A_114] : memref<10240x128xf32, #tpu.memory_space<vmem_shared>> -> memref<80x128xf32, #tpu.memory_space<vmem_shared>>
        tpu.wait_dma2 semaphore(%run_scoped3A : memref<!tpu.dma_semaphore, #tpu.memory_space<semaphore_mem>>) src(%arg8 : memref<80x128xf32, #tpu.memory_space<vmem>>) dst(%dma_wait3A_115 : memref<80x128xf32, #tpu.memory_space<vmem_shared>>)
        tpu.yield
      }) : () -> ()
    }
    %scan3A_11 = arith.constant 8 : i32
    "tpu.region"() ({
      %run_scoped3A = tpu.sem_alloc : memref<!tpu.dma_semaphore, #tpu.memory_space<semaphore_mem>>
      %dma_start3A_100 = arith.constant 0 : i32
      %dma_start3A_101 = arith.constant 0 : i32
      %dma_start3A_102 = tpu.memref_slice %arg3[%add3A, %dma_start3A_100, %dma_start3A_101] : memref<32x125x80xi32, #tpu.memory_space<hbm>> -> memref<1x125x80xi32, #tpu.memory_space<hbm>>
      %dma_start3A_103 = tpu.memref_squeeze %dma_start3A_102 : memref<1x125x80xi32, #tpu.memory_space<hbm>> -> memref<125x80xi32, #tpu.memory_space<hbm>>
      %dma_start3A_104 = arith.constant 0 : i32
      %dma_start3A_105 = arith.constant 0 : i32
      %dma_start3A_106 = tpu.memref_slice %arg3[%add3A, %dma_start3A_104, %dma_start3A_105] : memref<32x125x80xi32, #tpu.memory_space<hbm>> -> memref<1x125x80xi32, #tpu.memory_space<hbm>>
      %dma_start3A_107 = tpu.memref_squeeze %dma_start3A_106 : memref<1x125x80xi32, #tpu.memory_space<hbm>> -> memref<125x80xi32, #tpu.memory_space<hbm>>
      tpu.enqueue_dma source(%dma_start3A_107 : memref<125x80xi32, #tpu.memory_space<hbm>>) target(%arg6 : memref<125x80xi32, #tpu.memory_space<vmem>>) target_semaphore(%run_scoped3A : memref<!tpu.dma_semaphore, #tpu.memory_space<semaphore_mem>>)
      %dma_wait3A_108 = arith.constant 0 : i32
      %dma_wait3A_109 = arith.constant 0 : i32
      %dma_wait3A_110 = tpu.memref_slice %arg3[%add3A, %dma_wait3A_108, %dma_wait3A_109] : memref<32x125x80xi32, #tpu.memory_space<hbm>> -> memref<1x125x80xi32, #tpu.memory_space<hbm>>
      %dma_wait3A_111 = tpu.memref_squeeze %dma_wait3A_110 : memref<1x125x80xi32, #tpu.memory_space<hbm>> -> memref<125x80xi32, #tpu.memory_space<hbm>>
      %dma_wait3A_112 = arith.constant 0 : i32
      %dma_wait3A_113 = arith.constant 0 : i32
      %dma_wait3A_114 = tpu.memref_slice %arg3[%add3A, %dma_wait3A_112, %dma_wait3A_113] : memref<32x125x80xi32, #tpu.memory_space<hbm>> -> memref<1x125x80xi32, #tpu.memory_space<hbm>>
      %dma_wait3A_115 = tpu.memref_squeeze %dma_wait3A_114 : memref<1x125x80xi32, #tpu.memory_space<hbm>> -> memref<125x80xi32, #tpu.memory_space<hbm>>
      tpu.wait_dma2 semaphore(%run_scoped3A : memref<!tpu.dma_semaphore, #tpu.memory_space<semaphore_mem>>) src(%dma_wait3A_115 : memref<125x80xi32, #tpu.memory_space<hbm>>) dst(%arg6 : memref<125x80xi32, #tpu.memory_space<vmem>>)
      tpu.yield
    }) : () -> ()
    "tpu.region"() ({
      %run_scoped3A = tpu.sem_alloc : memref<!tpu.dma_semaphore, #tpu.memory_space<semaphore_mem>>
      %dma_start3A_100 = arith.constant 0 : i32
      %dma_start3A_101 = arith.constant 0 : i32
      %dma_start3A_102 = tpu.memref_slice %arg4[%add3A, %dma_start3A_100, %dma_start3A_101] : memref<32x125x80xi32, #tpu.memory_space<hbm>> -> memref<1x125x80xi32, #tpu.memory_space<hbm>>
      %dma_start3A_103 = tpu.memref_squeeze %dma_start3A_102 : memref<1x125x80xi32, #tpu.memory_space<hbm>> -> memref<125x80xi32, #tpu.memory_space<hbm>>
      %dma_start3A_104 = arith.constant 0 : i32
      %dma_start3A_105 = arith.constant 0 : i32
      %dma_start3A_106 = tpu.memref_slice %arg4[%add3A, %dma_start3A_104, %dma_start3A_105] : memref<32x125x80xi32, #tpu.memory_space<hbm>> -> memref<1x125x80xi32, #tpu.memory_space<hbm>>
      %dma_start3A_107 = tpu.memref_squeeze %dma_start3A_106 : memref<1x125x80xi32, #tpu.memory_space<hbm>> -> memref<125x80xi32, #tpu.memory_space<hbm>>
      tpu.enqueue_dma source(%dma_start3A_107 : memref<125x80xi32, #tpu.memory_space<hbm>>) target(%arg7 : memref<125x80xi32, #tpu.memory_space<vmem>>) target_semaphore(%run_scoped3A : memref<!tpu.dma_semaphore, #tpu.memory_space<semaphore_mem>>)
      %dma_wait3A_108 = arith.constant 0 : i32
      %dma_wait3A_109 = arith.constant 0 : i32
      %dma_wait3A_110 = tpu.memref_slice %arg4[%add3A, %dma_wait3A_108, %dma_wait3A_109] : memref<32x125x80xi32, #tpu.memory_space<hbm>> -> memref<1x125x80xi32, #tpu.memory_space<hbm>>
      %dma_wait3A_111 = tpu.memref_squeeze %dma_wait3A_110 : memref<1x125x80xi32, #tpu.memory_space<hbm>> -> memref<125x80xi32, #tpu.memory_space<hbm>>
      %dma_wait3A_112 = arith.constant 0 : i32
      %dma_wait3A_113 = arith.constant 0 : i32
      %dma_wait3A_114 = tpu.memref_slice %arg4[%add3A, %dma_wait3A_112, %dma_wait3A_113] : memref<32x125x80xi32, #tpu.memory_space<hbm>> -> memref<1x125x80xi32, #tpu.memory_space<hbm>>
      %dma_wait3A_115 = tpu.memref_squeeze %dma_wait3A_114 : memref<1x125x80xi32, #tpu.memory_space<hbm>> -> memref<125x80xi32, #tpu.memory_space<hbm>>
      tpu.wait_dma2 semaphore(%run_scoped3A : memref<!tpu.dma_semaphore, #tpu.memory_space<semaphore_mem>>) src(%dma_wait3A_115 : memref<125x80xi32, #tpu.memory_space<hbm>>) dst(%arg7 : memref<125x80xi32, #tpu.memory_space<vmem>>)
      tpu.yield
    }) : () -> ()
    %barrier3A = arith.constant 0 : index
    tpu.barrier barrier_id(%barrier3A)
    %dma_start3A = arith.constant 0 : i32
    %dma_start3A_12 = arith.constant 0 : i32
    %dma_start3A_13 = tpu.memref_slice %arg6[%dma_start3A, %dma_start3A_12] : memref<125x80xi32, #tpu.memory_space<vmem>> -> memref<1x80xi32, #tpu.memory_space<vmem>>
    %dma_start3A_14 = tpu.memref_squeeze %dma_start3A_13 : memref<1x80xi32, #tpu.memory_space<vmem>> -> memref<80xi32, #tpu.memory_space<vmem>>
    %dma_start3A_15 = arith.constant 0 : i32
    %dma_start3A_16 = arith.constant 0 : i32
    %dma_start3A_17 = tpu.memref_slice %arg2[%dma_start3A_15, %dma_start3A_16] : memref<10000x128xf32, #tpu.memory_space<hbm>> -> memref<10000x128xf32, #tpu.memory_space<hbm>>
    tpu.enqueue_indirect_dma source(%dma_start3A_17 : memref<10000x128xf32, #tpu.memory_space<hbm>>) target(%arg8 : memref<80x128xf32, #tpu.memory_space<vmem>>) offsets(%dma_start3A_14 : memref<80xi32, #tpu.memory_space<vmem>>) semaphore(%arg11 : memref<!tpu.dma_semaphore, #tpu.memory_space<semaphore_mem>>)
    %dma_start3A_18 = arith.constant 1 : i32
    %dma_start3A_19 = arith.constant 0 : i32
    %dma_start3A_20 = tpu.memref_slice %arg6[%dma_start3A_18, %dma_start3A_19] : memref<125x80xi32, #tpu.memory_space<vmem>> -> memref<1x80xi32, #tpu.memory_space<vmem>>
    %dma_start3A_21 = tpu.memref_squeeze %dma_start3A_20 : memref<1x80xi32, #tpu.memory_space<vmem>> -> memref<80xi32, #tpu.memory_space<vmem>>
    %dma_start3A_22 = arith.constant 0 : i32
    %dma_start3A_23 = arith.constant 0 : i32
    %dma_start3A_24 = tpu.memref_slice %arg2[%dma_start3A_22, %dma_start3A_23] : memref<10000x128xf32, #tpu.memory_space<hbm>> -> memref<10000x128xf32, #tpu.memory_space<hbm>>
    tpu.enqueue_indirect_dma source(%dma_start3A_24 : memref<10000x128xf32, #tpu.memory_space<hbm>>) target(%arg9 : memref<80x128xf32, #tpu.memory_space<vmem>>) offsets(%dma_start3A_21 : memref<80xi32, #tpu.memory_space<vmem>>) semaphore(%arg12 : memref<!tpu.dma_semaphore, #tpu.memory_space<semaphore_mem>>)
    %dma_wait3A = arith.constant 0 : i32
    %dma_wait3A_25 = arith.constant 0 : i32
    %dma_wait3A_26 = tpu.memref_slice %arg6[%dma_wait3A, %dma_wait3A_25] : memref<125x80xi32, #tpu.memory_space<vmem>> -> memref<1x80xi32, #tpu.memory_space<vmem>>
    %dma_wait3A_27 = tpu.memref_squeeze %dma_wait3A_26 : memref<1x80xi32, #tpu.memory_space<vmem>> -> memref<80xi32, #tpu.memory_space<vmem>>
    %dma_wait3A_28 = arith.constant 0 : i32
    %dma_wait3A_29 = arith.constant 0 : i32
    %dma_wait3A_30 = tpu.memref_slice %arg2[%dma_wait3A_28, %dma_wait3A_29] : memref<10000x128xf32, #tpu.memory_space<hbm>> -> memref<10000x128xf32, #tpu.memory_space<hbm>>
    tpu.wait_indirect_dma semaphore(%arg11 : memref<!tpu.dma_semaphore, #tpu.memory_space<semaphore_mem>>) src(%dma_wait3A_30 : memref<10000x128xf32, #tpu.memory_space<hbm>>) dst(%arg8 : memref<80x128xf32, #tpu.memory_space<vmem>>)
    %dma_start3A_31 = arith.constant 0 : i32
    %dma_start3A_32 = arith.constant 0 : i32
    %dma_start3A_33 = tpu.memref_slice %arg7[%dma_start3A_31, %dma_start3A_32] : memref<125x80xi32, #tpu.memory_space<vmem>> -> memref<1x80xi32, #tpu.memory_space<vmem>>
    %dma_start3A_34 = tpu.memref_squeeze %dma_start3A_33 : memref<1x80xi32, #tpu.memory_space<vmem>> -> memref<80xi32, #tpu.memory_space<vmem>>
    %dma_start3A_35 = arith.constant 0 : i32
    %dma_start3A_36 = arith.constant 0 : i32
    %dma_start3A_37 = tpu.memref_slice %arg10[%dma_start3A_35, %dma_start3A_36] : memref<10240x128xf32, #tpu.memory_space<vmem_shared>> -> memref<10240x128xf32, #tpu.memory_space<vmem_shared>>
    tpu.enqueue_indirect_dma source(%arg8 : memref<80x128xf32, #tpu.memory_space<vmem>>) target(%dma_start3A_37 : memref<10240x128xf32, #tpu.memory_space<vmem_shared>>) offsets(%dma_start3A_34 : memref<80xi32, #tpu.memory_space<vmem>>) semaphore(%arg13 : memref<!tpu.dma_semaphore, #tpu.memory_space<semaphore_mem>>) {add = true}
    %scan3A_38 = arith.constant 0 : i32
    %scan3A_39 = arith.constant 61 : i32
    %scan3A_40 = arith.addi %scan3A_38, %scan3A_39 : i32
    %scan3A_41 = arith.constant 1 : i32
    scf.for %scan3A_100 = %scan3A_38 to %scan3A_40 step %scan3A_41  : i32 {
      %mul3A_101 = arith.constant 2 : i32
      %mul3A_102 = arith.muli %scan3A_100, %mul3A_101 : i32
      %add3A_103 = arith.constant 1 : i32
      %add3A_104 = arith.addi %add3A_103, %mul3A_102 : i32
      %sub3A = arith.constant 1 : i32
      %sub3A_105 = arith.subi %add3A_104, %sub3A : i32
      %dma_wait3A_106 = arith.constant 0 : i32
      %dma_wait3A_107 = tpu.memref_slice %arg7[%sub3A_105, %dma_wait3A_106] : memref<125x80xi32, #tpu.memory_space<vmem>> -> memref<1x80xi32, #tpu.memory_space<vmem>>
      %dma_wait3A_108 = tpu.memref_squeeze %dma_wait3A_107 : memref<1x80xi32, #tpu.memory_space<vmem>> -> memref<80xi32, #tpu.memory_space<vmem>>
      %dma_wait3A_109 = arith.constant 0 : i32
      %dma_wait3A_110 = arith.constant 0 : i32
      %dma_wait3A_111 = tpu.memref_slice %arg10[%dma_wait3A_109, %dma_wait3A_110] : memref<10240x128xf32, #tpu.memory_space<vmem_shared>> -> memref<10240x128xf32, #tpu.memory_space<vmem_shared>>
      tpu.wait_indirect_dma semaphore(%arg13 : memref<!tpu.dma_semaphore, #tpu.memory_space<semaphore_mem>>) src(%arg8 : memref<80x128xf32, #tpu.memory_space<vmem>>) dst(%dma_wait3A_111 : memref<10240x128xf32, #tpu.memory_space<vmem_shared>>)
      %add3A_112 = arith.constant 1 : i32
      %add3A_113 = arith.addi %add3A_104, %add3A_112 : i32
      %dma_start3A_114 = arith.constant 0 : i32
      %dma_start3A_115 = tpu.memref_slice %arg6[%add3A_113, %dma_start3A_114] : memref<125x80xi32, #tpu.memory_space<vmem>> -> memref<1x80xi32, #tpu.memory_space<vmem>>
      %dma_start3A_116 = tpu.memref_squeeze %dma_start3A_115 : memref<1x80xi32, #tpu.memory_space<vmem>> -> memref<80xi32, #tpu.memory_space<vmem>>
      %dma_start3A_117 = arith.constant 0 : i32
      %dma_start3A_118 = arith.constant 0 : i32
      %dma_start3A_119 = tpu.memref_slice %arg2[%dma_start3A_117, %dma_start3A_118] : memref<10000x128xf32, #tpu.memory_space<hbm>> -> memref<10000x128xf32, #tpu.memory_space<hbm>>
      tpu.enqueue_indirect_dma source(%dma_start3A_119 : memref<10000x128xf32, #tpu.memory_space<hbm>>) target(%arg8 : memref<80x128xf32, #tpu.memory_space<vmem>>) offsets(%dma_start3A_116 : memref<80xi32, #tpu.memory_space<vmem>>) semaphore(%arg11 : memref<!tpu.dma_semaphore, #tpu.memory_space<semaphore_mem>>)
      %dma_wait3A_120 = arith.constant 0 : i32
      %dma_wait3A_121 = tpu.memref_slice %arg6[%add3A_104, %dma_wait3A_120] : memref<125x80xi32, #tpu.memory_space<vmem>> -> memref<1x80xi32, #tpu.memory_space<vmem>>
      %dma_wait3A_122 = tpu.memref_squeeze %dma_wait3A_121 : memref<1x80xi32, #tpu.memory_space<vmem>> -> memref<80xi32, #tpu.memory_space<vmem>>
      %dma_wait3A_123 = arith.constant 0 : i32
      %dma_wait3A_124 = arith.constant 0 : i32
      %dma_wait3A_125 = tpu.memref_slice %arg2[%dma_wait3A_123, %dma_wait3A_124] : memref<10000x128xf32, #tpu.memory_space<hbm>> -> memref<10000x128xf32, #tpu.memory_space<hbm>>
      tpu.wait_indirect_dma semaphore(%arg12 : memref<!tpu.dma_semaphore, #tpu.memory_space<semaphore_mem>>) src(%dma_wait3A_125 : memref<10000x128xf32, #tpu.memory_space<hbm>>) dst(%arg9 : memref<80x128xf32, #tpu.memory_space<vmem>>)
      %dma_start3A_126 = arith.constant 0 : i32
      %dma_start3A_127 = tpu.memref_slice %arg7[%add3A_104, %dma_start3A_126] : memref<125x80xi32, #tpu.memory_space<vmem>> -> memref<1x80xi32, #tpu.memory_space<vmem>>
      %dma_start3A_128 = tpu.memref_squeeze %dma_start3A_127 : memref<1x80xi32, #tpu.memory_space<vmem>> -> memref<80xi32, #tpu.memory_space<vmem>>
      %dma_start3A_129 = arith.constant 0 : i32
      %dma_start3A_130 = arith.constant 0 : i32
      %dma_start3A_131 = tpu.memref_slice %arg10[%dma_start3A_129, %dma_start3A_130] : memref<10240x128xf32, #tpu.memory_space<vmem_shared>> -> memref<10240x128xf32, #tpu.memory_space<vmem_shared>>
      tpu.enqueue_indirect_dma source(%arg9 : memref<80x128xf32, #tpu.memory_space<vmem>>) target(%dma_start3A_131 : memref<10240x128xf32, #tpu.memory_space<vmem_shared>>) offsets(%dma_start3A_128 : memref<80xi32, #tpu.memory_space<vmem>>) semaphore(%arg14 : memref<!tpu.dma_semaphore, #tpu.memory_space<semaphore_mem>>) {add = true}
      %dma_wait3A_132 = arith.constant 0 : i32
      %dma_wait3A_133 = tpu.memref_slice %arg7[%add3A_104, %dma_wait3A_132] : memref<125x80xi32, #tpu.memory_space<vmem>> -> memref<1x80xi32, #tpu.memory_space<vmem>>
      %dma_wait3A_134 = tpu.memref_squeeze %dma_wait3A_133 : memref<1x80xi32, #tpu.memory_space<vmem>> -> memref<80xi32, #tpu.memory_space<vmem>>
      %dma_wait3A_135 = arith.constant 0 : i32
      %dma_wait3A_136 = arith.constant 0 : i32
      %dma_wait3A_137 = tpu.memref_slice %arg10[%dma_wait3A_135, %dma_wait3A_136] : memref<10240x128xf32, #tpu.memory_space<vmem_shared>> -> memref<10240x128xf32, #tpu.memory_space<vmem_shared>>
      tpu.wait_indirect_dma semaphore(%arg14 : memref<!tpu.dma_semaphore, #tpu.memory_space<semaphore_mem>>) src(%arg9 : memref<80x128xf32, #tpu.memory_space<vmem>>) dst(%dma_wait3A_137 : memref<10240x128xf32, #tpu.memory_space<vmem_shared>>)
      %add3A_138 = arith.constant 2 : i32
      %add3A_139 = arith.addi %add3A_104, %add3A_138 : i32
      %dma_start3A_140 = arith.constant 0 : i32
      %dma_start3A_141 = tpu.memref_slice %arg6[%add3A_139, %dma_start3A_140] : memref<125x80xi32, #tpu.memory_space<vmem>> -> memref<1x80xi32, #tpu.memory_space<vmem>>
      %dma_start3A_142 = tpu.memref_squeeze %dma_start3A_141 : memref<1x80xi32, #tpu.memory_space<vmem>> -> memref<80xi32, #tpu.memory_space<vmem>>
      %dma_start3A_143 = arith.constant 0 : i32
      %dma_start3A_144 = arith.constant 0 : i32
      %dma_start3A_145 = tpu.memref_slice %arg2[%dma_start3A_143, %dma_start3A_144] : memref<10000x128xf32, #tpu.memory_space<hbm>> -> memref<10000x128xf32, #tpu.memory_space<hbm>>
      tpu.enqueue_indirect_dma source(%dma_start3A_145 : memref<10000x128xf32, #tpu.memory_space<hbm>>) target(%arg9 : memref<80x128xf32, #tpu.memory_space<vmem>>) offsets(%dma_start3A_142 : memref<80xi32, #tpu.memory_space<vmem>>) semaphore(%arg12 : memref<!tpu.dma_semaphore, #tpu.memory_space<semaphore_mem>>)
      %add3A_146 = arith.constant 1 : i32
      %add3A_147 = arith.addi %add3A_104, %add3A_146 : i32
      %dma_wait3A_148 = arith.constant 0 : i32
      %dma_wait3A_149 = tpu.memref_slice %arg6[%add3A_147, %dma_wait3A_148] : memref<125x80xi32, #tpu.memory_space<vmem>> -> memref<1x80xi32, #tpu.memory_space<vmem>>
      %dma_wait3A_150 = tpu.memref_squeeze %dma_wait3A_149 : memref<1x80xi32, #tpu.memory_space<vmem>> -> memref<80xi32, #tpu.memory_space<vmem>>
      %dma_wait3A_151 = arith.constant 0 : i32
      %dma_wait3A_152 = arith.constant 0 : i32
      %dma_wait3A_153 = tpu.memref_slice %arg2[%dma_wait3A_151, %dma_wait3A_152] : memref<10000x128xf32, #tpu.memory_space<hbm>> -> memref<10000x128xf32, #tpu.memory_space<hbm>>
      tpu.wait_indirect_dma semaphore(%arg11 : memref<!tpu.dma_semaphore, #tpu.memory_space<semaphore_mem>>) src(%dma_wait3A_153 : memref<10000x128xf32, #tpu.memory_space<hbm>>) dst(%arg8 : memref<80x128xf32, #tpu.memory_space<vmem>>)
      %add3A_154 = arith.constant 1 : i32
      %add3A_155 = arith.addi %add3A_104, %add3A_154 : i32
      %dma_start3A_156 = arith.constant 0 : i32
      %dma_start3A_157 = tpu.memref_slice %arg7[%add3A_155, %dma_start3A_156] : memref<125x80xi32, #tpu.memory_space<vmem>> -> memref<1x80xi32, #tpu.memory_space<vmem>>
      %dma_start3A_158 = tpu.memref_squeeze %dma_start3A_157 : memref<1x80xi32, #tpu.memory_space<vmem>> -> memref<80xi32, #tpu.memory_space<vmem>>
      %dma_start3A_159 = arith.constant 0 : i32
      %dma_start3A_160 = arith.constant 0 : i32
      %dma_start3A_161 = tpu.memref_slice %arg10[%dma_start3A_159, %dma_start3A_160] : memref<10240x128xf32, #tpu.memory_space<vmem_shared>> -> memref<10240x128xf32, #tpu.memory_space<vmem_shared>>
      tpu.enqueue_indirect_dma source(%arg8 : memref<80x128xf32, #tpu.memory_space<vmem>>) target(%dma_start3A_161 : memref<10240x128xf32, #tpu.memory_space<vmem_shared>>) offsets(%dma_start3A_158 : memref<80xi32, #tpu.memory_space<vmem>>) semaphore(%arg13 : memref<!tpu.dma_semaphore, #tpu.memory_space<semaphore_mem>>) {add = true}
    }
    %scan3A_42 = arith.constant 61 : i32
    %dma_wait3A_43 = arith.constant 123 : i32
    %dma_wait3A_44 = arith.constant 0 : i32
    %dma_wait3A_45 = tpu.memref_slice %arg6[%dma_wait3A_43, %dma_wait3A_44] : memref<125x80xi32, #tpu.memory_space<vmem>> -> memref<1x80xi32, #tpu.memory_space<vmem>>
    %dma_wait3A_46 = tpu.memref_squeeze %dma_wait3A_45 : memref<1x80xi32, #tpu.memory_space<vmem>> -> memref<80xi32, #tpu.memory_space<vmem>>
    %dma_wait3A_47 = arith.constant 0 : i32
    %dma_wait3A_48 = arith.constant 0 : i32
    %dma_wait3A_49 = tpu.memref_slice %arg2[%dma_wait3A_47, %dma_wait3A_48] : memref<10000x128xf32, #tpu.memory_space<hbm>> -> memref<10000x128xf32, #tpu.memory_space<hbm>>
    tpu.wait_indirect_dma semaphore(%arg12 : memref<!tpu.dma_semaphore, #tpu.memory_space<semaphore_mem>>) src(%dma_wait3A_49 : memref<10000x128xf32, #tpu.memory_space<hbm>>) dst(%arg9 : memref<80x128xf32, #tpu.memory_space<vmem>>)
    %dma_start3A_50 = arith.constant 123 : i32
    %dma_start3A_51 = arith.constant 0 : i32
    %dma_start3A_52 = tpu.memref_slice %arg7[%dma_start3A_50, %dma_start3A_51] : memref<125x80xi32, #tpu.memory_space<vmem>> -> memref<1x80xi32, #tpu.memory_space<vmem>>
    %dma_start3A_53 = tpu.memref_squeeze %dma_start3A_52 : memref<1x80xi32, #tpu.memory_space<vmem>> -> memref<80xi32, #tpu.memory_space<vmem>>
    %dma_start3A_54 = arith.constant 0 : i32
    %dma_start3A_55 = arith.constant 0 : i32
    %dma_start3A_56 = tpu.memref_slice %arg10[%dma_start3A_54, %dma_start3A_55] : memref<10240x128xf32, #tpu.memory_space<vmem_shared>> -> memref<10240x128xf32, #tpu.memory_space<vmem_shared>>
    tpu.enqueue_indirect_dma source(%arg9 : memref<80x128xf32, #tpu.memory_space<vmem>>) target(%dma_start3A_56 : memref<10240x128xf32, #tpu.memory_space<vmem_shared>>) offsets(%dma_start3A_53 : memref<80xi32, #tpu.memory_space<vmem>>) semaphore(%arg14 : memref<!tpu.dma_semaphore, #tpu.memory_space<semaphore_mem>>) {add = true}
    %dma_wait3A_57 = arith.constant 122 : i32
    %dma_wait3A_58 = arith.constant 0 : i32
    %dma_wait3A_59 = tpu.memref_slice %arg7[%dma_wait3A_57, %dma_wait3A_58] : memref<125x80xi32, #tpu.memory_space<vmem>> -> memref<1x80xi32, #tpu.memory_space<vmem>>
    %dma_wait3A_60 = tpu.memref_squeeze %dma_wait3A_59 : memref<1x80xi32, #tpu.memory_space<vmem>> -> memref<80xi32, #tpu.memory_space<vmem>>
    %dma_wait3A_61 = arith.constant 0 : i32
    %dma_wait3A_62 = arith.constant 0 : i32
    %dma_wait3A_63 = tpu.memref_slice %arg10[%dma_wait3A_61, %dma_wait3A_62] : memref<10240x128xf32, #tpu.memory_space<vmem_shared>> -> memref<10240x128xf32, #tpu.memory_space<vmem_shared>>
    tpu.wait_indirect_dma semaphore(%arg13 : memref<!tpu.dma_semaphore, #tpu.memory_space<semaphore_mem>>) src(%arg8 : memref<80x128xf32, #tpu.memory_space<vmem>>) dst(%dma_wait3A_63 : memref<10240x128xf32, #tpu.memory_space<vmem_shared>>)
    %dma_start3A_64 = arith.constant 124 : i32
    %dma_start3A_65 = arith.constant 0 : i32
    %dma_start3A_66 = tpu.memref_slice %arg6[%dma_start3A_64, %dma_start3A_65] : memref<125x80xi32, #tpu.memory_space<vmem>> -> memref<1x80xi32, #tpu.memory_space<vmem>>
    %dma_start3A_67 = tpu.memref_squeeze %dma_start3A_66 : memref<1x80xi32, #tpu.memory_space<vmem>> -> memref<80xi32, #tpu.memory_space<vmem>>
    %dma_start3A_68 = arith.constant 0 : i32
    %dma_start3A_69 = arith.constant 0 : i32
    %dma_start3A_70 = tpu.memref_slice %arg2[%dma_start3A_68, %dma_start3A_69] : memref<10000x128xf32, #tpu.memory_space<hbm>> -> memref<10000x128xf32, #tpu.memory_space<hbm>>
    tpu.enqueue_indirect_dma source(%dma_start3A_70 : memref<10000x128xf32, #tpu.memory_space<hbm>>) target(%arg8 : memref<80x128xf32, #tpu.memory_space<vmem>>) offsets(%dma_start3A_67 : memref<80xi32, #tpu.memory_space<vmem>>) semaphore(%arg11 : memref<!tpu.dma_semaphore, #tpu.memory_space<semaphore_mem>>)
    %dma_wait3A_71 = arith.constant 124 : i32
    %dma_wait3A_72 = arith.constant 0 : i32
    %dma_wait3A_73 = tpu.memref_slice %arg6[%dma_wait3A_71, %dma_wait3A_72] : memref<125x80xi32, #tpu.memory_space<vmem>> -> memref<1x80xi32, #tpu.memory_space<vmem>>
    %dma_wait3A_74 = tpu.memref_squeeze %dma_wait3A_73 : memref<1x80xi32, #tpu.memory_space<vmem>> -> memref<80xi32, #tpu.memory_space<vmem>>
    %dma_wait3A_75 = arith.constant 0 : i32
    %dma_wait3A_76 = arith.constant 0 : i32
    %dma_wait3A_77 = tpu.memref_slice %arg2[%dma_wait3A_75, %dma_wait3A_76] : memref<10000x128xf32, #tpu.memory_space<hbm>> -> memref<10000x128xf32, #tpu.memory_space<hbm>>
    tpu.wait_indirect_dma semaphore(%arg11 : memref<!tpu.dma_semaphore, #tpu.memory_space<semaphore_mem>>) src(%dma_wait3A_77 : memref<10000x128xf32, #tpu.memory_space<hbm>>) dst(%arg8 : memref<80x128xf32, #tpu.memory_space<vmem>>)
    %dma_start3A_78 = arith.constant 124 : i32
    %dma_start3A_79 = arith.constant 0 : i32
    %dma_start3A_80 = tpu.memref_slice %arg7[%dma_start3A_78, %dma_start3A_79] : memref<125x80xi32, #tpu.memory_space<vmem>> -> memref<1x80xi32, #tpu.memory_space<vmem>>
    %dma_start3A_81 = tpu.memref_squeeze %dma_start3A_80 : memref<1x80xi32, #tpu.memory_space<vmem>> -> memref<80xi32, #tpu.memory_space<vmem>>
    %dma_start3A_82 = arith.constant 0 : i32
    %dma_start3A_83 = arith.constant 0 : i32
    %dma_start3A_84 = tpu.memref_slice %arg10[%dma_start3A_82, %dma_start3A_83] : memref<10240x128xf32, #tpu.memory_space<vmem_shared>> -> memref<10240x128xf32, #tpu.memory_space<vmem_shared>>
    tpu.enqueue_indirect_dma source(%arg8 : memref<80x128xf32, #tpu.memory_space<vmem>>) target(%dma_start3A_84 : memref<10240x128xf32, #tpu.memory_space<vmem_shared>>) offsets(%dma_start3A_81 : memref<80xi32, #tpu.memory_space<vmem>>) semaphore(%arg13 : memref<!tpu.dma_semaphore, #tpu.memory_space<semaphore_mem>>) {add = true}
    %dma_wait3A_85 = arith.constant 123 : i32
    %dma_wait3A_86 = arith.constant 0 : i32
    %dma_wait3A_87 = tpu.memref_slice %arg7[%dma_wait3A_85, %dma_wait3A_86] : memref<125x80xi32, #tpu.memory_space<vmem>> -> memref<1x80xi32, #tpu.memory_space<vmem>>
    %dma_wait3A_88 = tpu.memref_squeeze %dma_wait3A_87 : memref<1x80xi32, #tpu.memory_space<vmem>> -> memref<80xi32, #tpu.memory_space<vmem>>
    %dma_wait3A_89 = arith.constant 0 : i32
    %dma_wait3A_90 = arith.constant 0 : i32
    %dma_wait3A_91 = tpu.memref_slice %arg10[%dma_wait3A_89, %dma_wait3A_90] : memref<10240x128xf32, #tpu.memory_space<vmem_shared>> -> memref<10240x128xf32, #tpu.memory_space<vmem_shared>>
    tpu.wait_indirect_dma semaphore(%arg14 : memref<!tpu.dma_semaphore, #tpu.memory_space<semaphore_mem>>) src(%arg9 : memref<80x128xf32, #tpu.memory_space<vmem>>) dst(%dma_wait3A_91 : memref<10240x128xf32, #tpu.memory_space<vmem_shared>>)
    %dma_wait3A_92 = arith.constant 124 : i32
    %dma_wait3A_93 = arith.constant 0 : i32
    %dma_wait3A_94 = tpu.memref_slice %arg7[%dma_wait3A_92, %dma_wait3A_93] : memref<125x80xi32, #tpu.memory_space<vmem>> -> memref<1x80xi32, #tpu.memory_space<vmem>>
    %dma_wait3A_95 = tpu.memref_squeeze %dma_wait3A_94 : memref<1x80xi32, #tpu.memory_space<vmem>> -> memref<80xi32, #tpu.memory_space<vmem>>
    %dma_wait3A_96 = arith.constant 0 : i32
    %dma_wait3A_97 = arith.constant 0 : i32
    %dma_wait3A_98 = tpu.memref_slice %arg10[%dma_wait3A_96, %dma_wait3A_97] : memref<10240x128xf32, #tpu.memory_space<vmem_shared>> -> memref<10240x128xf32, #tpu.memory_space<vmem_shared>>
    tpu.wait_indirect_dma semaphore(%arg13 : memref<!tpu.dma_semaphore, #tpu.memory_space<semaphore_mem>>) src(%arg8 : memref<80x128xf32, #tpu.memory_space<vmem>>) dst(%dma_wait3A_98 : memref<10240x128xf32, #tpu.memory_space<vmem_shared>>)
    %barrier3A_99 = arith.constant 0 : index
    tpu.barrier barrier_id(%barrier3A_99)
    "tpu.region"() ({
      %run_scoped3A = tpu.sem_alloc : memref<!tpu.dma_semaphore, #tpu.memory_space<semaphore_mem>>
      %dma_start3A_100 = arith.constant 0 : i32
      %dma_start3A_101 = tpu.memref_slice %arg5[%arg0, %mul3A_2, %dma_start3A_100] : memref<2x10240x128xf32, #tpu.memory_space<hbm>> -> memref<1x640x128xf32, #tpu.memory_space<hbm>>
      %dma_start3A_102 = tpu.memref_squeeze %dma_start3A_101 : memref<1x640x128xf32, #tpu.memory_space<hbm>> -> memref<640x128xf32, #tpu.memory_space<hbm>>
      %dma_start3A_103 = arith.constant 0 : i32
      %dma_start3A_104 = tpu.memref_slice %arg10[%mul3A_2, %dma_start3A_103] : memref<10240x128xf32, #tpu.memory_space<vmem_shared>> -> memref<640x128xf32, #tpu.memory_space<vmem_shared>>
      tpu.enqueue_dma source(%dma_start3A_104 : memref<640x128xf32, #tpu.memory_space<vmem_shared>>) target(%dma_start3A_102 : memref<640x128xf32, #tpu.memory_space<hbm>>) target_semaphore(%run_scoped3A : memref<!tpu.dma_semaphore, #tpu.memory_space<semaphore_mem>>)
      %dma_wait3A_105 = arith.constant 0 : i32
      %dma_wait3A_106 = tpu.memref_slice %arg5[%arg0, %mul3A_2, %dma_wait3A_105] : memref<2x10240x128xf32, #tpu.memory_space<hbm>> -> memref<1x640x128xf32, #tpu.memory_space<hbm>>
      %dma_wait3A_107 = tpu.memref_squeeze %dma_wait3A_106 : memref<1x640x128xf32, #tpu.memory_space<hbm>> -> memref<640x128xf32, #tpu.memory_space<hbm>>
      %dma_wait3A_108 = arith.constant 0 : i32
      %dma_wait3A_109 = tpu.memref_slice %arg10[%mul3A_2, %dma_wait3A_108] : memref<10240x128xf32, #tpu.memory_space<vmem_shared>> -> memref<640x128xf32, #tpu.memory_space<vmem_shared>>
      tpu.wait_dma2 semaphore(%run_scoped3A : memref<!tpu.dma_semaphore, #tpu.memory_space<semaphore_mem>>) src(%dma_wait3A_109 : memref<640x128xf32, #tpu.memory_space<vmem_shared>>) dst(%dma_wait3A_107 : memref<640x128xf32, #tpu.memory_space<hbm>>)
      tpu.yield
    }) : () -> ()
    return
  }
}

#map = affine_map<(d0, d1) -> (0, 0, 0)>
module attributes {stable_mosaic.version = 14 : i64} {
  func.func @k(%arg0: i32, %arg1: i32, %arg2: memref<32x125x80xi32, #tpu.memory_space<hbm>>, %arg3: memref<2x10240x16xf32, #tpu.memory_space<hbm>>, %arg4: memref<125x80xi32, #tpu.memory_space<vmem>>, %arg5: memref<80x16xf32, #tpu.memory_space<vmem>>, %arg6: memref<80x16xf32, #tpu.memory_space<vmem>>, %arg7: memref<10240x16xf32, #tpu.memory_space<vmem_shared>>) attributes {dimension_semantics = [#tpu.dimension_semantics<core_parallel>, #tpu.dimension_semantics<subcore_parallel>], iteration_bounds = array<i64: 2, 16>, scalar_prefetch = 0 : i64, scratch_operands = 4 : i64, tpu.core_type = #tpu.core_type<sc_vector_subcore>, window_params = [{transform_indices = #map}, {transform_indices = #map}]} {
    %mul3A = arith.constant 16 : i32
    %mul3A_0 = arith.muli %arg0, %mul3A : i32
    %add3A = arith.addi %mul3A_0, %arg1 : i32
    %mul3A_1 = arith.constant 640 : i32
    %mul3A_2 = arith.muli %arg1, %mul3A_1 : i32
    %scan3A = arith.constant 0 : i32
    %scan3A_3 = arith.constant 80 : i32
    %scan3A_4 = arith.addi %scan3A, %scan3A_3 : i32
    %scan3A_5 = arith.constant 1 : i32
    scf.for %scan3A_18 = %scan3A to %scan3A_4 step %scan3A_5  : i32 {
      %mul3A_19 = arith.constant 1 : i32
      %mul3A_20 = arith.muli %scan3A_18, %mul3A_19 : i32
      %add3A_21 = arith.constant 0 : i32
      %add3A_22 = arith.addi %add3A_21, %mul3A_20 : i32
      %broadcast_in_dim3A = arith.constant 0.000000e+00 : f32
      %broadcast_in_dim3A_23 = vector.broadcast %broadcast_in_dim3A : f32 to vector<16xf32>
      %swap3A = arith.index_cast %add3A_22 : i32 to index
      %swap3A_24 = arith.constant 0 : index
      %swap3A_25 = tpu.vector_load %arg5[%swap3A, %swap3A_24] {strides = array<i32>} : memref<80x16xf32, #tpu.memory_space<vmem>>, vector<1x16xf32>,
      %swap3A_26 = vector.shape_cast %swap3A_25 : vector<1x16xf32> to vector<16xf32>
      %swap3A_27 = vector.shape_cast %broadcast_in_dim3A_23 : vector<16xf32> to vector<1x16xf32>
      tpu.vector_store %arg5[%swap3A, %swap3A_24], %swap3A_27 {strides = array<i32>} : memref<80x16xf32, #tpu.memory_space<vmem>>, vector<1x16xf32>,
      %broadcast_in_dim3A_28 = arith.constant 1.000000e+00 : f32
      %broadcast_in_dim3A_29 = vector.broadcast %broadcast_in_dim3A_28 : f32 to vector<16xf32>
      %swap3A_30 = arith.index_cast %add3A_22 : i32 to index
      %swap3A_31 = arith.constant 0 : index
      %swap3A_32 = tpu.vector_load %arg6[%swap3A_30, %swap3A_31] {strides = array<i32>} : memref<80x16xf32, #tpu.memory_space<vmem>>, vector<1x16xf32>,
      %swap3A_33 = vector.shape_cast %swap3A_32 : vector<1x16xf32> to vector<16xf32>
      %swap3A_34 = vector.shape_cast %broadcast_in_dim3A_29 : vector<16xf32> to vector<1x16xf32>
      tpu.vector_store %arg6[%swap3A_30, %swap3A_31], %swap3A_34 {strides = array<i32>} : memref<80x16xf32, #tpu.memory_space<vmem>>, vector<1x16xf32>,
    }
    %scan3A_6 = arith.constant 80 : i32
    %scan3A_7 = arith.constant 0 : i32
    %scan3A_8 = arith.constant 8 : i32
    %scan3A_9 = arith.addi %scan3A_7, %scan3A_8 : i32
    %scan3A_10 = arith.constant 1 : i32
    scf.for %scan3A_18 = %scan3A_7 to %scan3A_9 step %scan3A_10  : i32 {
      %mul3A_19 = arith.constant 1 : i32
      %mul3A_20 = arith.muli %scan3A_18, %mul3A_19 : i32
      %add3A_21 = arith.constant 0 : i32
      %add3A_22 = arith.addi %add3A_21, %mul3A_20 : i32
      %mul3A_23 = arith.constant 80 : i32
      %mul3A_24 = arith.muli %add3A_22, %mul3A_23 : i32
      %add3A_25 = arith.addi %mul3A_2, %mul3A_24 : i32
      "tpu.region"() ({
        %run_scoped3A = tpu.sem_alloc : memref<!tpu.dma_semaphore, #tpu.memory_space<semaphore_mem>>
        %dma_start3A = arith.constant 0 : i32
        %dma_start3A_26 = tpu.memref_slice %arg7[%add3A_25, %dma_start3A] : memref<10240x16xf32, #tpu.memory_space<vmem_shared>> -> memref<80x16xf32, #tpu.memory_space<vmem_shared>>
        %dma_start3A_27 = arith.constant 0 : i32
        %dma_start3A_28 = tpu.memref_slice %arg7[%add3A_25, %dma_start3A_27] : memref<10240x16xf32, #tpu.memory_space<vmem_shared>> -> memref<80x16xf32, #tpu.memory_space<vmem_shared>>
        tpu.enqueue_dma source(%arg5 : memref<80x16xf32, #tpu.memory_space<vmem>>) target(%dma_start3A_28 : memref<80x16xf32, #tpu.memory_space<vmem_shared>>) target_semaphore(%run_scoped3A : memref<!tpu.dma_semaphore, #tpu.memory_space<semaphore_mem>>)
        %dma_wait3A = arith.constant 0 : i32
        %dma_wait3A_29 = tpu.memref_slice %arg7[%add3A_25, %dma_wait3A] : memref<10240x16xf32, #tpu.memory_space<vmem_shared>> -> memref<80x16xf32, #tpu.memory_space<vmem_shared>>
        %dma_wait3A_30 = arith.constant 0 : i32
        %dma_wait3A_31 = tpu.memref_slice %arg7[%add3A_25, %dma_wait3A_30] : memref<10240x16xf32, #tpu.memory_space<vmem_shared>> -> memref<80x16xf32, #tpu.memory_space<vmem_shared>>
        tpu.wait_dma2 semaphore(%run_scoped3A : memref<!tpu.dma_semaphore, #tpu.memory_space<semaphore_mem>>) src(%arg5 : memref<80x16xf32, #tpu.memory_space<vmem>>) dst(%dma_wait3A_31 : memref<80x16xf32, #tpu.memory_space<vmem_shared>>)
        tpu.yield
      }) : () -> ()
    }
    %scan3A_11 = arith.constant 8 : i32
    "tpu.region"() ({
      %run_scoped3A = tpu.sem_alloc : memref<!tpu.dma_semaphore, #tpu.memory_space<semaphore_mem>>
      %dma_start3A = arith.constant 0 : i32
      %dma_start3A_18 = arith.constant 0 : i32
      %dma_start3A_19 = tpu.memref_slice %arg2[%add3A, %dma_start3A, %dma_start3A_18] : memref<32x125x80xi32, #tpu.memory_space<hbm>> -> memref<1x125x80xi32, #tpu.memory_space<hbm>>
      %dma_start3A_20 = tpu.memref_squeeze %dma_start3A_19 : memref<1x125x80xi32, #tpu.memory_space<hbm>> -> memref<125x80xi32, #tpu.memory_space<hbm>>
      %dma_start3A_21 = arith.constant 0 : i32
      %dma_start3A_22 = arith.constant 0 : i32
      %dma_start3A_23 = tpu.memref_slice %arg2[%add3A, %dma_start3A_21, %dma_start3A_22] : memref<32x125x80xi32, #tpu.memory_space<hbm>> -> memref<1x125x80xi32, #tpu.memory_space<hbm>>
      %dma_start3A_24 = tpu.memref_squeeze %dma_start3A_23 : memref<1x125x80xi32, #tpu.memory_space<hbm>> -> memref<125x80xi32, #tpu.memory_space<hbm>>
      tpu.enqueue_dma source(%dma_start3A_24 : memref<125x80xi32, #tpu.memory_space<hbm>>) target(%arg4 : memref<125x80xi32, #tpu.memory_space<vmem>>) target_semaphore(%run_scoped3A : memref<!tpu.dma_semaphore, #tpu.memory_space<semaphore_mem>>)
      %dma_wait3A = arith.constant 0 : i32
      %dma_wait3A_25 = arith.constant 0 : i32
      %dma_wait3A_26 = tpu.memref_slice %arg2[%add3A, %dma_wait3A, %dma_wait3A_25] : memref<32x125x80xi32, #tpu.memory_space<hbm>> -> memref<1x125x80xi32, #tpu.memory_space<hbm>>
      %dma_wait3A_27 = tpu.memref_squeeze %dma_wait3A_26 : memref<1x125x80xi32, #tpu.memory_space<hbm>> -> memref<125x80xi32, #tpu.memory_space<hbm>>
      %dma_wait3A_28 = arith.constant 0 : i32
      %dma_wait3A_29 = arith.constant 0 : i32
      %dma_wait3A_30 = tpu.memref_slice %arg2[%add3A, %dma_wait3A_28, %dma_wait3A_29] : memref<32x125x80xi32, #tpu.memory_space<hbm>> -> memref<1x125x80xi32, #tpu.memory_space<hbm>>
      %dma_wait3A_31 = tpu.memref_squeeze %dma_wait3A_30 : memref<1x125x80xi32, #tpu.memory_space<hbm>> -> memref<125x80xi32, #tpu.memory_space<hbm>>
      tpu.wait_dma2 semaphore(%run_scoped3A : memref<!tpu.dma_semaphore, #tpu.memory_space<semaphore_mem>>) src(%dma_wait3A_31 : memref<125x80xi32, #tpu.memory_space<hbm>>) dst(%arg4 : memref<125x80xi32, #tpu.memory_space<vmem>>)
      tpu.yield
    }) : () -> ()
    %barrier3A = arith.constant 0 : index
    tpu.barrier barrier_id(%barrier3A)
    %scan3A_12 = arith.constant 0 : i32
    %scan3A_13 = arith.constant 125 : i32
    %scan3A_14 = arith.addi %scan3A_12, %scan3A_13 : i32
    %scan3A_15 = arith.constant 1 : i32
    scf.for %scan3A_18 = %scan3A_12 to %scan3A_14 step %scan3A_15  : i32 {
      %mul3A_19 = arith.constant 1 : i32
      %mul3A_20 = arith.muli %scan3A_18, %mul3A_19 : i32
      %add3A_21 = arith.constant 0 : i32
      %add3A_22 = arith.addi %add3A_21, %mul3A_20 : i32
      "tpu.region"() ({
        %run_scoped3A = tpu.sem_alloc : memref<!tpu.dma_semaphore, #tpu.memory_space<semaphore_mem>>
        %dma_start3A = arith.constant 0 : i32
        %dma_start3A_23 = tpu.memref_slice %arg4[%add3A_22, %dma_start3A] : memref<125x80xi32, #tpu.memory_space<vmem>> -> memref<1x80xi32, #tpu.memory_space<vmem>>
        %dma_start3A_24 = tpu.memref_squeeze %dma_start3A_23 : memref<1x80xi32, #tpu.memory_space<vmem>> -> memref<80xi32, #tpu.memory_space<vmem>>
        %dma_start3A_25 = arith.constant 0 : i32
        %dma_start3A_26 = arith.constant 0 : i32
        %dma_start3A_27 = tpu.memref_slice %arg7[%dma_start3A_25, %dma_start3A_26] : memref<10240x16xf32, #tpu.memory_space<vmem_shared>> -> memref<10240x16xf32, #tpu.memory_space<vmem_shared>>
        tpu.enqueue_indirect_dma source(%arg6 : memref<80x16xf32, #tpu.memory_space<vmem>>) target(%dma_start3A_27 : memref<10240x16xf32, #tpu.memory_space<vmem_shared>>) offsets(%dma_start3A_24 : memref<80xi32, #tpu.memory_space<vmem>>) semaphore(%run_scoped3A : memref<!tpu.dma_semaphore, #tpu.memory_space<semaphore_mem>>) {add = true}
        %dma_wait3A = arith.constant 0 : i32
        %dma_wait3A_28 = tpu.memref_slice %arg4[%add3A_22, %dma_wait3A] : memref<125x80xi32, #tpu.memory_space<vmem>> -> memref<1x80xi32, #tpu.memory_space<vmem>>
        %dma_wait3A_29 = tpu.memref_squeeze %dma_wait3A_28 : memref<1x80xi32, #tpu.memory_space<vmem>> -> memref<80xi32, #tpu.memory_space<vmem>>
        %dma_wait3A_30 = arith.constant 0 : i32
        %dma_wait3A_31 = arith.constant 0 : i32
        %dma_wait3A_32 = tpu.memref_slice %arg7[%dma_wait3A_30, %dma_wait3A_31] : memref<10240x16xf32, #tpu.memory_space<vmem_shared>> -> memref<10240x16xf32, #tpu.memory_space<vmem_shared>>
        tpu.wait_indirect_dma semaphore(%run_scoped3A : memref<!tpu.dma_semaphore, #tpu.memory_space<semaphore_mem>>) src(%arg6 : memref<80x16xf32, #tpu.memory_space<vmem>>) dst(%dma_wait3A_32 : memref<10240x16xf32, #tpu.memory_space<vmem_shared>>)
        tpu.yield
      }) : () -> ()
    }
    %scan3A_16 = arith.constant 125 : i32
    %barrier3A_17 = arith.constant 0 : index
    tpu.barrier barrier_id(%barrier3A_17)
    "tpu.region"() ({
      %run_scoped3A = tpu.sem_alloc : memref<!tpu.dma_semaphore, #tpu.memory_space<semaphore_mem>>
      %dma_start3A = arith.constant 0 : i32
      %dma_start3A_18 = tpu.memref_slice %arg3[%arg0, %mul3A_2, %dma_start3A] : memref<2x10240x16xf32, #tpu.memory_space<hbm>> -> memref<1x640x16xf32, #tpu.memory_space<hbm>>
      %dma_start3A_19 = tpu.memref_squeeze %dma_start3A_18 : memref<1x640x16xf32, #tpu.memory_space<hbm>> -> memref<640x16xf32, #tpu.memory_space<hbm>>
      %dma_start3A_20 = arith.constant 0 : i32
      %dma_start3A_21 = tpu.memref_slice %arg7[%mul3A_2, %dma_start3A_20] : memref<10240x16xf32, #tpu.memory_space<vmem_shared>> -> memref<640x16xf32, #tpu.memory_space<vmem_shared>>
      tpu.enqueue_dma source(%dma_start3A_21 : memref<640x16xf32, #tpu.memory_space<vmem_shared>>) target(%dma_start3A_19 : memref<640x16xf32, #tpu.memory_space<hbm>>) target_semaphore(%run_scoped3A : memref<!tpu.dma_semaphore, #tpu.memory_space<semaphore_mem>>)
      %dma_wait3A = arith.constant 0 : i32
      %dma_wait3A_22 = tpu.memref_slice %arg3[%arg0, %mul3A_2, %dma_wait3A] : memref<2x10240x16xf32, #tpu.memory_space<hbm>> -> memref<1x640x16xf32, #tpu.memory_space<hbm>>
      %dma_wait3A_23 = tpu.memref_squeeze %dma_wait3A_22 : memref<1x640x16xf32, #tpu.memory_space<hbm>> -> memref<640x16xf32, #tpu.memory_space<hbm>>
      %dma_wait3A_24 = arith.constant 0 : i32
      %dma_wait3A_25 = tpu.memref_slice %arg7[%mul3A_2, %dma_wait3A_24] : memref<10240x16xf32, #tpu.memory_space<vmem_shared>> -> memref<640x16xf32, #tpu.memory_space<vmem_shared>>
      tpu.wait_dma2 semaphore(%run_scoped3A : memref<!tpu.dma_semaphore, #tpu.memory_space<semaphore_mem>>) src(%dma_wait3A_25 : memref<640x16xf32, #tpu.memory_space<vmem_shared>>) dst(%dma_wait3A_23 : memref<640x16xf32, #tpu.memory_space<hbm>>)
      tpu.yield
    }) : () -> ()
    return
  }
}

#map = affine_map<(d0, d1) -> (0, 0)>
#map1 = affine_map<(d0, d1) -> (0, 0, 0)>
module attributes {stable_mosaic.version = 14 : i64} {
  func.func @k(%arg0: i32, %arg1: i32, %arg2: memref<10000x128xf32, #tpu.memory_space<hbm>>, %arg3: memref<32x125x80xi32, #tpu.memory_space<hbm>>, %arg4: memref<32x125x80xi32, #tpu.memory_space<hbm>>, %arg5: memref<2x10240x128xf32, #tpu.memory_space<hbm>>, %arg6: memref<125x80xi32, #tpu.memory_space<vmem>>, %arg7: memref<125x80xi32, #tpu.memory_space<vmem>>, %arg8: memref<80x128xf32, #tpu.memory_space<vmem>>, %arg9: memref<80x128xf32, #tpu.memory_space<vmem>>, %arg10: memref<10240x128xf32, #tpu.memory_space<vmem_shared>>, %arg11: memref<!tpu.dma_semaphore, #tpu.memory_space<semaphore_mem>>, %arg12: memref<!tpu.dma_semaphore, #tpu.memory_space<semaphore_mem>>, %arg13: memref<!tpu.dma_semaphore, #tpu.memory_space<semaphore_mem>>, %arg14: memref<!tpu.dma_semaphore, #tpu.memory_space<semaphore_mem>>) attributes {dimension_semantics = [#tpu.dimension_semantics<core_parallel>, #tpu.dimension_semantics<subcore_parallel>], iteration_bounds = array<i64: 2, 16>, scalar_prefetch = 0 : i64, scratch_operands = 9 : i64, tpu.core_type = #tpu.core_type<sc_vector_subcore>, window_params = [{transform_indices = #map}, {transform_indices = #map1}, {transform_indices = #map1}, {transform_indices = #map1}]} {
    %mul3A = arith.constant 16 : i32
    %mul3A_0 = arith.muli %arg0, %mul3A : i32
    %add3A = arith.addi %mul3A_0, %arg1 : i32
    %mul3A_1 = arith.constant 640 : i32
    %mul3A_2 = arith.muli %arg1, %mul3A_1 : i32
    %scan3A = arith.constant 0 : i32
    %scan3A_3 = arith.constant 80 : i32
    %scan3A_4 = arith.addi %scan3A, %scan3A_3 : i32
    %scan3A_5 = arith.constant 1 : i32
    scf.for %scan3A_100 = %scan3A to %scan3A_4 step %scan3A_5  : i32 {
      %mul3A_101 = arith.constant 1 : i32
      %mul3A_102 = arith.muli %scan3A_100, %mul3A_101 : i32
      %add3A_103 = arith.constant 0 : i32
      %add3A_104 = arith.addi %add3A_103, %mul3A_102 : i32
      %scan3A_105 = arith.constant 0 : i32
      %scan3A_106 = arith.constant 8 : i32
      %scan3A_107 = arith.addi %scan3A_105, %scan3A_106 : i32
      %scan3A_108 = arith.constant 1 : i32
      scf.for %scan3A_110 = %scan3A_105 to %scan3A_107 step %scan3A_108  : i32 {
        %mul3A_111 = arith.constant 1 : i32
        %mul3A_112 = arith.muli %scan3A_110, %mul3A_111 : i32
        %add3A_113 = arith.constant 0 : i32
        %add3A_114 = arith.addi %add3A_113, %mul3A_112 : i32
        %broadcast_in_dim3A = arith.constant 0.000000e+00 : f32
        %broadcast_in_dim3A_115 = vector.broadcast %broadcast_in_dim3A : f32 to vector<16xf32>
        %mul3A_116 = arith.constant 16 : i32
        %mul3A_117 = arith.muli %add3A_114, %mul3A_116 : i32
        %swap3A = arith.index_cast %add3A_104 : i32 to index
        %swap3A_118 = arith.index_cast %mul3A_117 : i32 to index
        %swap3A_119 = tpu.vector_load %arg8[%swap3A, %swap3A_118] {strides = array<i32>} : memref<80x128xf32, #tpu.memory_space<vmem>>, vector<1x16xf32>,
        %swap3A_120 = vector.shape_cast %swap3A_119 : vector<1x16xf32> to vector<16xf32>
        %swap3A_121 = vector.shape_cast %broadcast_in_dim3A_115 : vector<16xf32> to vector<1x16xf32>
        tpu.vector_store %arg8[%swap3A, %swap3A_118], %swap3A_121 {strides = array<i32>} : memref<80x128xf32, #tpu.memory_space<vmem>>, vector<1x16xf32>,
      }
      %scan3A_109 = arith.constant 8 : i32
    }
    %scan3A_6 = arith.constant 80 : i32
    %scan3A_7 = arith.constant 0 : i32
    %scan3A_8 = arith.constant 8 : i32
    %scan3A_9 = arith.addi %scan3A_7, %scan3A_8 : i32
    %scan3A_10 = arith.constant 1 : i32
    scf.for %scan3A_100 = %scan3A_7 to %scan3A_9 step %scan3A_10  : i32 {
      %mul3A_101 = arith.constant 1 : i32
      %mul3A_102 = arith.muli %scan3A_100, %mul3A_101 : i32
      %add3A_103 = arith.constant 0 : i32
      %add3A_104 = arith.addi %add3A_103, %mul3A_102 : i32
      %mul3A_105 = arith.constant 80 : i32
      %mul3A_106 = arith.muli %add3A_104, %mul3A_105 : i32
      %add3A_107 = arith.addi %mul3A_2, %mul3A_106 : i32
      "tpu.region"() ({
        %run_scoped3A = tpu.sem_alloc : memref<!tpu.dma_semaphore, #tpu.memory_space<semaphore_mem>>
        %dma_start3A_108 = arith.constant 0 : i32
        %dma_start3A_109 = tpu.memref_slice %arg10[%add3A_107, %dma_start3A_108] : memref<10240x128xf32, #tpu.memory_space<vmem_shared>> -> memref<80x128xf32, #tpu.memory_space<vmem_shared>>
        %dma_start3A_110 = arith.constant 0 : i32
        %dma_start3A_111 = tpu.memref_slice %arg10[%add3A_107, %dma_start3A_110] : memref<10240x128xf32, #tpu.memory_space<vmem_shared>> -> memref<80x128xf32, #tpu.memory_space<vmem_shared>>
        tpu.enqueue_dma source(%arg8 : memref<80x128xf32, #tpu.memory_space<vmem>>) target(%dma_start3A_111 : memref<80x128xf32, #tpu.memory_space<vmem_shared>>) target_semaphore(%run_scoped3A : memref<!tpu.dma_semaphore, #tpu.memory_space<semaphore_mem>>)
        %dma_wait3A_112 = arith.constant 0 : i32
        %dma_wait3A_113 = tpu.memref_slice %arg10[%add3A_107, %dma_wait3A_112] : memref<10240x128xf32, #tpu.memory_space<vmem_shared>> -> memref<80x128xf32, #tpu.memory_space<vmem_shared>>
        %dma_wait3A_114 = arith.constant 0 : i32
        %dma_wait3A_115 = tpu.memref_slice %arg10[%add3A_107, %dma_wait3A_114] : memref<10240x128xf32, #tpu.memory_space<vmem_shared>> -> memref<80x128xf32, #tpu.memory_space<vmem_shared>>
        tpu.wait_dma2 semaphore(%run_scoped3A : memref<!tpu.dma_semaphore, #tpu.memory_space<semaphore_mem>>) src(%arg8 : memref<80x128xf32, #tpu.memory_space<vmem>>) dst(%dma_wait3A_115 : memref<80x128xf32, #tpu.memory_space<vmem_shared>>)
        tpu.yield
      }) : () -> ()
    }
    %scan3A_11 = arith.constant 8 : i32
    "tpu.region"() ({
      %run_scoped3A = tpu.sem_alloc : memref<!tpu.dma_semaphore, #tpu.memory_space<semaphore_mem>>
      %dma_start3A_100 = arith.constant 0 : i32
      %dma_start3A_101 = arith.constant 0 : i32
      %dma_start3A_102 = tpu.memref_slice %arg3[%add3A, %dma_start3A_100, %dma_start3A_101] : memref<32x125x80xi32, #tpu.memory_space<hbm>> -> memref<1x125x80xi32, #tpu.memory_space<hbm>>
      %dma_start3A_103 = tpu.memref_squeeze %dma_start3A_102 : memref<1x125x80xi32, #tpu.memory_space<hbm>> -> memref<125x80xi32, #tpu.memory_space<hbm>>
      %dma_start3A_104 = arith.constant 0 : i32
      %dma_start3A_105 = arith.constant 0 : i32
      %dma_start3A_106 = tpu.memref_slice %arg3[%add3A, %dma_start3A_104, %dma_start3A_105] : memref<32x125x80xi32, #tpu.memory_space<hbm>> -> memref<1x125x80xi32, #tpu.memory_space<hbm>>
      %dma_start3A_107 = tpu.memref_squeeze %dma_start3A_106 : memref<1x125x80xi32, #tpu.memory_space<hbm>> -> memref<125x80xi32, #tpu.memory_space<hbm>>
      tpu.enqueue_dma source(%dma_start3A_107 : memref<125x80xi32, #tpu.memory_space<hbm>>) target(%arg6 : memref<125x80xi32, #tpu.memory_space<vmem>>) target_semaphore(%run_scoped3A : memref<!tpu.dma_semaphore, #tpu.memory_space<semaphore_mem>>)
      %dma_wait3A_108 = arith.constant 0 : i32
      %dma_wait3A_109 = arith.constant 0 : i32
      %dma_wait3A_110 = tpu.memref_slice %arg3[%add3A, %dma_wait3A_108, %dma_wait3A_109] : memref<32x125x80xi32, #tpu.memory_space<hbm>> -> memref<1x125x80xi32, #tpu.memory_space<hbm>>
      %dma_wait3A_111 = tpu.memref_squeeze %dma_wait3A_110 : memref<1x125x80xi32, #tpu.memory_space<hbm>> -> memref<125x80xi32, #tpu.memory_space<hbm>>
      %dma_wait3A_112 = arith.constant 0 : i32
      %dma_wait3A_113 = arith.constant 0 : i32
      %dma_wait3A_114 = tpu.memref_slice %arg3[%add3A, %dma_wait3A_112, %dma_wait3A_113] : memref<32x125x80xi32, #tpu.memory_space<hbm>> -> memref<1x125x80xi32, #tpu.memory_space<hbm>>
      %dma_wait3A_115 = tpu.memref_squeeze %dma_wait3A_114 : memref<1x125x80xi32, #tpu.memory_space<hbm>> -> memref<125x80xi32, #tpu.memory_space<hbm>>
      tpu.wait_dma2 semaphore(%run_scoped3A : memref<!tpu.dma_semaphore, #tpu.memory_space<semaphore_mem>>) src(%dma_wait3A_115 : memref<125x80xi32, #tpu.memory_space<hbm>>) dst(%arg6 : memref<125x80xi32, #tpu.memory_space<vmem>>)
      tpu.yield
    }) : () -> ()
    "tpu.region"() ({
      %run_scoped3A = tpu.sem_alloc : memref<!tpu.dma_semaphore, #tpu.memory_space<semaphore_mem>>
      %dma_start3A_100 = arith.constant 0 : i32
      %dma_start3A_101 = arith.constant 0 : i32
      %dma_start3A_102 = tpu.memref_slice %arg4[%add3A, %dma_start3A_100, %dma_start3A_101] : memref<32x125x80xi32, #tpu.memory_space<hbm>> -> memref<1x125x80xi32, #tpu.memory_space<hbm>>
      %dma_start3A_103 = tpu.memref_squeeze %dma_start3A_102 : memref<1x125x80xi32, #tpu.memory_space<hbm>> -> memref<125x80xi32, #tpu.memory_space<hbm>>
      %dma_start3A_104 = arith.constant 0 : i32
      %dma_start3A_105 = arith.constant 0 : i32
      %dma_start3A_106 = tpu.memref_slice %arg4[%add3A, %dma_start3A_104, %dma_start3A_105] : memref<32x125x80xi32, #tpu.memory_space<hbm>> -> memref<1x125x80xi32, #tpu.memory_space<hbm>>
      %dma_start3A_107 = tpu.memref_squeeze %dma_start3A_106 : memref<1x125x80xi32, #tpu.memory_space<hbm>> -> memref<125x80xi32, #tpu.memory_space<hbm>>
      tpu.enqueue_dma source(%dma_start3A_107 : memref<125x80xi32, #tpu.memory_space<hbm>>) target(%arg7 : memref<125x80xi32, #tpu.memory_space<vmem>>) target_semaphore(%run_scoped3A : memref<!tpu.dma_semaphore, #tpu.memory_space<semaphore_mem>>)
      %dma_wait3A_108 = arith.constant 0 : i32
      %dma_wait3A_109 = arith.constant 0 : i32
      %dma_wait3A_110 = tpu.memref_slice %arg4[%add3A, %dma_wait3A_108, %dma_wait3A_109] : memref<32x125x80xi32, #tpu.memory_space<hbm>> -> memref<1x125x80xi32, #tpu.memory_space<hbm>>
      %dma_wait3A_111 = tpu.memref_squeeze %dma_wait3A_110 : memref<1x125x80xi32, #tpu.memory_space<hbm>> -> memref<125x80xi32, #tpu.memory_space<hbm>>
      %dma_wait3A_112 = arith.constant 0 : i32
      %dma_wait3A_113 = arith.constant 0 : i32
      %dma_wait3A_114 = tpu.memref_slice %arg4[%add3A, %dma_wait3A_112, %dma_wait3A_113] : memref<32x125x80xi32, #tpu.memory_space<hbm>> -> memref<1x125x80xi32, #tpu.memory_space<hbm>>
      %dma_wait3A_115 = tpu.memref_squeeze %dma_wait3A_114 : memref<1x125x80xi32, #tpu.memory_space<hbm>> -> memref<125x80xi32, #tpu.memory_space<hbm>>
      tpu.wait_dma2 semaphore(%run_scoped3A : memref<!tpu.dma_semaphore, #tpu.memory_space<semaphore_mem>>) src(%dma_wait3A_115 : memref<125x80xi32, #tpu.memory_space<hbm>>) dst(%arg7 : memref<125x80xi32, #tpu.memory_space<vmem>>)
      tpu.yield
    }) : () -> ()
    %barrier3A = arith.constant 0 : index
    tpu.barrier barrier_id(%barrier3A)
    %dma_start3A = arith.constant 0 : i32
    %dma_start3A_12 = arith.constant 0 : i32
    %dma_start3A_13 = tpu.memref_slice %arg6[%dma_start3A, %dma_start3A_12] : memref<125x80xi32, #tpu.memory_space<vmem>> -> memref<1x80xi32, #tpu.memory_space<vmem>>
    %dma_start3A_14 = tpu.memref_squeeze %dma_start3A_13 : memref<1x80xi32, #tpu.memory_space<vmem>> -> memref<80xi32, #tpu.memory_space<vmem>>
    %dma_start3A_15 = arith.constant 0 : i32
    %dma_start3A_16 = arith.constant 0 : i32
    %dma_start3A_17 = tpu.memref_slice %arg2[%dma_start3A_15, %dma_start3A_16] : memref<10000x128xf32, #tpu.memory_space<hbm>> -> memref<10000x128xf32, #tpu.memory_space<hbm>>
    tpu.enqueue_indirect_dma source(%dma_start3A_17 : memref<10000x128xf32, #tpu.memory_space<hbm>>) target(%arg8 : memref<80x128xf32, #tpu.memory_space<vmem>>) offsets(%dma_start3A_14 : memref<80xi32, #tpu.memory_space<vmem>>) semaphore(%arg11 : memref<!tpu.dma_semaphore, #tpu.memory_space<semaphore_mem>>)
    %dma_start3A_18 = arith.constant 1 : i32
    %dma_start3A_19 = arith.constant 0 : i32
    %dma_start3A_20 = tpu.memref_slice %arg6[%dma_start3A_18, %dma_start3A_19] : memref<125x80xi32, #tpu.memory_space<vmem>> -> memref<1x80xi32, #tpu.memory_space<vmem>>
    %dma_start3A_21 = tpu.memref_squeeze %dma_start3A_20 : memref<1x80xi32, #tpu.memory_space<vmem>> -> memref<80xi32, #tpu.memory_space<vmem>>
    %dma_start3A_22 = arith.constant 0 : i32
    %dma_start3A_23 = arith.constant 0 : i32
    %dma_start3A_24 = tpu.memref_slice %arg2[%dma_start3A_22, %dma_start3A_23] : memref<10000x128xf32, #tpu.memory_space<hbm>> -> memref<10000x128xf32, #tpu.memory_space<hbm>>
    tpu.enqueue_indirect_dma source(%dma_start3A_24 : memref<10000x128xf32, #tpu.memory_space<hbm>>) target(%arg9 : memref<80x128xf32, #tpu.memory_space<vmem>>) offsets(%dma_start3A_21 : memref<80xi32, #tpu.memory_space<vmem>>) semaphore(%arg12 : memref<!tpu.dma_semaphore, #tpu.memory_space<semaphore_mem>>)
    %dma_wait3A = arith.constant 0 : i32
    %dma_wait3A_25 = arith.constant 0 : i32
    %dma_wait3A_26 = tpu.memref_slice %arg6[%dma_wait3A, %dma_wait3A_25] : memref<125x80xi32, #tpu.memory_space<vmem>> -> memref<1x80xi32, #tpu.memory_space<vmem>>
    %dma_wait3A_27 = tpu.memref_squeeze %dma_wait3A_26 : memref<1x80xi32, #tpu.memory_space<vmem>> -> memref<80xi32, #tpu.memory_space<vmem>>
    %dma_wait3A_28 = arith.constant 0 : i32
    %dma_wait3A_29 = arith.constant 0 : i32
    %dma_wait3A_30 = tpu.memref_slice %arg2[%dma_wait3A_28, %dma_wait3A_29] : memref<10000x128xf32, #tpu.memory_space<hbm>> -> memref<10000x128xf32, #tpu.memory_space<hbm>>
    tpu.wait_indirect_dma semaphore(%arg11 : memref<!tpu.dma_semaphore, #tpu.memory_space<semaphore_mem>>) src(%dma_wait3A_30 : memref<10000x128xf32, #tpu.memory_space<hbm>>) dst(%arg8 : memref<80x128xf32, #tpu.memory_space<vmem>>)
    %dma_start3A_31 = arith.constant 0 : i32
    %dma_start3A_32 = arith.constant 0 : i32
    %dma_start3A_33 = tpu.memref_slice %arg7[%dma_start3A_31, %dma_start3A_32] : memref<125x80xi32, #tpu.memory_space<vmem>> -> memref<1x80xi32, #tpu.memory_space<vmem>>
    %dma_start3A_34 = tpu.memref_squeeze %dma_start3A_33 : memref<1x80xi32, #tpu.memory_space<vmem>> -> memref<80xi32, #tpu.memory_space<vmem>>
    %dma_start3A_35 = arith.constant 0 : i32
    %dma_start3A_36 = arith.constant 0 : i32
    %dma_start3A_37 = tpu.memref_slice %arg10[%dma_start3A_35, %dma_start3A_36] : memref<10240x128xf32, #tpu.memory_space<vmem_shared>> -> memref<10240x128xf32, #tpu.memory_space<vmem_shared>>
    tpu.enqueue_indirect_dma source(%arg8 : memref<80x128xf32, #tpu.memory_space<vmem>>) target(%dma_start3A_37 : memref<10240x128xf32, #tpu.memory_space<vmem_shared>>) offsets(%dma_start3A_34 : memref<80xi32, #tpu.memory_space<vmem>>) semaphore(%arg13 : memref<!tpu.dma_semaphore, #tpu.memory_space<semaphore_mem>>) {add = true}
    %scan3A_38 = arith.constant 0 : i32
    %scan3A_39 = arith.constant 61 : i32
    %scan3A_40 = arith.addi %scan3A_38, %scan3A_39 : i32
    %scan3A_41 = arith.constant 1 : i32
    scf.for %scan3A_100 = %scan3A_38 to %scan3A_40 step %scan3A_41  : i32 {
      %mul3A_101 = arith.constant 2 : i32
      %mul3A_102 = arith.muli %scan3A_100, %mul3A_101 : i32
      %add3A_103 = arith.constant 1 : i32
      %add3A_104 = arith.addi %add3A_103, %mul3A_102 : i32
      %sub3A = arith.constant 1 : i32
      %sub3A_105 = arith.subi %add3A_104, %sub3A : i32
      %dma_wait3A_106 = arith.constant 0 : i32
      %dma_wait3A_107 = tpu.memref_slice %arg7[%sub3A_105, %dma_wait3A_106] : memref<125x80xi32, #tpu.memory_space<vmem>> -> memref<1x80xi32, #tpu.memory_space<vmem>>
      %dma_wait3A_108 = tpu.memref_squeeze %dma_wait3A_107 : memref<1x80xi32, #tpu.memory_space<vmem>> -> memref<80xi32, #tpu.memory_space<vmem>>
      %dma_wait3A_109 = arith.constant 0 : i32
      %dma_wait3A_110 = arith.constant 0 : i32
      %dma_wait3A_111 = tpu.memref_slice %arg10[%dma_wait3A_109, %dma_wait3A_110] : memref<10240x128xf32, #tpu.memory_space<vmem_shared>> -> memref<10240x128xf32, #tpu.memory_space<vmem_shared>>
      tpu.wait_indirect_dma semaphore(%arg13 : memref<!tpu.dma_semaphore, #tpu.memory_space<semaphore_mem>>) src(%arg8 : memref<80x128xf32, #tpu.memory_space<vmem>>) dst(%dma_wait3A_111 : memref<10240x128xf32, #tpu.memory_space<vmem_shared>>)
      %add3A_112 = arith.constant 1 : i32
      %add3A_113 = arith.addi %add3A_104, %add3A_112 : i32
      %dma_start3A_114 = arith.constant 0 : i32
      %dma_start3A_115 = tpu.memref_slice %arg6[%add3A_113, %dma_start3A_114] : memref<125x80xi32, #tpu.memory_space<vmem>> -> memref<1x80xi32, #tpu.memory_space<vmem>>
      %dma_start3A_116 = tpu.memref_squeeze %dma_start3A_115 : memref<1x80xi32, #tpu.memory_space<vmem>> -> memref<80xi32, #tpu.memory_space<vmem>>
      %dma_start3A_117 = arith.constant 0 : i32
      %dma_start3A_118 = arith.constant 0 : i32
      %dma_start3A_119 = tpu.memref_slice %arg2[%dma_start3A_117, %dma_start3A_118] : memref<10000x128xf32, #tpu.memory_space<hbm>> -> memref<10000x128xf32, #tpu.memory_space<hbm>>
      tpu.enqueue_indirect_dma source(%dma_start3A_119 : memref<10000x128xf32, #tpu.memory_space<hbm>>) target(%arg8 : memref<80x128xf32, #tpu.memory_space<vmem>>) offsets(%dma_start3A_116 : memref<80xi32, #tpu.memory_space<vmem>>) semaphore(%arg11 : memref<!tpu.dma_semaphore, #tpu.memory_space<semaphore_mem>>)
      %dma_wait3A_120 = arith.constant 0 : i32
      %dma_wait3A_121 = tpu.memref_slice %arg6[%add3A_104, %dma_wait3A_120] : memref<125x80xi32, #tpu.memory_space<vmem>> -> memref<1x80xi32, #tpu.memory_space<vmem>>
      %dma_wait3A_122 = tpu.memref_squeeze %dma_wait3A_121 : memref<1x80xi32, #tpu.memory_space<vmem>> -> memref<80xi32, #tpu.memory_space<vmem>>
      %dma_wait3A_123 = arith.constant 0 : i32
      %dma_wait3A_124 = arith.constant 0 : i32
      %dma_wait3A_125 = tpu.memref_slice %arg2[%dma_wait3A_123, %dma_wait3A_124] : memref<10000x128xf32, #tpu.memory_space<hbm>> -> memref<10000x128xf32, #tpu.memory_space<hbm>>
      tpu.wait_indirect_dma semaphore(%arg12 : memref<!tpu.dma_semaphore, #tpu.memory_space<semaphore_mem>>) src(%dma_wait3A_125 : memref<10000x128xf32, #tpu.memory_space<hbm>>) dst(%arg9 : memref<80x128xf32, #tpu.memory_space<vmem>>)
      %dma_start3A_126 = arith.constant 0 : i32
      %dma_start3A_127 = tpu.memref_slice %arg7[%add3A_104, %dma_start3A_126] : memref<125x80xi32, #tpu.memory_space<vmem>> -> memref<1x80xi32, #tpu.memory_space<vmem>>
      %dma_start3A_128 = tpu.memref_squeeze %dma_start3A_127 : memref<1x80xi32, #tpu.memory_space<vmem>> -> memref<80xi32, #tpu.memory_space<vmem>>
      %dma_start3A_129 = arith.constant 0 : i32
      %dma_start3A_130 = arith.constant 0 : i32
      %dma_start3A_131 = tpu.memref_slice %arg10[%dma_start3A_129, %dma_start3A_130] : memref<10240x128xf32, #tpu.memory_space<vmem_shared>> -> memref<10240x128xf32, #tpu.memory_space<vmem_shared>>
      tpu.enqueue_indirect_dma source(%arg9 : memref<80x128xf32, #tpu.memory_space<vmem>>) target(%dma_start3A_131 : memref<10240x128xf32, #tpu.memory_space<vmem_shared>>) offsets(%dma_start3A_128 : memref<80xi32, #tpu.memory_space<vmem>>) semaphore(%arg14 : memref<!tpu.dma_semaphore, #tpu.memory_space<semaphore_mem>>) {add = true}
      %dma_wait3A_132 = arith.constant 0 : i32
      %dma_wait3A_133 = tpu.memref_slice %arg7[%add3A_104, %dma_wait3A_132] : memref<125x80xi32, #tpu.memory_space<vmem>> -> memref<1x80xi32, #tpu.memory_space<vmem>>
      %dma_wait3A_134 = tpu.memref_squeeze %dma_wait3A_133 : memref<1x80xi32, #tpu.memory_space<vmem>> -> memref<80xi32, #tpu.memory_space<vmem>>
      %dma_wait3A_135 = arith.constant 0 : i32
      %dma_wait3A_136 = arith.constant 0 : i32
      %dma_wait3A_137 = tpu.memref_slice %arg10[%dma_wait3A_135, %dma_wait3A_136] : memref<10240x128xf32, #tpu.memory_space<vmem_shared>> -> memref<10240x128xf32, #tpu.memory_space<vmem_shared>>
      tpu.wait_indirect_dma semaphore(%arg14 : memref<!tpu.dma_semaphore, #tpu.memory_space<semaphore_mem>>) src(%arg9 : memref<80x128xf32, #tpu.memory_space<vmem>>) dst(%dma_wait3A_137 : memref<10240x128xf32, #tpu.memory_space<vmem_shared>>)
      %add3A_138 = arith.constant 2 : i32
      %add3A_139 = arith.addi %add3A_104, %add3A_138 : i32
      %dma_start3A_140 = arith.constant 0 : i32
      %dma_start3A_141 = tpu.memref_slice %arg6[%add3A_139, %dma_start3A_140] : memref<125x80xi32, #tpu.memory_space<vmem>> -> memref<1x80xi32, #tpu.memory_space<vmem>>
      %dma_start3A_142 = tpu.memref_squeeze %dma_start3A_141 : memref<1x80xi32, #tpu.memory_space<vmem>> -> memref<80xi32, #tpu.memory_space<vmem>>
      %dma_start3A_143 = arith.constant 0 : i32
      %dma_start3A_144 = arith.constant 0 : i32
      %dma_start3A_145 = tpu.memref_slice %arg2[%dma_start3A_143, %dma_start3A_144] : memref<10000x128xf32, #tpu.memory_space<hbm>> -> memref<10000x128xf32, #tpu.memory_space<hbm>>
      tpu.enqueue_indirect_dma source(%dma_start3A_145 : memref<10000x128xf32, #tpu.memory_space<hbm>>) target(%arg9 : memref<80x128xf32, #tpu.memory_space<vmem>>) offsets(%dma_start3A_142 : memref<80xi32, #tpu.memory_space<vmem>>) semaphore(%arg12 : memref<!tpu.dma_semaphore, #tpu.memory_space<semaphore_mem>>)
      %add3A_146 = arith.constant 1 : i32
      %add3A_147 = arith.addi %add3A_104, %add3A_146 : i32
      %dma_wait3A_148 = arith.constant 0 : i32
      %dma_wait3A_149 = tpu.memref_slice %arg6[%add3A_147, %dma_wait3A_148] : memref<125x80xi32, #tpu.memory_space<vmem>> -> memref<1x80xi32, #tpu.memory_space<vmem>>
      %dma_wait3A_150 = tpu.memref_squeeze %dma_wait3A_149 : memref<1x80xi32, #tpu.memory_space<vmem>> -> memref<80xi32, #tpu.memory_space<vmem>>
      %dma_wait3A_151 = arith.constant 0 : i32
      %dma_wait3A_152 = arith.constant 0 : i32
      %dma_wait3A_153 = tpu.memref_slice %arg2[%dma_wait3A_151, %dma_wait3A_152] : memref<10000x128xf32, #tpu.memory_space<hbm>> -> memref<10000x128xf32, #tpu.memory_space<hbm>>
      tpu.wait_indirect_dma semaphore(%arg11 : memref<!tpu.dma_semaphore, #tpu.memory_space<semaphore_mem>>) src(%dma_wait3A_153 : memref<10000x128xf32, #tpu.memory_space<hbm>>) dst(%arg8 : memref<80x128xf32, #tpu.memory_space<vmem>>)
      %add3A_154 = arith.constant 1 : i32
      %add3A_155 = arith.addi %add3A_104, %add3A_154 : i32
      %dma_start3A_156 = arith.constant 0 : i32
      %dma_start3A_157 = tpu.memref_slice %arg7[%add3A_155, %dma_start3A_156] : memref<125x80xi32, #tpu.memory_space<vmem>> -> memref<1x80xi32, #tpu.memory_space<vmem>>
      %dma_start3A_158 = tpu.memref_squeeze %dma_start3A_157 : memref<1x80xi32, #tpu.memory_space<vmem>> -> memref<80xi32, #tpu.memory_space<vmem>>
      %dma_start3A_159 = arith.constant 0 : i32
      %dma_start3A_160 = arith.constant 0 : i32
      %dma_start3A_161 = tpu.memref_slice %arg10[%dma_start3A_159, %dma_start3A_160] : memref<10240x128xf32, #tpu.memory_space<vmem_shared>> -> memref<10240x128xf32, #tpu.memory_space<vmem_shared>>
      tpu.enqueue_indirect_dma source(%arg8 : memref<80x128xf32, #tpu.memory_space<vmem>>) target(%dma_start3A_161 : memref<10240x128xf32, #tpu.memory_space<vmem_shared>>) offsets(%dma_start3A_158 : memref<80xi32, #tpu.memory_space<vmem>>) semaphore(%arg13 : memref<!tpu.dma_semaphore, #tpu.memory_space<semaphore_mem>>) {add = true}
    }
    %scan3A_42 = arith.constant 61 : i32
    %dma_wait3A_43 = arith.constant 123 : i32
    %dma_wait3A_44 = arith.constant 0 : i32
    %dma_wait3A_45 = tpu.memref_slice %arg6[%dma_wait3A_43, %dma_wait3A_44] : memref<125x80xi32, #tpu.memory_space<vmem>> -> memref<1x80xi32, #tpu.memory_space<vmem>>
    %dma_wait3A_46 = tpu.memref_squeeze %dma_wait3A_45 : memref<1x80xi32, #tpu.memory_space<vmem>> -> memref<80xi32, #tpu.memory_space<vmem>>
    %dma_wait3A_47 = arith.constant 0 : i32
    %dma_wait3A_48 = arith.constant 0 : i32
    %dma_wait3A_49 = tpu.memref_slice %arg2[%dma_wait3A_47, %dma_wait3A_48] : memref<10000x128xf32, #tpu.memory_space<hbm>> -> memref<10000x128xf32, #tpu.memory_space<hbm>>
    tpu.wait_indirect_dma semaphore(%arg12 : memref<!tpu.dma_semaphore, #tpu.memory_space<semaphore_mem>>) src(%dma_wait3A_49 : memref<10000x128xf32, #tpu.memory_space<hbm>>) dst(%arg9 : memref<80x128xf32, #tpu.memory_space<vmem>>)
    %dma_start3A_50 = arith.constant 123 : i32
    %dma_start3A_51 = arith.constant 0 : i32
    %dma_start3A_52 = tpu.memref_slice %arg7[%dma_start3A_50, %dma_start3A_51] : memref<125x80xi32, #tpu.memory_space<vmem>> -> memref<1x80xi32, #tpu.memory_space<vmem>>
    %dma_start3A_53 = tpu.memref_squeeze %dma_start3A_52 : memref<1x80xi32, #tpu.memory_space<vmem>> -> memref<80xi32, #tpu.memory_space<vmem>>
    %dma_start3A_54 = arith.constant 0 : i32
    %dma_start3A_55 = arith.constant 0 : i32
    %dma_start3A_56 = tpu.memref_slice %arg10[%dma_start3A_54, %dma_start3A_55] : memref<10240x128xf32, #tpu.memory_space<vmem_shared>> -> memref<10240x128xf32, #tpu.memory_space<vmem_shared>>
    tpu.enqueue_indirect_dma source(%arg9 : memref<80x128xf32, #tpu.memory_space<vmem>>) target(%dma_start3A_56 : memref<10240x128xf32, #tpu.memory_space<vmem_shared>>) offsets(%dma_start3A_53 : memref<80xi32, #tpu.memory_space<vmem>>) semaphore(%arg14 : memref<!tpu.dma_semaphore, #tpu.memory_space<semaphore_mem>>) {add = true}
    %dma_wait3A_57 = arith.constant 122 : i32
    %dma_wait3A_58 = arith.constant 0 : i32
    %dma_wait3A_59 = tpu.memref_slice %arg7[%dma_wait3A_57, %dma_wait3A_58] : memref<125x80xi32, #tpu.memory_space<vmem>> -> memref<1x80xi32, #tpu.memory_space<vmem>>
    %dma_wait3A_60 = tpu.memref_squeeze %dma_wait3A_59 : memref<1x80xi32, #tpu.memory_space<vmem>> -> memref<80xi32, #tpu.memory_space<vmem>>
    %dma_wait3A_61 = arith.constant 0 : i32
    %dma_wait3A_62 = arith.constant 0 : i32
    %dma_wait3A_63 = tpu.memref_slice %arg10[%dma_wait3A_61, %dma_wait3A_62] : memref<10240x128xf32, #tpu.memory_space<vmem_shared>> -> memref<10240x128xf32, #tpu.memory_space<vmem_shared>>
    tpu.wait_indirect_dma semaphore(%arg13 : memref<!tpu.dma_semaphore, #tpu.memory_space<semaphore_mem>>) src(%arg8 : memref<80x128xf32, #tpu.memory_space<vmem>>) dst(%dma_wait3A_63 : memref<10240x128xf32, #tpu.memory_space<vmem_shared>>)
    %dma_start3A_64 = arith.constant 124 : i32
    %dma_start3A_65 = arith.constant 0 : i32
    %dma_start3A_66 = tpu.memref_slice %arg6[%dma_start3A_64, %dma_start3A_65] : memref<125x80xi32, #tpu.memory_space<vmem>> -> memref<1x80xi32, #tpu.memory_space<vmem>>
    %dma_start3A_67 = tpu.memref_squeeze %dma_start3A_66 : memref<1x80xi32, #tpu.memory_space<vmem>> -> memref<80xi32, #tpu.memory_space<vmem>>
    %dma_start3A_68 = arith.constant 0 : i32
    %dma_start3A_69 = arith.constant 0 : i32
    %dma_start3A_70 = tpu.memref_slice %arg2[%dma_start3A_68, %dma_start3A_69] : memref<10000x128xf32, #tpu.memory_space<hbm>> -> memref<10000x128xf32, #tpu.memory_space<hbm>>
    tpu.enqueue_indirect_dma source(%dma_start3A_70 : memref<10000x128xf32, #tpu.memory_space<hbm>>) target(%arg8 : memref<80x128xf32, #tpu.memory_space<vmem>>) offsets(%dma_start3A_67 : memref<80xi32, #tpu.memory_space<vmem>>) semaphore(%arg11 : memref<!tpu.dma_semaphore, #tpu.memory_space<semaphore_mem>>)
    %dma_wait3A_71 = arith.constant 124 : i32
    %dma_wait3A_72 = arith.constant 0 : i32
    %dma_wait3A_73 = tpu.memref_slice %arg6[%dma_wait3A_71, %dma_wait3A_72] : memref<125x80xi32, #tpu.memory_space<vmem>> -> memref<1x80xi32, #tpu.memory_space<vmem>>
    %dma_wait3A_74 = tpu.memref_squeeze %dma_wait3A_73 : memref<1x80xi32, #tpu.memory_space<vmem>> -> memref<80xi32, #tpu.memory_space<vmem>>
    %dma_wait3A_75 = arith.constant 0 : i32
    %dma_wait3A_76 = arith.constant 0 : i32
    %dma_wait3A_77 = tpu.memref_slice %arg2[%dma_wait3A_75, %dma_wait3A_76] : memref<10000x128xf32, #tpu.memory_space<hbm>> -> memref<10000x128xf32, #tpu.memory_space<hbm>>
    tpu.wait_indirect_dma semaphore(%arg11 : memref<!tpu.dma_semaphore, #tpu.memory_space<semaphore_mem>>) src(%dma_wait3A_77 : memref<10000x128xf32, #tpu.memory_space<hbm>>) dst(%arg8 : memref<80x128xf32, #tpu.memory_space<vmem>>)
    %dma_start3A_78 = arith.constant 124 : i32
    %dma_start3A_79 = arith.constant 0 : i32
    %dma_start3A_80 = tpu.memref_slice %arg7[%dma_start3A_78, %dma_start3A_79] : memref<125x80xi32, #tpu.memory_space<vmem>> -> memref<1x80xi32, #tpu.memory_space<vmem>>
    %dma_start3A_81 = tpu.memref_squeeze %dma_start3A_80 : memref<1x80xi32, #tpu.memory_space<vmem>> -> memref<80xi32, #tpu.memory_space<vmem>>
    %dma_start3A_82 = arith.constant 0 : i32
    %dma_start3A_83 = arith.constant 0 : i32
    %dma_start3A_84 = tpu.memref_slice %arg10[%dma_start3A_82, %dma_start3A_83] : memref<10240x128xf32, #tpu.memory_space<vmem_shared>> -> memref<10240x128xf32, #tpu.memory_space<vmem_shared>>
    tpu.enqueue_indirect_dma source(%arg8 : memref<80x128xf32, #tpu.memory_space<vmem>>) target(%dma_start3A_84 : memref<10240x128xf32, #tpu.memory_space<vmem_shared>>) offsets(%dma_start3A_81 : memref<80xi32, #tpu.memory_space<vmem>>) semaphore(%arg13 : memref<!tpu.dma_semaphore, #tpu.memory_space<semaphore_mem>>) {add = true}
    %dma_wait3A_85 = arith.constant 123 : i32
    %dma_wait3A_86 = arith.constant 0 : i32
    %dma_wait3A_87 = tpu.memref_slice %arg7[%dma_wait3A_85, %dma_wait3A_86] : memref<125x80xi32, #tpu.memory_space<vmem>> -> memref<1x80xi32, #tpu.memory_space<vmem>>
    %dma_wait3A_88 = tpu.memref_squeeze %dma_wait3A_87 : memref<1x80xi32, #tpu.memory_space<vmem>> -> memref<80xi32, #tpu.memory_space<vmem>>
    %dma_wait3A_89 = arith.constant 0 : i32
    %dma_wait3A_90 = arith.constant 0 : i32
    %dma_wait3A_91 = tpu.memref_slice %arg10[%dma_wait3A_89, %dma_wait3A_90] : memref<10240x128xf32, #tpu.memory_space<vmem_shared>> -> memref<10240x128xf32, #tpu.memory_space<vmem_shared>>
    tpu.wait_indirect_dma semaphore(%arg14 : memref<!tpu.dma_semaphore, #tpu.memory_space<semaphore_mem>>) src(%arg9 : memref<80x128xf32, #tpu.memory_space<vmem>>) dst(%dma_wait3A_91 : memref<10240x128xf32, #tpu.memory_space<vmem_shared>>)
    %dma_wait3A_92 = arith.constant 124 : i32
    %dma_wait3A_93 = arith.constant 0 : i32
    %dma_wait3A_94 = tpu.memref_slice %arg7[%dma_wait3A_92, %dma_wait3A_93] : memref<125x80xi32, #tpu.memory_space<vmem>> -> memref<1x80xi32, #tpu.memory_space<vmem>>
    %dma_wait3A_95 = tpu.memref_squeeze %dma_wait3A_94 : memref<1x80xi32, #tpu.memory_space<vmem>> -> memref<80xi32, #tpu.memory_space<vmem>>
    %dma_wait3A_96 = arith.constant 0 : i32
    %dma_wait3A_97 = arith.constant 0 : i32
    %dma_wait3A_98 = tpu.memref_slice %arg10[%dma_wait3A_96, %dma_wait3A_97] : memref<10240x128xf32, #tpu.memory_space<vmem_shared>> -> memref<10240x128xf32, #tpu.memory_space<vmem_shared>>
    tpu.wait_indirect_dma semaphore(%arg13 : memref<!tpu.dma_semaphore, #tpu.memory_space<semaphore_mem>>) src(%arg8 : memref<80x128xf32, #tpu.memory_space<vmem>>) dst(%dma_wait3A_98 : memref<10240x128xf32, #tpu.memory_space<vmem_shared>>)
    %barrier3A_99 = arith.constant 0 : index
    tpu.barrier barrier_id(%barrier3A_99)
    "tpu.region"() ({
      %run_scoped3A = tpu.sem_alloc : memref<!tpu.dma_semaphore, #tpu.memory_space<semaphore_mem>>
      %dma_start3A_100 = arith.constant 0 : i32
      %dma_start3A_101 = tpu.memref_slice %arg5[%arg0, %mul3A_2, %dma_start3A_100] : memref<2x10240x128xf32, #tpu.memory_space<hbm>> -> memref<1x640x128xf32, #tpu.memory_space<hbm>>
      %dma_start3A_102 = tpu.memref_squeeze %dma_start3A_101 : memref<1x640x128xf32, #tpu.memory_space<hbm>> -> memref<640x128xf32, #tpu.memory_space<hbm>>
      %dma_start3A_103 = arith.constant 0 : i32
      %dma_start3A_104 = tpu.memref_slice %arg10[%mul3A_2, %dma_start3A_103] : memref<10240x128xf32, #tpu.memory_space<vmem_shared>> -> memref<640x128xf32, #tpu.memory_space<vmem_shared>>
      tpu.enqueue_dma source(%dma_start3A_104 : memref<640x128xf32, #tpu.memory_space<vmem_shared>>) target(%dma_start3A_102 : memref<640x128xf32, #tpu.memory_space<hbm>>) target_semaphore(%run_scoped3A : memref<!tpu.dma_semaphore, #tpu.memory_space<semaphore_mem>>)
      %dma_wait3A_105 = arith.constant 0 : i32
      %dma_wait3A_106 = tpu.memref_slice %arg5[%arg0, %mul3A_2, %dma_wait3A_105] : memref<2x10240x128xf32, #tpu.memory_space<hbm>> -> memref<1x640x128xf32, #tpu.memory_space<hbm>>
      %dma_wait3A_107 = tpu.memref_squeeze %dma_wait3A_106 : memref<1x640x128xf32, #tpu.memory_space<hbm>> -> memref<640x128xf32, #tpu.memory_space<hbm>>
      %dma_wait3A_108 = arith.constant 0 : i32
      %dma_wait3A_109 = tpu.memref_slice %arg10[%mul3A_2, %dma_wait3A_108] : memref<10240x128xf32, #tpu.memory_space<vmem_shared>> -> memref<640x128xf32, #tpu.memory_space<vmem_shared>>
      tpu.wait_dma2 semaphore(%run_scoped3A : memref<!tpu.dma_semaphore, #tpu.memory_space<semaphore_mem>>) src(%dma_wait3A_109 : memref<640x128xf32, #tpu.memory_space<vmem_shared>>) dst(%dma_wait3A_107 : memref<640x128xf32, #tpu.memory_space<hbm>>)
      tpu.yield
    }) : () -> ()
    return
  }
}

#map = affine_map<(d0, d1) -> (0, 0)>
#map1 = affine_map<(d0, d1) -> (0, 0, 0)>
module attributes {stable_mosaic.version = 14 : i64} {
  func.func @k(%arg0: i32, %arg1: i32, %arg2: memref<10000x128xf32, #tpu.memory_space<hbm>>, %arg3: memref<32x125x80xi32, #tpu.memory_space<hbm>>, %arg4: memref<32x125x80xi32, #tpu.memory_space<hbm>>, %arg5: memref<2x10240x128xf32, #tpu.memory_space<hbm>>, %arg6: memref<125x80xi32, #tpu.memory_space<vmem>>, %arg7: memref<125x80xi32, #tpu.memory_space<vmem>>, %arg8: memref<80x128xf32, #tpu.memory_space<vmem>>, %arg9: memref<80x128xf32, #tpu.memory_space<vmem>>, %arg10: memref<10240x128xf32, #tpu.memory_space<vmem_shared>>, %arg11: memref<!tpu.dma_semaphore, #tpu.memory_space<semaphore_mem>>, %arg12: memref<!tpu.dma_semaphore, #tpu.memory_space<semaphore_mem>>, %arg13: memref<!tpu.dma_semaphore, #tpu.memory_space<semaphore_mem>>, %arg14: memref<!tpu.dma_semaphore, #tpu.memory_space<semaphore_mem>>) attributes {dimension_semantics = [#tpu.dimension_semantics<core_parallel>, #tpu.dimension_semantics<subcore_parallel>], iteration_bounds = array<i64: 2, 16>, scalar_prefetch = 0 : i64, scratch_operands = 9 : i64, tpu.core_type = #tpu.core_type<sc_vector_subcore>, window_params = [{transform_indices = #map}, {transform_indices = #map1}, {transform_indices = #map1}, {transform_indices = #map1}]} {
    %mul3A = arith.constant 16 : i32
    %mul3A_0 = arith.muli %arg0, %mul3A : i32
    %add3A = arith.addi %mul3A_0, %arg1 : i32
    %mul3A_1 = arith.constant 640 : i32
    %mul3A_2 = arith.muli %arg1, %mul3A_1 : i32
    %scan3A = arith.constant 0 : i32
    %scan3A_3 = arith.constant 80 : i32
    %scan3A_4 = arith.addi %scan3A, %scan3A_3 : i32
    %scan3A_5 = arith.constant 1 : i32
    scf.for %scan3A_100 = %scan3A to %scan3A_4 step %scan3A_5  : i32 {
      %mul3A_101 = arith.constant 1 : i32
      %mul3A_102 = arith.muli %scan3A_100, %mul3A_101 : i32
      %add3A_103 = arith.constant 0 : i32
      %add3A_104 = arith.addi %add3A_103, %mul3A_102 : i32
      %scan3A_105 = arith.constant 0 : i32
      %scan3A_106 = arith.constant 8 : i32
      %scan3A_107 = arith.addi %scan3A_105, %scan3A_106 : i32
      %scan3A_108 = arith.constant 1 : i32
      scf.for %scan3A_110 = %scan3A_105 to %scan3A_107 step %scan3A_108  : i32 {
        %mul3A_111 = arith.constant 1 : i32
        %mul3A_112 = arith.muli %scan3A_110, %mul3A_111 : i32
        %add3A_113 = arith.constant 0 : i32
        %add3A_114 = arith.addi %add3A_113, %mul3A_112 : i32
        %broadcast_in_dim3A = arith.constant 0.000000e+00 : f32
        %broadcast_in_dim3A_115 = vector.broadcast %broadcast_in_dim3A : f32 to vector<16xf32>
        %mul3A_116 = arith.constant 16 : i32
        %mul3A_117 = arith.muli %add3A_114, %mul3A_116 : i32
        %swap3A = arith.index_cast %add3A_104 : i32 to index
        %swap3A_118 = arith.index_cast %mul3A_117 : i32 to index
        %swap3A_119 = tpu.vector_load %arg8[%swap3A, %swap3A_118] {strides = array<i32>} : memref<80x128xf32, #tpu.memory_space<vmem>>, vector<1x16xf32>,
        %swap3A_120 = vector.shape_cast %swap3A_119 : vector<1x16xf32> to vector<16xf32>
        %swap3A_121 = vector.shape_cast %broadcast_in_dim3A_115 : vector<16xf32> to vector<1x16xf32>
        tpu.vector_store %arg8[%swap3A, %swap3A_118], %swap3A_121 {strides = array<i32>} : memref<80x128xf32, #tpu.memory_space<vmem>>, vector<1x16xf32>,
      }
      %scan3A_109 = arith.constant 8 : i32
    }
    %scan3A_6 = arith.constant 80 : i32
    %scan3A_7 = arith.constant 0 : i32
    %scan3A_8 = arith.constant 8 : i32
    %scan3A_9 = arith.addi %scan3A_7, %scan3A_8 : i32
    %scan3A_10 = arith.constant 1 : i32
    scf.for %scan3A_100 = %scan3A_7 to %scan3A_9 step %scan3A_10  : i32 {
      %mul3A_101 = arith.constant 1 : i32
      %mul3A_102 = arith.muli %scan3A_100, %mul3A_101 : i32
      %add3A_103 = arith.constant 0 : i32
      %add3A_104 = arith.addi %add3A_103, %mul3A_102 : i32
      %mul3A_105 = arith.constant 80 : i32
      %mul3A_106 = arith.muli %add3A_104, %mul3A_105 : i32
      %add3A_107 = arith.addi %mul3A_2, %mul3A_106 : i32
      "tpu.region"() ({
        %run_scoped3A = tpu.sem_alloc : memref<!tpu.dma_semaphore, #tpu.memory_space<semaphore_mem>>
        %dma_start3A_108 = arith.constant 0 : i32
        %dma_start3A_109 = tpu.memref_slice %arg10[%add3A_107, %dma_start3A_108] : memref<10240x128xf32, #tpu.memory_space<vmem_shared>> -> memref<80x128xf32, #tpu.memory_space<vmem_shared>>
        %dma_start3A_110 = arith.constant 0 : i32
        %dma_start3A_111 = tpu.memref_slice %arg10[%add3A_107, %dma_start3A_110] : memref<10240x128xf32, #tpu.memory_space<vmem_shared>> -> memref<80x128xf32, #tpu.memory_space<vmem_shared>>
        tpu.enqueue_dma source(%arg8 : memref<80x128xf32, #tpu.memory_space<vmem>>) target(%dma_start3A_111 : memref<80x128xf32, #tpu.memory_space<vmem_shared>>) target_semaphore(%run_scoped3A : memref<!tpu.dma_semaphore, #tpu.memory_space<semaphore_mem>>)
        %dma_wait3A_112 = arith.constant 0 : i32
        %dma_wait3A_113 = tpu.memref_slice %arg10[%add3A_107, %dma_wait3A_112] : memref<10240x128xf32, #tpu.memory_space<vmem_shared>> -> memref<80x128xf32, #tpu.memory_space<vmem_shared>>
        %dma_wait3A_114 = arith.constant 0 : i32
        %dma_wait3A_115 = tpu.memref_slice %arg10[%add3A_107, %dma_wait3A_114] : memref<10240x128xf32, #tpu.memory_space<vmem_shared>> -> memref<80x128xf32, #tpu.memory_space<vmem_shared>>
        tpu.wait_dma2 semaphore(%run_scoped3A : memref<!tpu.dma_semaphore, #tpu.memory_space<semaphore_mem>>) src(%arg8 : memref<80x128xf32, #tpu.memory_space<vmem>>) dst(%dma_wait3A_115 : memref<80x128xf32, #tpu.memory_space<vmem_shared>>)
        tpu.yield
      }) : () -> ()
    }
    %scan3A_11 = arith.constant 8 : i32
    "tpu.region"() ({
      %run_scoped3A = tpu.sem_alloc : memref<!tpu.dma_semaphore, #tpu.memory_space<semaphore_mem>>
      %dma_start3A_100 = arith.constant 0 : i32
      %dma_start3A_101 = arith.constant 0 : i32
      %dma_start3A_102 = tpu.memref_slice %arg3[%add3A, %dma_start3A_100, %dma_start3A_101] : memref<32x125x80xi32, #tpu.memory_space<hbm>> -> memref<1x125x80xi32, #tpu.memory_space<hbm>>
      %dma_start3A_103 = tpu.memref_squeeze %dma_start3A_102 : memref<1x125x80xi32, #tpu.memory_space<hbm>> -> memref<125x80xi32, #tpu.memory_space<hbm>>
      %dma_start3A_104 = arith.constant 0 : i32
      %dma_start3A_105 = arith.constant 0 : i32
      %dma_start3A_106 = tpu.memref_slice %arg3[%add3A, %dma_start3A_104, %dma_start3A_105] : memref<32x125x80xi32, #tpu.memory_space<hbm>> -> memref<1x125x80xi32, #tpu.memory_space<hbm>>
      %dma_start3A_107 = tpu.memref_squeeze %dma_start3A_106 : memref<1x125x80xi32, #tpu.memory_space<hbm>> -> memref<125x80xi32, #tpu.memory_space<hbm>>
      tpu.enqueue_dma source(%dma_start3A_107 : memref<125x80xi32, #tpu.memory_space<hbm>>) target(%arg6 : memref<125x80xi32, #tpu.memory_space<vmem>>) target_semaphore(%run_scoped3A : memref<!tpu.dma_semaphore, #tpu.memory_space<semaphore_mem>>)
      %dma_wait3A_108 = arith.constant 0 : i32
      %dma_wait3A_109 = arith.constant 0 : i32
      %dma_wait3A_110 = tpu.memref_slice %arg3[%add3A, %dma_wait3A_108, %dma_wait3A_109] : memref<32x125x80xi32, #tpu.memory_space<hbm>> -> memref<1x125x80xi32, #tpu.memory_space<hbm>>
      %dma_wait3A_111 = tpu.memref_squeeze %dma_wait3A_110 : memref<1x125x80xi32, #tpu.memory_space<hbm>> -> memref<125x80xi32, #tpu.memory_space<hbm>>
      %dma_wait3A_112 = arith.constant 0 : i32
      %dma_wait3A_113 = arith.constant 0 : i32
      %dma_wait3A_114 = tpu.memref_slice %arg3[%add3A, %dma_wait3A_112, %dma_wait3A_113] : memref<32x125x80xi32, #tpu.memory_space<hbm>> -> memref<1x125x80xi32, #tpu.memory_space<hbm>>
      %dma_wait3A_115 = tpu.memref_squeeze %dma_wait3A_114 : memref<1x125x80xi32, #tpu.memory_space<hbm>> -> memref<125x80xi32, #tpu.memory_space<hbm>>
      tpu.wait_dma2 semaphore(%run_scoped3A : memref<!tpu.dma_semaphore, #tpu.memory_space<semaphore_mem>>) src(%dma_wait3A_115 : memref<125x80xi32, #tpu.memory_space<hbm>>) dst(%arg6 : memref<125x80xi32, #tpu.memory_space<vmem>>)
      tpu.yield
    }) : () -> ()
    "tpu.region"() ({
      %run_scoped3A = tpu.sem_alloc : memref<!tpu.dma_semaphore, #tpu.memory_space<semaphore_mem>>
      %dma_start3A_100 = arith.constant 0 : i32
      %dma_start3A_101 = arith.constant 0 : i32
      %dma_start3A_102 = tpu.memref_slice %arg4[%add3A, %dma_start3A_100, %dma_start3A_101] : memref<32x125x80xi32, #tpu.memory_space<hbm>> -> memref<1x125x80xi32, #tpu.memory_space<hbm>>
      %dma_start3A_103 = tpu.memref_squeeze %dma_start3A_102 : memref<1x125x80xi32, #tpu.memory_space<hbm>> -> memref<125x80xi32, #tpu.memory_space<hbm>>
      %dma_start3A_104 = arith.constant 0 : i32
      %dma_start3A_105 = arith.constant 0 : i32
      %dma_start3A_106 = tpu.memref_slice %arg4[%add3A, %dma_start3A_104, %dma_start3A_105] : memref<32x125x80xi32, #tpu.memory_space<hbm>> -> memref<1x125x80xi32, #tpu.memory_space<hbm>>
      %dma_start3A_107 = tpu.memref_squeeze %dma_start3A_106 : memref<1x125x80xi32, #tpu.memory_space<hbm>> -> memref<125x80xi32, #tpu.memory_space<hbm>>
      tpu.enqueue_dma source(%dma_start3A_107 : memref<125x80xi32, #tpu.memory_space<hbm>>) target(%arg7 : memref<125x80xi32, #tpu.memory_space<vmem>>) target_semaphore(%run_scoped3A : memref<!tpu.dma_semaphore, #tpu.memory_space<semaphore_mem>>)
      %dma_wait3A_108 = arith.constant 0 : i32
      %dma_wait3A_109 = arith.constant 0 : i32
      %dma_wait3A_110 = tpu.memref_slice %arg4[%add3A, %dma_wait3A_108, %dma_wait3A_109] : memref<32x125x80xi32, #tpu.memory_space<hbm>> -> memref<1x125x80xi32, #tpu.memory_space<hbm>>
      %dma_wait3A_111 = tpu.memref_squeeze %dma_wait3A_110 : memref<1x125x80xi32, #tpu.memory_space<hbm>> -> memref<125x80xi32, #tpu.memory_space<hbm>>
      %dma_wait3A_112 = arith.constant 0 : i32
      %dma_wait3A_113 = arith.constant 0 : i32
      %dma_wait3A_114 = tpu.memref_slice %arg4[%add3A, %dma_wait3A_112, %dma_wait3A_113] : memref<32x125x80xi32, #tpu.memory_space<hbm>> -> memref<1x125x80xi32, #tpu.memory_space<hbm>>
      %dma_wait3A_115 = tpu.memref_squeeze %dma_wait3A_114 : memref<1x125x80xi32, #tpu.memory_space<hbm>> -> memref<125x80xi32, #tpu.memory_space<hbm>>
      tpu.wait_dma2 semaphore(%run_scoped3A : memref<!tpu.dma_semaphore, #tpu.memory_space<semaphore_mem>>) src(%dma_wait3A_115 : memref<125x80xi32, #tpu.memory_space<hbm>>) dst(%arg7 : memref<125x80xi32, #tpu.memory_space<vmem>>)
      tpu.yield
    }) : () -> ()
    %barrier3A = arith.constant 0 : index
    tpu.barrier barrier_id(%barrier3A)
    %dma_start3A = arith.constant 0 : i32
    %dma_start3A_12 = arith.constant 0 : i32
    %dma_start3A_13 = tpu.memref_slice %arg6[%dma_start3A, %dma_start3A_12] : memref<125x80xi32, #tpu.memory_space<vmem>> -> memref<1x80xi32, #tpu.memory_space<vmem>>
    %dma_start3A_14 = tpu.memref_squeeze %dma_start3A_13 : memref<1x80xi32, #tpu.memory_space<vmem>> -> memref<80xi32, #tpu.memory_space<vmem>>
    %dma_start3A_15 = arith.constant 0 : i32
    %dma_start3A_16 = arith.constant 0 : i32
    %dma_start3A_17 = tpu.memref_slice %arg2[%dma_start3A_15, %dma_start3A_16] : memref<10000x128xf32, #tpu.memory_space<hbm>> -> memref<10000x128xf32, #tpu.memory_space<hbm>>
    tpu.enqueue_indirect_dma source(%dma_start3A_17 : memref<10000x128xf32, #tpu.memory_space<hbm>>) target(%arg8 : memref<80x128xf32, #tpu.memory_space<vmem>>) offsets(%dma_start3A_14 : memref<80xi32, #tpu.memory_space<vmem>>) semaphore(%arg11 : memref<!tpu.dma_semaphore, #tpu.memory_space<semaphore_mem>>)
    %dma_start3A_18 = arith.constant 1 : i32
    %dma_start3A_19 = arith.constant 0 : i32
    %dma_start3A_20 = tpu.memref_slice %arg6[%dma_start3A_18, %dma_start3A_19] : memref<125x80xi32, #tpu.memory_space<vmem>> -> memref<1x80xi32, #tpu.memory_space<vmem>>
    %dma_start3A_21 = tpu.memref_squeeze %dma_start3A_20 : memref<1x80xi32, #tpu.memory_space<vmem>> -> memref<80xi32, #tpu.memory_space<vmem>>
    %dma_start3A_22 = arith.constant 0 : i32
    %dma_start3A_23 = arith.constant 0 : i32
    %dma_start3A_24 = tpu.memref_slice %arg2[%dma_start3A_22, %dma_start3A_23] : memref<10000x128xf32, #tpu.memory_space<hbm>> -> memref<10000x128xf32, #tpu.memory_space<hbm>>
    tpu.enqueue_indirect_dma source(%dma_start3A_24 : memref<10000x128xf32, #tpu.memory_space<hbm>>) target(%arg9 : memref<80x128xf32, #tpu.memory_space<vmem>>) offsets(%dma_start3A_21 : memref<80xi32, #tpu.memory_space<vmem>>) semaphore(%arg12 : memref<!tpu.dma_semaphore, #tpu.memory_space<semaphore_mem>>)
    %dma_wait3A = arith.constant 0 : i32
    %dma_wait3A_25 = arith.constant 0 : i32
    %dma_wait3A_26 = tpu.memref_slice %arg6[%dma_wait3A, %dma_wait3A_25] : memref<125x80xi32, #tpu.memory_space<vmem>> -> memref<1x80xi32, #tpu.memory_space<vmem>>
    %dma_wait3A_27 = tpu.memref_squeeze %dma_wait3A_26 : memref<1x80xi32, #tpu.memory_space<vmem>> -> memref<80xi32, #tpu.memory_space<vmem>>
    %dma_wait3A_28 = arith.constant 0 : i32
    %dma_wait3A_29 = arith.constant 0 : i32
    %dma_wait3A_30 = tpu.memref_slice %arg2[%dma_wait3A_28, %dma_wait3A_29] : memref<10000x128xf32, #tpu.memory_space<hbm>> -> memref<10000x128xf32, #tpu.memory_space<hbm>>
    tpu.wait_indirect_dma semaphore(%arg11 : memref<!tpu.dma_semaphore, #tpu.memory_space<semaphore_mem>>) src(%dma_wait3A_30 : memref<10000x128xf32, #tpu.memory_space<hbm>>) dst(%arg8 : memref<80x128xf32, #tpu.memory_space<vmem>>)
    %dma_start3A_31 = arith.constant 0 : i32
    %dma_start3A_32 = arith.constant 0 : i32
    %dma_start3A_33 = tpu.memref_slice %arg7[%dma_start3A_31, %dma_start3A_32] : memref<125x80xi32, #tpu.memory_space<vmem>> -> memref<1x80xi32, #tpu.memory_space<vmem>>
    %dma_start3A_34 = tpu.memref_squeeze %dma_start3A_33 : memref<1x80xi32, #tpu.memory_space<vmem>> -> memref<80xi32, #tpu.memory_space<vmem>>
    %dma_start3A_35 = arith.constant 0 : i32
    %dma_start3A_36 = arith.constant 0 : i32
    %dma_start3A_37 = tpu.memref_slice %arg10[%dma_start3A_35, %dma_start3A_36] : memref<10240x128xf32, #tpu.memory_space<vmem_shared>> -> memref<10240x128xf32, #tpu.memory_space<vmem_shared>>
    tpu.enqueue_indirect_dma source(%arg8 : memref<80x128xf32, #tpu.memory_space<vmem>>) target(%dma_start3A_37 : memref<10240x128xf32, #tpu.memory_space<vmem_shared>>) offsets(%dma_start3A_34 : memref<80xi32, #tpu.memory_space<vmem>>) semaphore(%arg13 : memref<!tpu.dma_semaphore, #tpu.memory_space<semaphore_mem>>) {add = true}
    %scan3A_38 = arith.constant 0 : i32
    %scan3A_39 = arith.constant 61 : i32
    %scan3A_40 = arith.addi %scan3A_38, %scan3A_39 : i32
    %scan3A_41 = arith.constant 1 : i32
    scf.for %scan3A_100 = %scan3A_38 to %scan3A_40 step %scan3A_41  : i32 {
      %mul3A_101 = arith.constant 2 : i32
      %mul3A_102 = arith.muli %scan3A_100, %mul3A_101 : i32
      %add3A_103 = arith.constant 1 : i32
      %add3A_104 = arith.addi %add3A_103, %mul3A_102 : i32
      %sub3A = arith.constant 1 : i32
      %sub3A_105 = arith.subi %add3A_104, %sub3A : i32
      %dma_wait3A_106 = arith.constant 0 : i32
      %dma_wait3A_107 = tpu.memref_slice %arg7[%sub3A_105, %dma_wait3A_106] : memref<125x80xi32, #tpu.memory_space<vmem>> -> memref<1x80xi32, #tpu.memory_space<vmem>>
      %dma_wait3A_108 = tpu.memref_squeeze %dma_wait3A_107 : memref<1x80xi32, #tpu.memory_space<vmem>> -> memref<80xi32, #tpu.memory_space<vmem>>
      %dma_wait3A_109 = arith.constant 0 : i32
      %dma_wait3A_110 = arith.constant 0 : i32
      %dma_wait3A_111 = tpu.memref_slice %arg10[%dma_wait3A_109, %dma_wait3A_110] : memref<10240x128xf32, #tpu.memory_space<vmem_shared>> -> memref<10240x128xf32, #tpu.memory_space<vmem_shared>>
      tpu.wait_indirect_dma semaphore(%arg13 : memref<!tpu.dma_semaphore, #tpu.memory_space<semaphore_mem>>) src(%arg8 : memref<80x128xf32, #tpu.memory_space<vmem>>) dst(%dma_wait3A_111 : memref<10240x128xf32, #tpu.memory_space<vmem_shared>>)
      %add3A_112 = arith.constant 1 : i32
      %add3A_113 = arith.addi %add3A_104, %add3A_112 : i32
      %dma_start3A_114 = arith.constant 0 : i32
      %dma_start3A_115 = tpu.memref_slice %arg6[%add3A_113, %dma_start3A_114] : memref<125x80xi32, #tpu.memory_space<vmem>> -> memref<1x80xi32, #tpu.memory_space<vmem>>
      %dma_start3A_116 = tpu.memref_squeeze %dma_start3A_115 : memref<1x80xi32, #tpu.memory_space<vmem>> -> memref<80xi32, #tpu.memory_space<vmem>>
      %dma_start3A_117 = arith.constant 0 : i32
      %dma_start3A_118 = arith.constant 0 : i32
      %dma_start3A_119 = tpu.memref_slice %arg2[%dma_start3A_117, %dma_start3A_118] : memref<10000x128xf32, #tpu.memory_space<hbm>> -> memref<10000x128xf32, #tpu.memory_space<hbm>>
      tpu.enqueue_indirect_dma source(%dma_start3A_119 : memref<10000x128xf32, #tpu.memory_space<hbm>>) target(%arg8 : memref<80x128xf32, #tpu.memory_space<vmem>>) offsets(%dma_start3A_116 : memref<80xi32, #tpu.memory_space<vmem>>) semaphore(%arg11 : memref<!tpu.dma_semaphore, #tpu.memory_space<semaphore_mem>>)
      %dma_wait3A_120 = arith.constant 0 : i32
      %dma_wait3A_121 = tpu.memref_slice %arg6[%add3A_104, %dma_wait3A_120] : memref<125x80xi32, #tpu.memory_space<vmem>> -> memref<1x80xi32, #tpu.memory_space<vmem>>
      %dma_wait3A_122 = tpu.memref_squeeze %dma_wait3A_121 : memref<1x80xi32, #tpu.memory_space<vmem>> -> memref<80xi32, #tpu.memory_space<vmem>>
      %dma_wait3A_123 = arith.constant 0 : i32
      %dma_wait3A_124 = arith.constant 0 : i32
      %dma_wait3A_125 = tpu.memref_slice %arg2[%dma_wait3A_123, %dma_wait3A_124] : memref<10000x128xf32, #tpu.memory_space<hbm>> -> memref<10000x128xf32, #tpu.memory_space<hbm>>
      tpu.wait_indirect_dma semaphore(%arg12 : memref<!tpu.dma_semaphore, #tpu.memory_space<semaphore_mem>>) src(%dma_wait3A_125 : memref<10000x128xf32, #tpu.memory_space<hbm>>) dst(%arg9 : memref<80x128xf32, #tpu.memory_space<vmem>>)
      %dma_start3A_126 = arith.constant 0 : i32
      %dma_start3A_127 = tpu.memref_slice %arg7[%add3A_104, %dma_start3A_126] : memref<125x80xi32, #tpu.memory_space<vmem>> -> memref<1x80xi32, #tpu.memory_space<vmem>>
      %dma_start3A_128 = tpu.memref_squeeze %dma_start3A_127 : memref<1x80xi32, #tpu.memory_space<vmem>> -> memref<80xi32, #tpu.memory_space<vmem>>
      %dma_start3A_129 = arith.constant 0 : i32
      %dma_start3A_130 = arith.constant 0 : i32
      %dma_start3A_131 = tpu.memref_slice %arg10[%dma_start3A_129, %dma_start3A_130] : memref<10240x128xf32, #tpu.memory_space<vmem_shared>> -> memref<10240x128xf32, #tpu.memory_space<vmem_shared>>
      tpu.enqueue_indirect_dma source(%arg9 : memref<80x128xf32, #tpu.memory_space<vmem>>) target(%dma_start3A_131 : memref<10240x128xf32, #tpu.memory_space<vmem_shared>>) offsets(%dma_start3A_128 : memref<80xi32, #tpu.memory_space<vmem>>) semaphore(%arg14 : memref<!tpu.dma_semaphore, #tpu.memory_space<semaphore_mem>>) {add = true}
      %dma_wait3A_132 = arith.constant 0 : i32
      %dma_wait3A_133 = tpu.memref_slice %arg7[%add3A_104, %dma_wait3A_132] : memref<125x80xi32, #tpu.memory_space<vmem>> -> memref<1x80xi32, #tpu.memory_space<vmem>>
      %dma_wait3A_134 = tpu.memref_squeeze %dma_wait3A_133 : memref<1x80xi32, #tpu.memory_space<vmem>> -> memref<80xi32, #tpu.memory_space<vmem>>
      %dma_wait3A_135 = arith.constant 0 : i32
      %dma_wait3A_136 = arith.constant 0 : i32
      %dma_wait3A_137 = tpu.memref_slice %arg10[%dma_wait3A_135, %dma_wait3A_136] : memref<10240x128xf32, #tpu.memory_space<vmem_shared>> -> memref<10240x128xf32, #tpu.memory_space<vmem_shared>>
      tpu.wait_indirect_dma semaphore(%arg14 : memref<!tpu.dma_semaphore, #tpu.memory_space<semaphore_mem>>) src(%arg9 : memref<80x128xf32, #tpu.memory_space<vmem>>) dst(%dma_wait3A_137 : memref<10240x128xf32, #tpu.memory_space<vmem_shared>>)
      %add3A_138 = arith.constant 2 : i32
      %add3A_139 = arith.addi %add3A_104, %add3A_138 : i32
      %dma_start3A_140 = arith.constant 0 : i32
      %dma_start3A_141 = tpu.memref_slice %arg6[%add3A_139, %dma_start3A_140] : memref<125x80xi32, #tpu.memory_space<vmem>> -> memref<1x80xi32, #tpu.memory_space<vmem>>
      %dma_start3A_142 = tpu.memref_squeeze %dma_start3A_141 : memref<1x80xi32, #tpu.memory_space<vmem>> -> memref<80xi32, #tpu.memory_space<vmem>>
      %dma_start3A_143 = arith.constant 0 : i32
      %dma_start3A_144 = arith.constant 0 : i32
      %dma_start3A_145 = tpu.memref_slice %arg2[%dma_start3A_143, %dma_start3A_144] : memref<10000x128xf32, #tpu.memory_space<hbm>> -> memref<10000x128xf32, #tpu.memory_space<hbm>>
      tpu.enqueue_indirect_dma source(%dma_start3A_145 : memref<10000x128xf32, #tpu.memory_space<hbm>>) target(%arg9 : memref<80x128xf32, #tpu.memory_space<vmem>>) offsets(%dma_start3A_142 : memref<80xi32, #tpu.memory_space<vmem>>) semaphore(%arg12 : memref<!tpu.dma_semaphore, #tpu.memory_space<semaphore_mem>>)
      %add3A_146 = arith.constant 1 : i32
      %add3A_147 = arith.addi %add3A_104, %add3A_146 : i32
      %dma_wait3A_148 = arith.constant 0 : i32
      %dma_wait3A_149 = tpu.memref_slice %arg6[%add3A_147, %dma_wait3A_148] : memref<125x80xi32, #tpu.memory_space<vmem>> -> memref<1x80xi32, #tpu.memory_space<vmem>>
      %dma_wait3A_150 = tpu.memref_squeeze %dma_wait3A_149 : memref<1x80xi32, #tpu.memory_space<vmem>> -> memref<80xi32, #tpu.memory_space<vmem>>
      %dma_wait3A_151 = arith.constant 0 : i32
      %dma_wait3A_152 = arith.constant 0 : i32
      %dma_wait3A_153 = tpu.memref_slice %arg2[%dma_wait3A_151, %dma_wait3A_152] : memref<10000x128xf32, #tpu.memory_space<hbm>> -> memref<10000x128xf32, #tpu.memory_space<hbm>>
      tpu.wait_indirect_dma semaphore(%arg11 : memref<!tpu.dma_semaphore, #tpu.memory_space<semaphore_mem>>) src(%dma_wait3A_153 : memref<10000x128xf32, #tpu.memory_space<hbm>>) dst(%arg8 : memref<80x128xf32, #tpu.memory_space<vmem>>)
      %add3A_154 = arith.constant 1 : i32
      %add3A_155 = arith.addi %add3A_104, %add3A_154 : i32
      %dma_start3A_156 = arith.constant 0 : i32
      %dma_start3A_157 = tpu.memref_slice %arg7[%add3A_155, %dma_start3A_156] : memref<125x80xi32, #tpu.memory_space<vmem>> -> memref<1x80xi32, #tpu.memory_space<vmem>>
      %dma_start3A_158 = tpu.memref_squeeze %dma_start3A_157 : memref<1x80xi32, #tpu.memory_space<vmem>> -> memref<80xi32, #tpu.memory_space<vmem>>
      %dma_start3A_159 = arith.constant 0 : i32
      %dma_start3A_160 = arith.constant 0 : i32
      %dma_start3A_161 = tpu.memref_slice %arg10[%dma_start3A_159, %dma_start3A_160] : memref<10240x128xf32, #tpu.memory_space<vmem_shared>> -> memref<10240x128xf32, #tpu.memory_space<vmem_shared>>
      tpu.enqueue_indirect_dma source(%arg8 : memref<80x128xf32, #tpu.memory_space<vmem>>) target(%dma_start3A_161 : memref<10240x128xf32, #tpu.memory_space<vmem_shared>>) offsets(%dma_start3A_158 : memref<80xi32, #tpu.memory_space<vmem>>) semaphore(%arg13 : memref<!tpu.dma_semaphore, #tpu.memory_space<semaphore_mem>>) {add = true}
    }
    %scan3A_42 = arith.constant 61 : i32
    %dma_wait3A_43 = arith.constant 123 : i32
    %dma_wait3A_44 = arith.constant 0 : i32
    %dma_wait3A_45 = tpu.memref_slice %arg6[%dma_wait3A_43, %dma_wait3A_44] : memref<125x80xi32, #tpu.memory_space<vmem>> -> memref<1x80xi32, #tpu.memory_space<vmem>>
    %dma_wait3A_46 = tpu.memref_squeeze %dma_wait3A_45 : memref<1x80xi32, #tpu.memory_space<vmem>> -> memref<80xi32, #tpu.memory_space<vmem>>
    %dma_wait3A_47 = arith.constant 0 : i32
    %dma_wait3A_48 = arith.constant 0 : i32
    %dma_wait3A_49 = tpu.memref_slice %arg2[%dma_wait3A_47, %dma_wait3A_48] : memref<10000x128xf32, #tpu.memory_space<hbm>> -> memref<10000x128xf32, #tpu.memory_space<hbm>>
    tpu.wait_indirect_dma semaphore(%arg12 : memref<!tpu.dma_semaphore, #tpu.memory_space<semaphore_mem>>) src(%dma_wait3A_49 : memref<10000x128xf32, #tpu.memory_space<hbm>>) dst(%arg9 : memref<80x128xf32, #tpu.memory_space<vmem>>)
    %dma_start3A_50 = arith.constant 123 : i32
    %dma_start3A_51 = arith.constant 0 : i32
    %dma_start3A_52 = tpu.memref_slice %arg7[%dma_start3A_50, %dma_start3A_51] : memref<125x80xi32, #tpu.memory_space<vmem>> -> memref<1x80xi32, #tpu.memory_space<vmem>>
    %dma_start3A_53 = tpu.memref_squeeze %dma_start3A_52 : memref<1x80xi32, #tpu.memory_space<vmem>> -> memref<80xi32, #tpu.memory_space<vmem>>
    %dma_start3A_54 = arith.constant 0 : i32
    %dma_start3A_55 = arith.constant 0 : i32
    %dma_start3A_56 = tpu.memref_slice %arg10[%dma_start3A_54, %dma_start3A_55] : memref<10240x128xf32, #tpu.memory_space<vmem_shared>> -> memref<10240x128xf32, #tpu.memory_space<vmem_shared>>
    tpu.enqueue_indirect_dma source(%arg9 : memref<80x128xf32, #tpu.memory_space<vmem>>) target(%dma_start3A_56 : memref<10240x128xf32, #tpu.memory_space<vmem_shared>>) offsets(%dma_start3A_53 : memref<80xi32, #tpu.memory_space<vmem>>) semaphore(%arg14 : memref<!tpu.dma_semaphore, #tpu.memory_space<semaphore_mem>>) {add = true}
    %dma_wait3A_57 = arith.constant 122 : i32
    %dma_wait3A_58 = arith.constant 0 : i32
    %dma_wait3A_59 = tpu.memref_slice %arg7[%dma_wait3A_57, %dma_wait3A_58] : memref<125x80xi32, #tpu.memory_space<vmem>> -> memref<1x80xi32, #tpu.memory_space<vmem>>
    %dma_wait3A_60 = tpu.memref_squeeze %dma_wait3A_59 : memref<1x80xi32, #tpu.memory_space<vmem>> -> memref<80xi32, #tpu.memory_space<vmem>>
    %dma_wait3A_61 = arith.constant 0 : i32
    %dma_wait3A_62 = arith.constant 0 : i32
    %dma_wait3A_63 = tpu.memref_slice %arg10[%dma_wait3A_61, %dma_wait3A_62] : memref<10240x128xf32, #tpu.memory_space<vmem_shared>> -> memref<10240x128xf32, #tpu.memory_space<vmem_shared>>
    tpu.wait_indirect_dma semaphore(%arg13 : memref<!tpu.dma_semaphore, #tpu.memory_space<semaphore_mem>>) src(%arg8 : memref<80x128xf32, #tpu.memory_space<vmem>>) dst(%dma_wait3A_63 : memref<10240x128xf32, #tpu.memory_space<vmem_shared>>)
    %dma_start3A_64 = arith.constant 124 : i32
    %dma_start3A_65 = arith.constant 0 : i32
    %dma_start3A_66 = tpu.memref_slice %arg6[%dma_start3A_64, %dma_start3A_65] : memref<125x80xi32, #tpu.memory_space<vmem>> -> memref<1x80xi32, #tpu.memory_space<vmem>>
    %dma_start3A_67 = tpu.memref_squeeze %dma_start3A_66 : memref<1x80xi32, #tpu.memory_space<vmem>> -> memref<80xi32, #tpu.memory_space<vmem>>
    %dma_start3A_68 = arith.constant 0 : i32
    %dma_start3A_69 = arith.constant 0 : i32
    %dma_start3A_70 = tpu.memref_slice %arg2[%dma_start3A_68, %dma_start3A_69] : memref<10000x128xf32, #tpu.memory_space<hbm>> -> memref<10000x128xf32, #tpu.memory_space<hbm>>
    tpu.enqueue_indirect_dma source(%dma_start3A_70 : memref<10000x128xf32, #tpu.memory_space<hbm>>) target(%arg8 : memref<80x128xf32, #tpu.memory_space<vmem>>) offsets(%dma_start3A_67 : memref<80xi32, #tpu.memory_space<vmem>>) semaphore(%arg11 : memref<!tpu.dma_semaphore, #tpu.memory_space<semaphore_mem>>)
    %dma_wait3A_71 = arith.constant 124 : i32
    %dma_wait3A_72 = arith.constant 0 : i32
    %dma_wait3A_73 = tpu.memref_slice %arg6[%dma_wait3A_71, %dma_wait3A_72] : memref<125x80xi32, #tpu.memory_space<vmem>> -> memref<1x80xi32, #tpu.memory_space<vmem>>
    %dma_wait3A_74 = tpu.memref_squeeze %dma_wait3A_73 : memref<1x80xi32, #tpu.memory_space<vmem>> -> memref<80xi32, #tpu.memory_space<vmem>>
    %dma_wait3A_75 = arith.constant 0 : i32
    %dma_wait3A_76 = arith.constant 0 : i32
    %dma_wait3A_77 = tpu.memref_slice %arg2[%dma_wait3A_75, %dma_wait3A_76] : memref<10000x128xf32, #tpu.memory_space<hbm>> -> memref<10000x128xf32, #tpu.memory_space<hbm>>
    tpu.wait_indirect_dma semaphore(%arg11 : memref<!tpu.dma_semaphore, #tpu.memory_space<semaphore_mem>>) src(%dma_wait3A_77 : memref<10000x128xf32, #tpu.memory_space<hbm>>) dst(%arg8 : memref<80x128xf32, #tpu.memory_space<vmem>>)
    %dma_start3A_78 = arith.constant 124 : i32
    %dma_start3A_79 = arith.constant 0 : i32
    %dma_start3A_80 = tpu.memref_slice %arg7[%dma_start3A_78, %dma_start3A_79] : memref<125x80xi32, #tpu.memory_space<vmem>> -> memref<1x80xi32, #tpu.memory_space<vmem>>
    %dma_start3A_81 = tpu.memref_squeeze %dma_start3A_80 : memref<1x80xi32, #tpu.memory_space<vmem>> -> memref<80xi32, #tpu.memory_space<vmem>>
    %dma_start3A_82 = arith.constant 0 : i32
    %dma_start3A_83 = arith.constant 0 : i32
    %dma_start3A_84 = tpu.memref_slice %arg10[%dma_start3A_82, %dma_start3A_83] : memref<10240x128xf32, #tpu.memory_space<vmem_shared>> -> memref<10240x128xf32, #tpu.memory_space<vmem_shared>>
    tpu.enqueue_indirect_dma source(%arg8 : memref<80x128xf32, #tpu.memory_space<vmem>>) target(%dma_start3A_84 : memref<10240x128xf32, #tpu.memory_space<vmem_shared>>) offsets(%dma_start3A_81 : memref<80xi32, #tpu.memory_space<vmem>>) semaphore(%arg13 : memref<!tpu.dma_semaphore, #tpu.memory_space<semaphore_mem>>) {add = true}
    %dma_wait3A_85 = arith.constant 123 : i32
    %dma_wait3A_86 = arith.constant 0 : i32
    %dma_wait3A_87 = tpu.memref_slice %arg7[%dma_wait3A_85, %dma_wait3A_86] : memref<125x80xi32, #tpu.memory_space<vmem>> -> memref<1x80xi32, #tpu.memory_space<vmem>>
    %dma_wait3A_88 = tpu.memref_squeeze %dma_wait3A_87 : memref<1x80xi32, #tpu.memory_space<vmem>> -> memref<80xi32, #tpu.memory_space<vmem>>
    %dma_wait3A_89 = arith.constant 0 : i32
    %dma_wait3A_90 = arith.constant 0 : i32
    %dma_wait3A_91 = tpu.memref_slice %arg10[%dma_wait3A_89, %dma_wait3A_90] : memref<10240x128xf32, #tpu.memory_space<vmem_shared>> -> memref<10240x128xf32, #tpu.memory_space<vmem_shared>>
    tpu.wait_indirect_dma semaphore(%arg14 : memref<!tpu.dma_semaphore, #tpu.memory_space<semaphore_mem>>) src(%arg9 : memref<80x128xf32, #tpu.memory_space<vmem>>) dst(%dma_wait3A_91 : memref<10240x128xf32, #tpu.memory_space<vmem_shared>>)
    %dma_wait3A_92 = arith.constant 124 : i32
    %dma_wait3A_93 = arith.constant 0 : i32
    %dma_wait3A_94 = tpu.memref_slice %arg7[%dma_wait3A_92, %dma_wait3A_93] : memref<125x80xi32, #tpu.memory_space<vmem>> -> memref<1x80xi32, #tpu.memory_space<vmem>>
    %dma_wait3A_95 = tpu.memref_squeeze %dma_wait3A_94 : memref<1x80xi32, #tpu.memory_space<vmem>> -> memref<80xi32, #tpu.memory_space<vmem>>
    %dma_wait3A_96 = arith.constant 0 : i32
    %dma_wait3A_97 = arith.constant 0 : i32
    %dma_wait3A_98 = tpu.memref_slice %arg10[%dma_wait3A_96, %dma_wait3A_97] : memref<10240x128xf32, #tpu.memory_space<vmem_shared>> -> memref<10240x128xf32, #tpu.memory_space<vmem_shared>>
    tpu.wait_indirect_dma semaphore(%arg13 : memref<!tpu.dma_semaphore, #tpu.memory_space<semaphore_mem>>) src(%arg8 : memref<80x128xf32, #tpu.memory_space<vmem>>) dst(%dma_wait3A_98 : memref<10240x128xf32, #tpu.memory_space<vmem_shared>>)
    %barrier3A_99 = arith.constant 0 : index
    tpu.barrier barrier_id(%barrier3A_99)
    "tpu.region"() ({
      %run_scoped3A = tpu.sem_alloc : memref<!tpu.dma_semaphore, #tpu.memory_space<semaphore_mem>>
      %dma_start3A_100 = arith.constant 0 : i32
      %dma_start3A_101 = tpu.memref_slice %arg5[%arg0, %mul3A_2, %dma_start3A_100] : memref<2x10240x128xf32, #tpu.memory_space<hbm>> -> memref<1x640x128xf32, #tpu.memory_space<hbm>>
      %dma_start3A_102 = tpu.memref_squeeze %dma_start3A_101 : memref<1x640x128xf32, #tpu.memory_space<hbm>> -> memref<640x128xf32, #tpu.memory_space<hbm>>
      %dma_start3A_103 = arith.constant 0 : i32
      %dma_start3A_104 = tpu.memref_slice %arg10[%mul3A_2, %dma_start3A_103] : memref<10240x128xf32, #tpu.memory_space<vmem_shared>> -> memref<640x128xf32, #tpu.memory_space<vmem_shared>>
      tpu.enqueue_dma source(%dma_start3A_104 : memref<640x128xf32, #tpu.memory_space<vmem_shared>>) target(%dma_start3A_102 : memref<640x128xf32, #tpu.memory_space<hbm>>) target_semaphore(%run_scoped3A : memref<!tpu.dma_semaphore, #tpu.memory_space<semaphore_mem>>)
      %dma_wait3A_105 = arith.constant 0 : i32
      %dma_wait3A_106 = tpu.memref_slice %arg5[%arg0, %mul3A_2, %dma_wait3A_105] : memref<2x10240x128xf32, #tpu.memory_space<hbm>> -> memref<1x640x128xf32, #tpu.memory_space<hbm>>
      %dma_wait3A_107 = tpu.memref_squeeze %dma_wait3A_106 : memref<1x640x128xf32, #tpu.memory_space<hbm>> -> memref<640x128xf32, #tpu.memory_space<hbm>>
      %dma_wait3A_108 = arith.constant 0 : i32
      %dma_wait3A_109 = tpu.memref_slice %arg10[%mul3A_2, %dma_wait3A_108] : memref<10240x128xf32, #tpu.memory_space<vmem_shared>> -> memref<640x128xf32, #tpu.memory_space<vmem_shared>>
      tpu.wait_dma2 semaphore(%run_scoped3A : memref<!tpu.dma_semaphore, #tpu.memory_space<semaphore_mem>>) src(%dma_wait3A_109 : memref<640x128xf32, #tpu.memory_space<vmem_shared>>) dst(%dma_wait3A_107 : memref<640x128xf32, #tpu.memory_space<hbm>>)
      tpu.yield
    }) : () -> ()
    return
  }
}

module attributes {stable_mosaic.version = 14 : i64} {
  func.func @_l1_body(%arg0: i32, %arg1: memref<2x1000x128xf32, #tpu.memory_space<vmem>>, %arg2: memref<2x1000x16xf32, #tpu.memory_space<vmem>>, %arg3: memref<1x128xf32, #tpu.memory_space<vmem>>, %arg4: memref<128x128xf32, #tpu.memory_space<vmem>>, %arg5: memref<128x128xf32, #tpu.memory_space<vmem>>, %arg6: memref<1000x128xf32, #tpu.memory_space<vmem>>, %arg7: memref<1000x128xf32, #tpu.memory_space<vmem>>) attributes {dimension_semantics = [#tpu.dimension_semantics<arbitrary>], iteration_bounds = array<i64: 10>, scalar_prefetch = 0 : i64, scratch_operands = 0 : i64, tpu.core_type = #tpu.core_type<tc>, window_params = [{transform_indices = @transform_0, window_bounds = array<i64: 2, 1000, 128>}, {transform_indices = @transform_1, window_bounds = array<i64: 2, 1000, 16>}, {pipeline_mode = #tpu.pipeline_mode<synchronous>, transform_indices = @transform_2, window_bounds = array<i64: 1, 128>}, {pipeline_mode = #tpu.pipeline_mode<synchronous>, transform_indices = @transform_3, window_bounds = array<i64: 128, 128>}, {pipeline_mode = #tpu.pipeline_mode<synchronous>, transform_indices = @transform_4, window_bounds = array<i64: 128, 128>}, {transform_indices = @transform_5, window_bounds = array<i64: 1000, 128>}, {transform_indices = @transform_6, window_bounds = array<i64: 1000, 128>}]} {
    %get3A = arith.constant 0 : index
    %get3A_0 = arith.constant 0 : index
    %get3A_1 = arith.constant 0 : index
    %get3A_2 = vector.load %arg1[%get3A, %get3A_0, %get3A_1] : memref<2x1000x128xf32, #tpu.memory_space<vmem>>, vector<1x1000x128xf32>
    %get3A_3 = vector.shape_cast %get3A_2 : vector<1x1000x128xf32> to vector<1000x128xf32>
    %get3A_4 = arith.constant 1 : index
    %get3A_5 = arith.constant 0 : index
    %get3A_6 = arith.constant 0 : index
    %get3A_7 = vector.load %arg1[%get3A_4, %get3A_5, %get3A_6] : memref<2x1000x128xf32, #tpu.memory_space<vmem>>, vector<1x1000x128xf32>
    %get3A_8 = vector.shape_cast %get3A_7 : vector<1x1000x128xf32> to vector<1000x128xf32>
    %add3A = arith.addf %get3A_3, %get3A_8 : vector<1000x128xf32>
    %get3A_9 = arith.constant 0 : index
    %get3A_10 = arith.constant 0 : index
    %get3A_11 = arith.constant 0 : index
    %get3A_12 = vector.load %arg2[%get3A_9, %get3A_10, %get3A_11] : memref<2x1000x16xf32, #tpu.memory_space<vmem>>, vector<1x1000x1xf32>
    %get3A_13 = vector.shape_cast %get3A_12 : vector<1x1000x1xf32> to vector<1000x1xf32>
    %get3A_14 = arith.constant 1 : index
    %get3A_15 = arith.constant 0 : index
    %get3A_16 = arith.constant 0 : index
    %get3A_17 = vector.load %arg2[%get3A_14, %get3A_15, %get3A_16] : memref<2x1000x16xf32, #tpu.memory_space<vmem>>, vector<1x1000x1xf32>
    %get3A_18 = vector.shape_cast %get3A_17 : vector<1x1000x1xf32> to vector<1000x1xf32>
    %add3A_19 = arith.addf %get3A_13, %get3A_18 : vector<1000x1xf32>
    %max3A = arith.constant 1.000000e+00 : f32
    %max3A_20 = vector.broadcast %max3A : f32 to vector<1000x1xf32>
    %max3A_21 = arith.maximumf %add3A_19, %max3A_20 : vector<1000x1xf32>
    %div3A = arith.constant 1.000000e+00 : f32
    %div3A_22 = vector.broadcast %div3A : f32 to vector<1000x1xf32>
    %div3A_23 = arith.divf %div3A_22, %max3A_21 : vector<1000x1xf32>
    %mul3A = vector.broadcast %div3A_23 : vector<1000x1xf32> to vector<1000x128xf32>
    %mul3A_24 = arith.mulf %add3A, %mul3A : vector<1000x128xf32>
    %get3A_25 = arith.constant 0 : index
    %get3A_26 = arith.constant 0 : index
    %get3A_27 = vector.load %arg3[%get3A_25, %get3A_26] : memref<1x128xf32, #tpu.memory_space<vmem>>, vector<1x128xf32>
    %add3A_28 = vector.broadcast %get3A_27 : vector<1x128xf32> to vector<1000x128xf32>
    %add3A_29 = arith.addf %mul3A_24, %add3A_28 : vector<1000x128xf32>
    %max3A_30 = arith.constant 0.000000e+00 : f32
    %max3A_31 = vector.broadcast %max3A_30 : f32 to vector<1000x128xf32>
    %max3A_32 = arith.maximumf %add3A_29, %max3A_31 : vector<1000x128xf32>
    %get3A_33 = arith.constant 0 : index
    %get3A_34 = arith.constant 0 : index
    %get3A_35 = vector.load %arg4[%get3A_33, %get3A_34] : memref<128x128xf32, #tpu.memory_space<vmem>>, vector<128x128xf32>
    %dot_general3A = arith.constant dense<0.000000e+00> : vector<1000x128xf32>
    %dot_general3A_36 = tpu.matmul %max3A_32, %get3A_35, %dot_general3A {dimension_numbers = #tpu.dot_dimension_numbers<[1], [0], [0], [1], [0, 0, 1, 1], [], []>, transpose_lhs_hint = false} : vector<1000x128xf32>, vector<128x128xf32>, vector<1000x128xf32> -> vector<1000x128xf32>
    %swap3A = arith.constant 0 : index
    %swap3A_37 = arith.constant 0 : index
    %swap3A_38 = vector.load %arg6[%swap3A, %swap3A_37] : memref<1000x128xf32, #tpu.memory_space<vmem>>, vector<1000x128xf32>
    tpu.vector_store %arg6[%swap3A, %swap3A_37], %dot_general3A_36 {strides = array<i32>} : memref<1000x128xf32, #tpu.memory_space<vmem>>, vector<1000x128xf32>,
    %get3A_39 = arith.constant 0 : index
    %get3A_40 = arith.constant 0 : index
    %get3A_41 = vector.load %arg5[%get3A_39, %get3A_40] : memref<128x128xf32, #tpu.memory_space<vmem>>, vector<128x128xf32>
    %dot_general3A_42 = arith.constant dense<0.000000e+00> : vector<1000x128xf32>
    %dot_general3A_43 = tpu.matmul %max3A_32, %get3A_41, %dot_general3A_42 {dimension_numbers = #tpu.dot_dimension_numbers<[1], [0], [0], [1], [0, 0, 1, 1], [], []>, transpose_lhs_hint = false} : vector<1000x128xf32>, vector<128x128xf32>, vector<1000x128xf32> -> vector<1000x128xf32>
    %swap3A_44 = arith.constant 0 : index
    %swap3A_45 = arith.constant 0 : index
    %swap3A_46 = vector.load %arg7[%swap3A_44, %swap3A_45] : memref<1000x128xf32, #tpu.memory_space<vmem>>, vector<1000x128xf32>
    tpu.vector_store %arg7[%swap3A_44, %swap3A_45], %dot_general3A_43 {strides = array<i32>} : memref<1000x128xf32, #tpu.memory_space<vmem>>, vector<1000x128xf32>,
    return
  }
  func.func @transform_0(%arg0: i32) -> (i32, i32, i32) {
    %c0_i32 = arith.constant 0 : i32
    %c0_i32_0 = arith.constant 0 : i32
    %c0_i32_1 = arith.constant 0 : i32
    return %c0_i32, %arg0, %c0_i32_0 : i32, i32, i32
  }
  func.func @transform_1(%arg0: i32) -> (i32, i32, i32) {
    %c0_i32 = arith.constant 0 : i32
    %c0_i32_0 = arith.constant 0 : i32
    %c0_i32_1 = arith.constant 0 : i32
    return %c0_i32, %arg0, %c0_i32_0 : i32, i32, i32
  }
  func.func @transform_2(%arg0: i32) -> (i32, i32) {
    %c0_i32 = arith.constant 0 : i32
    %c0_i32_0 = arith.constant 0 : i32
    %c0_i32_1 = arith.constant 0 : i32
    return %c0_i32, %c0_i32_0 : i32, i32
  }
  func.func @transform_3(%arg0: i32) -> (i32, i32) {
    %c0_i32 = arith.constant 0 : i32
    %c0_i32_0 = arith.constant 0 : i32
    %c0_i32_1 = arith.constant 0 : i32
    return %c0_i32, %c0_i32_0 : i32, i32
  }
  func.func @transform_4(%arg0: i32) -> (i32, i32) {
    %c0_i32 = arith.constant 0 : i32
    %c0_i32_0 = arith.constant 0 : i32
    %c0_i32_1 = arith.constant 0 : i32
    return %c0_i32, %c0_i32_0 : i32, i32
  }
  func.func @transform_5(%arg0: i32) -> (i32, i32) {
    %c0_i32 = arith.constant 0 : i32
    %c0_i32_0 = arith.constant 0 : i32
    return %arg0, %c0_i32 : i32, i32
  }
  func.func @transform_6(%arg0: i32) -> (i32, i32) {
    %c0_i32 = arith.constant 0 : i32
    %c0_i32_0 = arith.constant 0 : i32
    return %arg0, %c0_i32 : i32, i32
  }
}

module attributes {stable_mosaic.version = 14 : i64} {
  func.func @_mm_body(%arg0: i32, %arg1: memref<1000x128xf32, #tpu.memory_space<vmem>>, %arg2: memref<128x128xf32, #tpu.memory_space<vmem>>, %arg3: memref<1000x128xf32, #tpu.memory_space<vmem>>) attributes {dimension_semantics = [#tpu.dimension_semantics<arbitrary>], iteration_bounds = array<i64: 10>, scalar_prefetch = 0 : i64, scratch_operands = 0 : i64, tpu.core_type = #tpu.core_type<tc>, window_params = [{transform_indices = @transform_0, window_bounds = array<i64: 1000, 128>}, {pipeline_mode = #tpu.pipeline_mode<synchronous>, transform_indices = @transform_1, window_bounds = array<i64: 128, 128>}, {transform_indices = @transform_2, window_bounds = array<i64: 1000, 128>}]} {
    %get3A = arith.constant 0 : index
    %get3A_0 = arith.constant 0 : index
    %get3A_1 = vector.load %arg1[%get3A, %get3A_0] : memref<1000x128xf32, #tpu.memory_space<vmem>>, vector<1000x128xf32>
    %get3A_2 = arith.constant 0 : index
    %get3A_3 = arith.constant 0 : index
    %get3A_4 = vector.load %arg2[%get3A_2, %get3A_3] : memref<128x128xf32, #tpu.memory_space<vmem>>, vector<128x128xf32>
    %dot_general3A = arith.constant dense<0.000000e+00> : vector<1000x128xf32>
    %dot_general3A_5 = tpu.matmul %get3A_1, %get3A_4, %dot_general3A {dimension_numbers = #tpu.dot_dimension_numbers<[1], [0], [0], [1], [0, 0, 1, 1], [], []>, transpose_lhs_hint = false} : vector<1000x128xf32>, vector<128x128xf32>, vector<1000x128xf32> -> vector<1000x128xf32>
    %swap3A = arith.constant 0 : index
    %swap3A_6 = arith.constant 0 : index
    %swap3A_7 = vector.load %arg3[%swap3A, %swap3A_6] : memref<1000x128xf32, #tpu.memory_space<vmem>>, vector<1000x128xf32>
    tpu.vector_store %arg3[%swap3A, %swap3A_6], %dot_general3A_5 {strides = array<i32>} : memref<1000x128xf32, #tpu.memory_space<vmem>>, vector<1000x128xf32>,
    return
  }
  func.func @transform_0(%arg0: i32) -> (i32, i32) {
    %c0_i32 = arith.constant 0 : i32
    %c0_i32_0 = arith.constant 0 : i32
    return %arg0, %c0_i32 : i32, i32
  }
  func.func @transform_1(%arg0: i32) -> (i32, i32) {
    %c0_i32 = arith.constant 0 : i32
    %c0_i32_0 = arith.constant 0 : i32
    %c0_i32_1 = arith.constant 0 : i32
    return %c0_i32, %c0_i32_0 : i32, i32
  }
  func.func @transform_2(%arg0: i32) -> (i32, i32) {
    %c0_i32 = arith.constant 0 : i32
    %c0_i32_0 = arith.constant 0 : i32
    return %arg0, %c0_i32 : i32, i32
  }
}

module attributes {stable_mosaic.version = 14 : i64} {
  func.func @_l2_body(%arg0: i32, %arg1: memref<2x1000x128xf32, #tpu.memory_space<vmem>>, %arg2: memref<2x1000x16xf32, #tpu.memory_space<vmem>>, %arg3: memref<1x128xf32, #tpu.memory_space<vmem>>, %arg4: memref<128x128xf32, #tpu.memory_space<vmem>>, %arg5: memref<1000x128xf32, #tpu.memory_space<vmem>>, %arg6: memref<1000x128xf32, #tpu.memory_space<vmem>>) attributes {dimension_semantics = [#tpu.dimension_semantics<arbitrary>], iteration_bounds = array<i64: 10>, scalar_prefetch = 0 : i64, scratch_operands = 0 : i64, tpu.core_type = #tpu.core_type<tc>, window_params = [{transform_indices = @transform_0, window_bounds = array<i64: 2, 1000, 128>}, {transform_indices = @transform_1, window_bounds = array<i64: 2, 1000, 16>}, {pipeline_mode = #tpu.pipeline_mode<synchronous>, transform_indices = @transform_2, window_bounds = array<i64: 1, 128>}, {pipeline_mode = #tpu.pipeline_mode<synchronous>, transform_indices = @transform_3, window_bounds = array<i64: 128, 128>}, {transform_indices = @transform_4, window_bounds = array<i64: 1000, 128>}, {transform_indices = @transform_5, window_bounds = array<i64: 1000, 128>}]} {
    %get3A = arith.constant 0 : index
    %get3A_0 = arith.constant 0 : index
    %get3A_1 = arith.constant 0 : index
    %get3A_2 = vector.load %arg1[%get3A, %get3A_0, %get3A_1] : memref<2x1000x128xf32, #tpu.memory_space<vmem>>, vector<1x1000x128xf32>
    %get3A_3 = vector.shape_cast %get3A_2 : vector<1x1000x128xf32> to vector<1000x128xf32>
    %get3A_4 = arith.constant 1 : index
    %get3A_5 = arith.constant 0 : index
    %get3A_6 = arith.constant 0 : index
    %get3A_7 = vector.load %arg1[%get3A_4, %get3A_5, %get3A_6] : memref<2x1000x128xf32, #tpu.memory_space<vmem>>, vector<1x1000x128xf32>
    %get3A_8 = vector.shape_cast %get3A_7 : vector<1x1000x128xf32> to vector<1000x128xf32>
    %add3A = arith.addf %get3A_3, %get3A_8 : vector<1000x128xf32>
    %get3A_9 = arith.constant 0 : index
    %get3A_10 = arith.constant 0 : index
    %get3A_11 = arith.constant 0 : index
    %get3A_12 = vector.load %arg2[%get3A_9, %get3A_10, %get3A_11] : memref<2x1000x16xf32, #tpu.memory_space<vmem>>, vector<1x1000x1xf32>
    %get3A_13 = vector.shape_cast %get3A_12 : vector<1x1000x1xf32> to vector<1000x1xf32>
    %get3A_14 = arith.constant 1 : index
    %get3A_15 = arith.constant 0 : index
    %get3A_16 = arith.constant 0 : index
    %get3A_17 = vector.load %arg2[%get3A_14, %get3A_15, %get3A_16] : memref<2x1000x16xf32, #tpu.memory_space<vmem>>, vector<1x1000x1xf32>
    %get3A_18 = vector.shape_cast %get3A_17 : vector<1x1000x1xf32> to vector<1000x1xf32>
    %add3A_19 = arith.addf %get3A_13, %get3A_18 : vector<1000x1xf32>
    %max3A = arith.constant 1.000000e+00 : f32
    %max3A_20 = vector.broadcast %max3A : f32 to vector<1000x1xf32>
    %max3A_21 = arith.maximumf %add3A_19, %max3A_20 : vector<1000x1xf32>
    %div3A = arith.constant 1.000000e+00 : f32
    %div3A_22 = vector.broadcast %div3A : f32 to vector<1000x1xf32>
    %div3A_23 = arith.divf %div3A_22, %max3A_21 : vector<1000x1xf32>
    %mul3A = vector.broadcast %div3A_23 : vector<1000x1xf32> to vector<1000x128xf32>
    %mul3A_24 = arith.mulf %add3A, %mul3A : vector<1000x128xf32>
    %get3A_25 = arith.constant 0 : index
    %get3A_26 = arith.constant 0 : index
    %get3A_27 = vector.load %arg3[%get3A_25, %get3A_26] : memref<1x128xf32, #tpu.memory_space<vmem>>, vector<1x128xf32>
    %add3A_28 = vector.broadcast %get3A_27 : vector<1x128xf32> to vector<1000x128xf32>
    %add3A_29 = arith.addf %mul3A_24, %add3A_28 : vector<1000x128xf32>
    %max3A_30 = arith.constant 0.000000e+00 : f32
    %max3A_31 = vector.broadcast %max3A_30 : f32 to vector<1000x128xf32>
    %max3A_32 = arith.maximumf %add3A_29, %max3A_31 : vector<1000x128xf32>
    %get3A_33 = arith.constant 0 : index
    %get3A_34 = arith.constant 0 : index
    %get3A_35 = vector.load %arg5[%get3A_33, %get3A_34] : memref<1000x128xf32, #tpu.memory_space<vmem>>, vector<1000x128xf32>
    %get3A_36 = arith.constant 0 : index
    %get3A_37 = arith.constant 0 : index
    %get3A_38 = vector.load %arg4[%get3A_36, %get3A_37] : memref<128x128xf32, #tpu.memory_space<vmem>>, vector<128x128xf32>
    %dot_general3A = arith.constant dense<0.000000e+00> : vector<1000x128xf32>
    %dot_general3A_39 = tpu.matmul %max3A_32, %get3A_38, %dot_general3A {dimension_numbers = #tpu.dot_dimension_numbers<[1], [0], [0], [1], [0, 0, 1, 1], [], []>, transpose_lhs_hint = false} : vector<1000x128xf32>, vector<128x128xf32>, vector<1000x128xf32> -> vector<1000x128xf32>
    %add3A_40 = arith.addf %get3A_35, %dot_general3A_39 : vector<1000x128xf32>
    %swap3A = arith.constant 0 : index
    %swap3A_41 = arith.constant 0 : index
    %swap3A_42 = vector.load %arg6[%swap3A, %swap3A_41] : memref<1000x128xf32, #tpu.memory_space<vmem>>, vector<1000x128xf32>
    tpu.vector_store %arg6[%swap3A, %swap3A_41], %add3A_40 {strides = array<i32>} : memref<1000x128xf32, #tpu.memory_space<vmem>>, vector<1000x128xf32>,
    return
  }
  func.func @transform_0(%arg0: i32) -> (i32, i32, i32) {
    %c0_i32 = arith.constant 0 : i32
    %c0_i32_0 = arith.constant 0 : i32
    %c0_i32_1 = arith.constant 0 : i32
    return %c0_i32, %arg0, %c0_i32_0 : i32, i32, i32
  }
  func.func @transform_1(%arg0: i32) -> (i32, i32, i32) {
    %c0_i32 = arith.constant 0 : i32
    %c0_i32_0 = arith.constant 0 : i32
    %c0_i32_1 = arith.constant 0 : i32
    return %c0_i32, %arg0, %c0_i32_0 : i32, i32, i32
  }
  func.func @transform_2(%arg0: i32) -> (i32, i32) {
    %c0_i32 = arith.constant 0 : i32
    %c0_i32_0 = arith.constant 0 : i32
    %c0_i32_1 = arith.constant 0 : i32
    return %c0_i32, %c0_i32_0 : i32, i32
  }
  func.func @transform_3(%arg0: i32) -> (i32, i32) {
    %c0_i32 = arith.constant 0 : i32
    %c0_i32_0 = arith.constant 0 : i32
    %c0_i32_1 = arith.constant 0 : i32
    return %c0_i32, %c0_i32_0 : i32, i32
  }
  func.func @transform_4(%arg0: i32) -> (i32, i32) {
    %c0_i32 = arith.constant 0 : i32
    %c0_i32_0 = arith.constant 0 : i32
    return %arg0, %c0_i32 : i32, i32
  }
  func.func @transform_5(%arg0: i32) -> (i32, i32) {
    %c0_i32 = arith.constant 0 : i32
    %c0_i32_0 = arith.constant 0 : i32
    return %arg0, %c0_i32 : i32, i32
  }
}

module attributes {stable_mosaic.version = 14 : i64} {
  func.func @_l3_body(%arg0: i32, %arg1: memref<2x1000x128xf32, #tpu.memory_space<vmem>>, %arg2: memref<2x1000x16xf32, #tpu.memory_space<vmem>>, %arg3: memref<1x128xf32, #tpu.memory_space<vmem>>, %arg4: memref<1000x128xf32, #tpu.memory_space<vmem>>) attributes {dimension_semantics = [#tpu.dimension_semantics<arbitrary>], iteration_bounds = array<i64: 10>, scalar_prefetch = 0 : i64, scratch_operands = 0 : i64, tpu.core_type = #tpu.core_type<tc>, window_params = [{transform_indices = @transform_0, window_bounds = array<i64: 2, 1000, 128>}, {transform_indices = @transform_1, window_bounds = array<i64: 2, 1000, 16>}, {pipeline_mode = #tpu.pipeline_mode<synchronous>, transform_indices = @transform_2, window_bounds = array<i64: 1, 128>}, {transform_indices = @transform_3, window_bounds = array<i64: 1000, 128>}]} {
    %get3A = arith.constant 0 : index
    %get3A_0 = arith.constant 0 : index
    %get3A_1 = arith.constant 0 : index
    %get3A_2 = vector.load %arg1[%get3A, %get3A_0, %get3A_1] : memref<2x1000x128xf32, #tpu.memory_space<vmem>>, vector<1x1000x128xf32>
    %get3A_3 = vector.shape_cast %get3A_2 : vector<1x1000x128xf32> to vector<1000x128xf32>
    %get3A_4 = arith.constant 1 : index
    %get3A_5 = arith.constant 0 : index
    %get3A_6 = arith.constant 0 : index
    %get3A_7 = vector.load %arg1[%get3A_4, %get3A_5, %get3A_6] : memref<2x1000x128xf32, #tpu.memory_space<vmem>>, vector<1x1000x128xf32>
    %get3A_8 = vector.shape_cast %get3A_7 : vector<1x1000x128xf32> to vector<1000x128xf32>
    %add3A = arith.addf %get3A_3, %get3A_8 : vector<1000x128xf32>
    %get3A_9 = arith.constant 0 : index
    %get3A_10 = arith.constant 0 : index
    %get3A_11 = arith.constant 0 : index
    %get3A_12 = vector.load %arg2[%get3A_9, %get3A_10, %get3A_11] : memref<2x1000x16xf32, #tpu.memory_space<vmem>>, vector<1x1000x1xf32>
    %get3A_13 = vector.shape_cast %get3A_12 : vector<1x1000x1xf32> to vector<1000x1xf32>
    %get3A_14 = arith.constant 1 : index
    %get3A_15 = arith.constant 0 : index
    %get3A_16 = arith.constant 0 : index
    %get3A_17 = vector.load %arg2[%get3A_14, %get3A_15, %get3A_16] : memref<2x1000x16xf32, #tpu.memory_space<vmem>>, vector<1x1000x1xf32>
    %get3A_18 = vector.shape_cast %get3A_17 : vector<1x1000x1xf32> to vector<1000x1xf32>
    %add3A_19 = arith.addf %get3A_13, %get3A_18 : vector<1000x1xf32>
    %max3A = arith.constant 1.000000e+00 : f32
    %max3A_20 = vector.broadcast %max3A : f32 to vector<1000x1xf32>
    %max3A_21 = arith.maximumf %add3A_19, %max3A_20 : vector<1000x1xf32>
    %div3A = arith.constant 1.000000e+00 : f32
    %div3A_22 = vector.broadcast %div3A : f32 to vector<1000x1xf32>
    %div3A_23 = arith.divf %div3A_22, %max3A_21 : vector<1000x1xf32>
    %mul3A = vector.broadcast %div3A_23 : vector<1000x1xf32> to vector<1000x128xf32>
    %mul3A_24 = arith.mulf %add3A, %mul3A : vector<1000x128xf32>
    %get3A_25 = arith.constant 0 : index
    %get3A_26 = arith.constant 0 : index
    %get3A_27 = vector.load %arg3[%get3A_25, %get3A_26] : memref<1x128xf32, #tpu.memory_space<vmem>>, vector<1x128xf32>
    %add3A_28 = vector.broadcast %get3A_27 : vector<1x128xf32> to vector<1000x128xf32>
    %add3A_29 = arith.addf %mul3A_24, %add3A_28 : vector<1000x128xf32>
    %swap3A = arith.constant 0 : index
    %swap3A_30 = arith.constant 0 : index
    %swap3A_31 = vector.load %arg4[%swap3A, %swap3A_30] : memref<1000x128xf32, #tpu.memory_space<vmem>>, vector<1000x128xf32>
    tpu.vector_store %arg4[%swap3A, %swap3A_30], %add3A_29 {strides = array<i32>} : memref<1000x128xf32, #tpu.memory_space<vmem>>, vector<1000x128xf32>,
    return
  }
  func.func @transform_0(%arg0: i32) -> (i32, i32, i32) {
    %c0_i32 = arith.constant 0 : i32
    %c0_i32_0 = arith.constant 0 : i32
    %c0_i32_1 = arith.constant 0 : i32
    return %c0_i32, %arg0, %c0_i32_0 : i32, i32, i32
  }
  func.func @transform_1(%arg0: i32) -> (i32, i32, i32) {
    %c0_i32 = arith.constant 0 : i32
    %c0_i32_0 = arith.constant 0 : i32
    %c0_i32_1 = arith.constant 0 : i32
    return %c0_i32, %arg0, %c0_i32_0 : i32, i32, i32
  }
  func.func @transform_2(%arg0: i32) -> (i32, i32) {
    %c0_i32 = arith.constant 0 : i32
    %c0_i32_0 = arith.constant 0 : i32
    %c0_i32_1 = arith.constant 0 : i32
    return %c0_i32, %c0_i32_0 : i32, i32
  }
  func.func @transform_3(%arg0: i32) -> (i32, i32) {
    %c0_i32 = arith.constant 0 : i32
    %c0_i32_0 = arith.constant 0 : i32
    return %arg0, %c0_i32 : i32, i32
  }
}

</mosaic_0001>

<sc_bundles>
// kernel: kernel.10.cloned.1.call-start
scs
__scs_entry_jumppad:
0x0: {  	(pc) =	sbr.rel $0x88, $3  }
0x1: {  	(tag) =	ssettag $0x0;
	lr =	simm.s32 $0x1  }
0x2: {  	[smem:$0x3F99] =	sst lr;
	_ =	strace $0xD0000000  }
0x3: {  	_ = 	snop  }
0x4: {  	_ = 	snop  }
0x5: {  	_ = 	snop  }
0x6: {  	_ = 	snop  }
0x7: {  	_ = 	snop  }
__scs_overlays_trampoline_lowered:
0x8: {  	[smem:$0x3FA8] =	sst s0  }
0x9: {  	[smem:$0x3FA9] =	sst s1  }
0xa: {  	[smem:$0x3FAA] =	sst s2  }
0xb: {  	[smem:$0x3FAB] =	sst s3  }
0xc: {  	[smem:$0x3FAC] =	sst s4  }
0xd: {  	[smem:$0x3FAD] =	sst s5  }
0xe: {  	[smem:$0x3FAE] =	sst s6  }
0xf: {  	[smem:$0x3FAF] =	sst s7  }
0x10: {  	[smem:$0x3FB0] =	sst s8  }
0x11: {  	[smem:$0x3FB1] =	sst s9;
	s0 =	simm.s32 @!p0 $0x0  }
0x12: {  	s1 =	sld [smem:$0x3F97];
	s0 =	simm.s32 @p0 $0x1  }
0x13: {  	[smem:$0x3FB2] =	sst s0;
	s0 =	simm.s32 @!p1 $0x0  }
0x14: {  	s2 =	sld [smem:$0x3F96];
	s0 =	simm.s32 @p1 $0x1  }
0x15: {  	[smem:$0x3FB3] =	sst s0;
	s0 =	simm.s32 @!p2 $0x0  }
0x16: {  	s3 =	sld [smem:$0x3FDB];
	s0 =	simm.s32 @p2 $0x1  }
0x17: {  	s4 =	simm.s32 $0x1BF5;
	[smem:$0x3FB5] =	sst s0  }
0x18: {  	s0 =	sld [smem:$0x3F98];
	_ =	swait.ge [sflag:s4], $0x0  }
0x19: {  	s7 =	sld [smem:$0x3F99]  }
0x1a: {  	s8 =	sadd.s32 $0xFFFFE003, lr  }
0x1b: {  	s9 =	sadd.s32 $0xFFFFFEF7, lr;
	s5 =	simm.s32 $0xFFFFFFFF;
	p2 =	slt.u32 s8, $0xFFFFF086  }
0x1c: {  	p1 =	slt.u32 s9, $0xF7A;
	s5 =	simm.s32 @!p2 $0x0  }
0x1d: {  	s5 =	simm.s32 @p1 $0x1;
	p0 =	seq.s32 s7, s2  }
0x1e: {  	s7 =	smul.u32 @!p0 $0xF7A, s2;
	p2 =	seq.s32 @!p0 s5, $0x0  }
0x1f: {  	s9 =	smul.u32 $0xF7A, s1;
	s8 =	simm.s32 @!p0 $0x1BF5;
	p2 =	por !p2, p0  }
0x20: {  	[sflag:s8] =	ssyncset.s32 @!p0 $0xFFFFF086;
	s6 =	sadd.s32 @!p0 s3, s7;
	s7 =	simm.s32 @!p0 $0x108  }
0x21: {  	s3 =	sadd.s32 s3, s9;
	s6 =	sadd.s32 @!p0 $0x88, s6;
	s7 =	simm.s32 @p2 $0x1082  }
0x22: {  	[simem:s7], [sflag:s8] =	dma.local @!p0 [hbm:s6], $0xF7A  }
0x23: {  	s9 =	sor.u32 $0xD0000000, s2;
	s6 =	simm.s32 $0x108;
	_ =	swait.ge @!p0 [sflag:s8], $0x0  }
0x24: {  	s3 =	sadd.s32 $0x88, s3;
	s6 =	simm.s32 @!p1 $0x1082;
	[sflag:s4] =	ssyncset.s32 $0xFFFFF086  }
0x25: {  	[simem:s6], [sflag:s4] =	dma.local [hbm:s3], $0xF7A  }
0x26: {  	[smem:$0x3F99] =	sst s1;
	(tag) =	ssettag s2;
	_ =	strace s9  }
0x27: {  	s1 =	sld [smem:$0x3FA9]  }
0x28: {  	s2 =	sld [smem:$0x3FAA]  }
0x29: {  	s4 =	sld [smem:$0x3FAC]  }
0x2a: {  	p0 =	seq.s32 s5, $0x0;
	s5 =	sld [smem:$0x3FAD]  }
0x2b: {  	s6 =	sld [smem:$0x3FAE]  }
0x2c: {  	s7 =	sld [smem:$0x3FAF]  }
0x2d: {  	s3 =	simm.s32 $0x108;
	s8 =	sld [smem:$0x3FB0]  }
0x2e: {  	s3 =	simm.s32 @!p0 $0x1082;
	s9 =	sld [smem:$0x3FB1]  }
0x2f: {  	lr =	sadd.s32 s0, s3;
	s0 =	sld [smem:$0x3FA8]  }
0x30: {  	s3 =	sld [smem:$0x3FAB]  }
0x31: {  	[smem:$0x3FB4] =	sst s10  }
0x32: {  	s10 =	sld [smem:$0x3FB2];
	_ =	sdelay $0x3  }
0x33: {  	p0 =	seq.s32 s10, $0x1;
	s10 =	sld [smem:$0x3FB4];
	_ =	sdelay $0x3  }
0x34: {  	[smem:$0x3FB4] =	sst s10  }
0x35: {  	s10 =	sld [smem:$0x3FB3];
	_ =	sdelay $0x3  }
0x36: {  	p1 =	seq.s32 s10, $0x1;
	s10 =	sld [smem:$0x3FB4];
	_ =	sdelay $0x3  }
0x37: {  	[smem:$0x3FB4] =	sst s10  }
0x38: {  	s10 =	sld [smem:$0x3FB5]  }
0x39: {  	_ = 	snop;
	(pc) =	sbr.ind lr, $3  }
0x3a: {  	_ = 	snop  }
0x3b: {  	_ = 	snop  }
0x3c: {  	p2 =	seq.s32 s10, $0x1;
	s10 =	sld [smem:$0x3FB4]  }
0x3d: {  	_ =	shalt  }
0x3e: {  	_ =	shalt  }
0x3f: {  	_ =	shalt  }
0x40: {  	_ =	shalt  }
0x41: {  	_ =	shalt  }
0x42: {  	_ =	shalt  }
0x43: {  	_ =	shalt  }
0x44: {  	_ =	shalt  }
0x45: {  	_ =	shalt  }
0x46: {  	_ =	shalt  }
0x47: {  	_ =	shalt  }
0x48: {  	_ =	shalt  }
0x49: {  	_ =	shalt  }
0x4a: {  	_ =	shalt  }
0x4b: {  	_ =	shalt  }
0x4c: {  	_ =	shalt  }
0x4d: {  	_ =	shalt  }
0x4e: {  	_ =	shalt  }
0x4f: {  	_ =	shalt  }
0x50: {  	_ =	shalt  }
0x51: {  	_ =	shalt  }
0x52: {  	_ =	shalt  }
0x53: {  	_ =	shalt  }
0x54: {  	_ =	shalt  }
0x55: {  	_ =	shalt  }
0x56: {  	_ =	shalt  }
0x57: {  	_ =	shalt  }
0x58: {  	_ =	shalt  }
0x59: {  	_ =	shalt  }
0x5a: {  	_ =	shalt  }
0x5b: {  	_ =	shalt  }
0x5c: {  	_ =	shalt  }
0x5d: {  	_ =	shalt  }
0x5e: {  	_ =	shalt  }
0x5f: {  	_ =	shalt  }
0x60: {  	_ =	shalt  }
0x61: {  	_ =	shalt  }
0x62: {  	_ =	shalt  }
0x63: {  	_ =	shalt  }
0x64: {  	_ =	shalt  }
0x65: {  	_ =	shalt  }
0x66: {  	_ =	shalt  }
0x67: {  	_ =	shalt  }
0x68: {  	_ =	shalt  }
0x69: {  	_ =	shalt  }
0x6a: {  	_ =	shalt  }
0x6b: {  	_ =	shalt  }
0x6c: {  	_ =	shalt  }
0x6d: {  	_ =	shalt  }
0x6e: {  	_ =	shalt  }
0x6f: {  	_ =	shalt  }
0x70: {  	_ =	shalt  }
0x71: {  	_ =	shalt  }
0x72: {  	_ =	shalt  }
0x73: {  	_ =	shalt  }
0x74: {  	_ =	shalt  }
0x75: {  	_ =	shalt  }
0x76: {  	_ =	shalt  }
0x77: {  	_ =	shalt  }
0x78: {  	_ =	shalt  }
0x79: {  	_ =	shalt  }
0x7a: {  	_ =	shalt  }
0x7b: {  	_ =	shalt  }
0x7c: {  	_ =	shalt  }
0x7d: {  	_ =	shalt  }
0x7e: {  	_ =	shalt  }
0x7f: {  	_ =	shalt  }
0x80: {  	_ =	shalt  }
0x81: {  	_ =	shalt  }
0x82: {  	_ =	shalt  }
0x83: {  	_ =	shalt  }
0x84: {  	_ =	shalt  }
0x85: {  	_ =	shalt  }
0x86: {  	_ =	shalt  }
0x87: {  	_ =	shalt  }
.Lfunc_end0:
.L_simem_size_0:
called_computation_lowered:
.L_overlay_start_0:
0x88: {  	s2 =	sld [smem:$0x3FD9]  }
0x89: {  	s3 =	sld [smem:$0x3FFE];
	_ =	sdelay $0x1  }
0x8a: {  	s1 =	srdreg.scid  }
0x8b: {  	s0 =	sand.u32 $0x1, s1  }
0x8c: {  	s16 =	sshll.u32 s0, $0xA;
	s2 =	sadd.s32 s3, s2  }
0x8d: {  	s2 =	sadd.s32 s2, s16  }
0x8e: {  	[smem:$0x3FC0] =	sst s2  }
0x8f: {  	_ = 	snop  }
0x90: {  	(tm) =	ssettm $0x1  }
0x91: {  	s17 =	sld [smem:$0x3FFB];
	_ =	sdelay $0x3  }
0x92: {  	_ =	strace s17  }
0x93: {  	s2 =	sld [smem:$0x3FFC];
	_ =	sdelay $0x3  }
0x94: {  	_ =	strace s2  }
0x95: {  	s2 =	sld [smem:$0x3FFD];
	_ =	sdelay $0x3  }
0x96: {  	_ =	strace s2  }
0x97: {  	_ =	strace $0x8FFFFFFF  }
0x98: {  	s18 =	sld [smem:$0x3FDB];
	_ =	sdelay $0x1  }
0x99: {  	s19 =	simm.s32 $_scs_section_size  }
0x9a: {  	s4 =	simm.s32 $_size__tile_overlayer_lowered;
	s5 =	simm.s32 $_tile_overlayer_lowered  }
0x9b: {  	s22 =	simm.s32 $0x1BFF;
	s21 =	sshll.u32 s5, $0x1;
	s2 =	sadd.s32 s19, s18  }
0x9c: {  	s6 =	simm.s32 $0x0;
	s20 =	sshll.u32 s4, $0x1;
	s4 =	sadd.s32 s21, s2  }
0x9d: {  	[timem:s6], [sflag:s22] =	dma.local [hbm:s4], s20  }
0x9e: {  	_ =	swait.ge [sflag:s22], s20  }
0x9f: {  	s3 =	ssub.s32 $0x0, s20;
	[sflag:s22] =	ssyncset.done $0x0  }
0xa0: {  	[sflag:s22] =	ssyncadd.s32 s3;
	_ =	sdelay $0x1  }
0xa1: {  	s23 =	simm.s32 $0x1B8B  }
0xa2: {  	_ =	swait.ge [sflag:s23], $0x1  }
0xa3: {  	[sflag:s23] =	ssyncset.done $0x0  }
0xa4: {  	s25 =	simm.s32 $0x1B8E;
	s24 =	sld [smem:$0x3FFE];
	[sflag:s23] =	ssyncadd.s32 $0xFFFFFFFF  }
0xa5: {  	s26 =	simm.s32 $execute0_lowered;
	[smem:$0x3FD2] =	sst s25  }
0xa6: {  	s4 =	sshll.u32 s26, $0x1;
	_ =	strace $0x80000046;
	[dreg:$0x1] =	wrdreg $0xFFFFFFFF  }
0xa7: {  	s28 =	simm.s32 $_size_execute0_lowered;
	s2 =	sadd.s32 s2, s4;
	[dreg:$0x0] =	wrdreg $0x0  }
0xa8: {  	s4 =	sshll.u32 s28, $0x1;
	[dreg:$0x2] =	wrdreg s2  }
0xa9: {  	[dreg:$0x3] =	wrdreg s4  }
0xaa: {  	[dreg:$0x4] =	wrdreg $0xC0  }
0xab: {  	_ =	task [dreg:s6], $0x5FFFF  }
0xac: {  	[dreg:$0x1] =	wrdreg $0xFFFFFFFF  }
0xad: {  	[dreg:$0x0] =	wrdreg $0x60  }
0xae: {  	[dreg:$0x2] =	wrdreg s24  }
0xaf: {  	[dreg:$0x3] =	wrdreg $0x31100  }
0xb0: {  	[dreg:$0x4] =	wrdreg $0x9  }
0xb1: {  	_ =	task.clear_ibuf [dreg:s6], $0x5FFFF;
	_ =	strace $0x90000046  }
0xb2: {  	s29 =	simm.s32 $0x9;
	_ =	strace $0x80000048  }
0xb3: {  	_ =	swait.ge [sflag:s29], $0x1  }
0xb4: {  	[sflag:s29] =	ssyncadd.s32 $0xFFFFFFFF  }
0xb5: {  	_ =	strace $0x90000048  }
0xb6: {  	_ =	sfence  }
0xb7: {  	s30 =	sld [smem:$0x0];
	_ =	sdelay $0x2  }
0xb8: {  	s31 =	sshll.u32 s1, $0xD;
	s1 =	sshrl.u32 s1, $0x2  }
0xb9: {  	s3 =	sand.u32 $0x4000, s31;
	s1 =	sadd.s32 s1, s30  }
0xba: {  	s0 =	sor.u32 s3, s0;
	s1 =	sshll.u32 s1, $0x11  }
0xbb: {  	s0 =	sor.u32 s1, s0  }
0xbc: {  	s0 =	sadd.s32 $0x8F2B, s0  }
0xbd: {  	[sflag:s0] =	ssyncadd.remote.s32 $0x1  }
0xbe: {  	_ =	sfence.sel $0xFFFF  }
0xbf: {  	[dreg:$0x0] =	wrdreg $0xFFFFFFFF;
	(pc) =	sbr.abs _section_cstart, $3  }
0xc0: {  	[dreg:$0x1] =	wrdreg $0xFFFFFFFF  }
0xc1: {  	_ =	task.clear_ibuf [dreg:s6], $0x2FFFF;
	_ =	strace $0x9FFFFFFF  }
0xc2: {  	(tm) =	ssettm $0x7FFFFFFF  }
0xc3: {  	_ =	shalt  }
tec
execute0_lowered:
.L_overlay_start_1:
0x0: {  	(tag) =	ssettag $0x1  }
0x1: {  	s4 =	rddreg [dreg:$0x0]  }
0x2: {  	s2 =	rddreg [dreg:$0x1];
	s1 =	srdreg.scid  }
0x3: {  	s0 =	rddreg [dreg:$0x2];
	s3 =	simm.s32 $0x0;
	s15 =	simm.s32 $0x2710  }
0x4: {  	s16 =	simm.s32 $0x1;
	s17 =	simm.s32 $0x50;
	s5 =	sand.u32 $0x1, s1  }
0x5: {  	s18 =	simm.s32 $0x2C10;
	s1 =	stileid.u32;
	s6 =	smul.u32 $0x28000, s5  }
0x6: {  	[smem:$0x7FF] =	sst s3;
	s7 =	sshll.u32 s5, $0x4;
	s8 =	smul.u32 $0x2800, s1  }
0x7: {  	_ =	strace $0x80000047;
	s5 =	ssub.s32 $0x2, s5;
	s9 =	smul.u32 $0xA000, s1  }
0x8: {  	s19 =	sshll.u32 s1, $0x6;
	s7 =	sor.u32 s1, s7;
	s30 =	sshrl.u32 s5, $0x1  }
0x9: {  	s19 =	sor.u32 $0x1C01, s19;
	s7 =	smul.u32 $0x4E2, s7;
	s6 =	sadd.s32 s8, s6  }
0xa: {  	s10 =	ssub.s32 s5, s30;
	s20 =	sadd.s32 s8, s2;
	s6 =	sshrl.u32 s6, $0x3  }
0xb: {  	s31 =	sshrl.u32 s9, $0x2;
	s20 =	sshrl.u32 s20, $0x3;
	s6 =	sadd.s32 s6, s4  }
0xc: {  	s7 =	sadd.s32 s7, s4;
	s5 =	sadd.s32 $0x17400, s6;
	s6 =	sadd.s32 s31, s2  }
0xd: {  	s4 =	sadd.s32 $0xD600, s7;
	s7 =	smax.u32 s10, $0x1;
	s8 =	sadd.s32 $0x500, s6  }
0xe: {  	s9 =	sadd.s32 $0xA00, s6;
	s10 =	sadd.s32 $0xF00, s6;
	s11 =	sadd.s32 $0x1400, s6  }
0xf: {  	v0 =	vimm.f32 $0.0e+00;
	v1 =	vimm.f32 $1.000000000e+00;
	s12 =	sadd.s32 $0x1900, s6;
	s13 =	sadd.s32 $0x1E00, s6;
	s14 =	sadd.s32 $0x2300, s6  }
.LBB2_1:
0x10: {  	s21 =	simm.s32 $0x40;
	s22 =	simm.s32 $0x0  }
.LBB2_2:
0x11: {  	p0 =	sne.s32 s21, $0x13C0;
	[tilespmem:s22+$0x2710] =	vst v0;
	s23 =	smov.u32 s21;
	s21 =	sadd.s32 $0x40, s21  }
.Ltmp0:
0x12: {  	[tilespmem:s22+$0x2C10] =	vst v1;
	(pc) =	sbr.rel @p0 .LBB2_2-.Ltmp0, $2  }
0x13: {  	_ =	sdelay $0x2  }
0x14: {  	s22 =	sshra.s32 s23, $0x2  }
0x15: {  	[tilespmem:s22+$0x2710] =	vst v0  }
0x16: {  	[tilespmem:s22+$0x2C10] =	vst v1  }
0x17: {  	[spmem:s6] =	stream.linear.scatter [tilespmem:s15], [sflag:$0x1], $0x500, $0x38;
	[tilespmem:$0x5910] =	vst v63  }
0x18: {  	_ =	swait.ge [sflag:s16], $0x500  }
0x19: {  	[sflag:s16] =	ssyncset.done $0x0  }
0x1a: {  	[sflag:s16] =	ssyncadd.s32 $0xFFFFFB00  }
0x1b: {  	[spmem:s8] =	stream.linear.scatter [tilespmem:s15], [sflag:$0x1], $0x500, $0x38;
	[tilespmem:$0x5910] =	vst v63  }
0x1c: {  	_ =	swait.ge [sflag:s16], $0x500  }
0x1d: {  	[sflag:s16] =	ssyncset.done $0x0  }
0x1e: {  	[sflag:s16] =	ssyncadd.s32 $0xFFFFFB00  }
0x1f: {  	[spmem:s9] =	stream.linear.scatter [tilespmem:s15], [sflag:$0x1], $0x500, $0x38;
	[tilespmem:$0x5910] =	vst v63  }
0x20: {  	_ =	swait.ge [sflag:s16], $0x500  }
0x21: {  	[sflag:s16] =	ssyncset.done $0x0  }
0x22: {  	[sflag:s16] =	ssyncadd.s32 $0xFFFFFB00  }
0x23: {  	[spmem:s10] =	stream.linear.scatter [tilespmem:s15], [sflag:$0x1], $0x500, $0x38;
	[tilespmem:$0x5910] =	vst v63  }
0x24: {  	_ =	swait.ge [sflag:s16], $0x500  }
0x25: {  	[sflag:s16] =	ssyncset.done $0x0  }
0x26: {  	[sflag:s16] =	ssyncadd.s32 $0xFFFFFB00  }
0x27: {  	[spmem:s11] =	stream.linear.scatter [tilespmem:s15], [sflag:$0x1], $0x500, $0x38;
	[tilespmem:$0x5910] =	vst v63  }
0x28: {  	_ =	swait.ge [sflag:s16], $0x500  }
0x29: {  	[sflag:s16] =	ssyncset.done $0x0  }
0x2a: {  	[sflag:s16] =	ssyncadd.s32 $0xFFFFFB00  }
0x2b: {  	[spmem:s12] =	stream.linear.scatter [tilespmem:s15], [sflag:$0x1], $0x500, $0x38;
	[tilespmem:$0x5910] =	vst v63  }
0x2c: {  	_ =	swait.ge [sflag:s16], $0x500  }
0x2d: {  	[sflag:s16] =	ssyncset.done $0x0  }
0x2e: {  	[sflag:s16] =	ssyncadd.s32 $0xFFFFFB00  }
0x2f: {  	[spmem:s13] =	stream.linear.scatter [tilespmem:s15], [sflag:$0x1], $0x500, $0x38;
	[tilespmem:$0x5910] =	vst v63  }
0x30: {  	_ =	swait.ge [sflag:s16], $0x500  }
0x31: {  	[sflag:s16] =	ssyncset.done $0x0  }
0x32: {  	[sflag:s16] =	ssyncadd.s32 $0xFFFFFB00  }
0x33: {  	[spmem:s14] =	stream.linear.scatter [tilespmem:s15], [sflag:$0x1], $0x500, $0x38;
	[tilespmem:$0x5910] =	vst v63  }
0x34: {  	_ =	swait.ge [sflag:s16], $0x500  }
0x35: {  	[sflag:s16] =	ssyncset.done $0x0  }
0x36: {  	s21 =	simm.s32 $0x0;
	[sflag:s16] =	ssyncadd.s32 $0xFFFFFB00  }
0x37: {  	[tilespmem:s21], [sflag:$0x1] =	stream.linear.gather [hbm4b:s4+s21], $0x2710, $0x38;
	[tilespmem:$0x5910] =	vst v63  }
0x38: {  	_ =	swait.ge [sflag:s16], $0x2710  }
0x39: {  	[sflag:s16] =	ssyncset.done $0x0  }
0x3a: {  	[sflag:s16] =	ssyncadd.s32 $0xFFFFD8F0  }
0x3b: {  	s31 =	simm.s32 $0x0;
	[bflag:$0x0] =	sbarrier.arrive $0xFFFF  }
0x3c: {  	[spmem:s2] =	stream.indirect.scatter.add.f32 [tilespmem:s18], [sflag:$0x1], $0x10, s31, s17, $0xb8;
	[tilespmem:$0x5910] =	vst v63  }
0x3d: {  	_ =	swait.ge [sflag:s16], $0x500  }
0x3e: {  	s21 =	simm.s32 $0x140;
	[sflag:s16] =	ssyncset.done $0x0  }
.LBB2_4:
0x3f: {  	s22 =	sshra.s32 s21, $0x2;
	[sflag:s16] =	ssyncadd.s32 $0xFFFFFB00;
	p0 =	sne.s32 s21, $0x9B00  }
0x40: {  	[spmem:s2] =	stream.indirect.scatter.add.f32 [tilespmem:s18], [sflag:$0x1], $0x10, s22, s17, $0xb8;
	[tilespmem:$0x5910] =	vst v63  }
.Ltmp1:
0x41: {  	_ = 	snop;
	(pc) =	sbr.rel @p0 .LBB2_4-.Ltmp1, $4  }
0x42: {  	_ = 	snop  }
0x43: {  	s21 =	sadd.s32 $0x140, s21  }
0x44: {  	_ =	swait.ge [sflag:s16], $0x500  }
0x45: {  	[sflag:s16] =	ssyncset.done $0x0  }
0x46: {  	s3 =	sadd.s32 $0x1, s3  }
0x47: {  	[sflag:s16] =	ssyncadd.s32 $0xFFFFFB00;
	p0 =	sne.s32 s3, s7  }
.Ltmp2:
0x48: {  	[bflag:$0x0] =	sbarrier.arrive $0xFFFF;
	(pc) =	sbr.rel @p0 .LBB2_1-.Ltmp2, $4  }
0x49: {  	[hbm:s5], [sflag:s19] =	dma.local [spmem:s20], $0x500  }
0x4a: {  	_ =	swait.ge [sflag:s16], $0x500  }
0x4b: {  	[sflag:s16] =	ssyncset.done $0x0  }
0x4c: {  	[sflag:s16] =	ssyncadd.s32 $0xFFFFFB00  }
0x4d: {  	_ =	sfence.sel $0x180000  }
0x4e: {  	[bflag:$0x0] =	sbarrier.arrive $0xFFFF  }
0x4f: {  	p0 =	sne.s32 s1, $0x0;
	_ =	strace $0x90000047  }
0x50: {  	s0 =	sadd.s32 @!p0 $0x100000, s0;
	[bflag:$0x2] =	sbarrier.arrive $0xFFFF  }
0x51: {  	[sflag:s0] =	ssyncadd.tile.s32 @!p0 $0x1;
	_ =	shalt  }
.Lfunc_end2:
_tile_overlayer_lowered:
.L_overlay_start_2:
0x52: {  	(tag) =	ssettag $0x2  }
0x53: {  	s0 =	rddreg [dreg:$0x0];
	s2 =	stileid.u32  }
0x54: {  	s1 =	rddreg [dreg:$0x1];
	p0 =	sne.s32 s2, $0x0  }
0x55: {  	s3 =	rddreg [dreg:$0x2];
	[bflag:$0x3] =	sbarrier.arrive $0xFFFF;
	s2 =	simm.s32 @!p0 $0x1C01  }
0x56: {  	[timem:s3], [sflag:s2] =	dma.local @!p0 [hbm:s0], s1  }
0x57: {  	s0 =	simm.s32 @!p0 $0x1  }
0x58: {  	_ =	swait.ge @!p0 [sflag:s0], s1  }
0x59: {  	s1 =	ssub.s32 @!p0 $0x0, s1;
	[sflag:s0] =	ssyncset.done @!p0 $0x0  }
0x5a: {  	[sflag:s0] =	ssyncadd.s32 @!p0 s1  }
0x5b: {  	[bflag:$0x3] =	sbarrier.arrive $0xFFFF  }
0x5c: {  	_ =	shalt  }

// kernel: kernel.13.cloned.1.call-start
scs
__scs_entry_jumppad:
0x0: {  	(pc) =	sbr.rel $0x88, $3  }
0x1: {  	(tag) =	ssettag $0x0;
	lr =	simm.s32 $0x1  }
0x2: {  	[smem:$0x3F99] =	sst lr;
	_ =	strace $0xD0000000  }
0x3: {  	_ = 	snop  }
0x4: {  	_ = 	snop  }
0x5: {  	_ = 	snop  }
0x6: {  	_ = 	snop  }
0x7: {  	_ = 	snop  }
__scs_overlays_trampoline_lowered:
0x8: {  	[smem:$0x3FA8] =	sst s0  }
0x9: {  	[smem:$0x3FA9] =	sst s1  }
0xa: {  	[smem:$0x3FAA] =	sst s2  }
0xb: {  	[smem:$0x3FAB] =	sst s3  }
0xc: {  	[smem:$0x3FAC] =	sst s4  }
0xd: {  	[smem:$0x3FAD] =	sst s5  }
0xe: {  	[smem:$0x3FAE] =	sst s6  }
0xf: {  	[smem:$0x3FAF] =	sst s7  }
0x10: {  	[smem:$0x3FB0] =	sst s8  }
0x11: {  	[smem:$0x3FB1] =	sst s9;
	s0 =	simm.s32 @!p0 $0x0  }
0x12: {  	s1 =	sld [smem:$0x3F97];
	s0 =	simm.s32 @p0 $0x1  }
0x13: {  	[smem:$0x3FB2] =	sst s0;
	s0 =	simm.s32 @!p1 $0x0  }
0x14: {  	s2 =	sld [smem:$0x3F96];
	s0 =	simm.s32 @p1 $0x1  }
0x15: {  	[smem:$0x3FB3] =	sst s0;
	s0 =	simm.s32 @!p2 $0x0  }
0x16: {  	s3 =	sld [smem:$0x3FDB];
	s0 =	simm.s32 @p2 $0x1  }
0x17: {  	s4 =	simm.s32 $0x1BF5;
	[smem:$0x3FB5] =	sst s0  }
0x18: {  	s0 =	sld [smem:$0x3F98];
	_ =	swait.ge [sflag:s4], $0x0  }
0x19: {  	s7 =	sld [smem:$0x3F99]  }
0x1a: {  	s8 =	sadd.s32 $0xFFFFE003, lr  }
0x1b: {  	s9 =	sadd.s32 $0xFFFFFEF7, lr;
	s5 =	simm.s32 $0xFFFFFFFF;
	p2 =	slt.u32 s8, $0xFFFFF086  }
0x1c: {  	p1 =	slt.u32 s9, $0xF7A;
	s5 =	simm.s32 @!p2 $0x0  }
0x1d: {  	s5 =	simm.s32 @p1 $0x1;
	p0 =	seq.s32 s7, s2  }
0x1e: {  	s7 =	smul.u32 @!p0 $0xF7A, s2;
	p2 =	seq.s32 @!p0 s5, $0x0  }
0x1f: {  	s9 =	smul.u32 $0xF7A, s1;
	s8 =	simm.s32 @!p0 $0x1BF5;
	p2 =	por !p2, p0  }
0x20: {  	[sflag:s8] =	ssyncset.s32 @!p0 $0xFFFFF086;
	s6 =	sadd.s32 @!p0 s3, s7;
	s7 =	simm.s32 @!p0 $0x108  }
0x21: {  	s3 =	sadd.s32 s3, s9;
	s6 =	sadd.s32 @!p0 $0x88, s6;
	s7 =	simm.s32 @p2 $0x1082  }
0x22: {  	[simem:s7], [sflag:s8] =	dma.local @!p0 [hbm:s6], $0xF7A  }
0x23: {  	s9 =	sor.u32 $0xD0000000, s2;
	s6 =	simm.s32 $0x108;
	_ =	swait.ge @!p0 [sflag:s8], $0x0  }
0x24: {  	s3 =	sadd.s32 $0x88, s3;
	s6 =	simm.s32 @!p1 $0x1082;
	[sflag:s4] =	ssyncset.s32 $0xFFFFF086  }
0x25: {  	[simem:s6], [sflag:s4] =	dma.local [hbm:s3], $0xF7A  }
0x26: {  	[smem:$0x3F99] =	sst s1;
	(tag) =	ssettag s2;
	_ =	strace s9  }
0x27: {  	s1 =	sld [smem:$0x3FA9]  }
0x28: {  	s2 =	sld [smem:$0x3FAA]  }
0x29: {  	s4 =	sld [smem:$0x3FAC]  }
0x2a: {  	p0 =	seq.s32 s5, $0x0;
	s5 =	sld [smem:$0x3FAD]  }
0x2b: {  	s6 =	sld [smem:$0x3FAE]  }
0x2c: {  	s7 =	sld [smem:$0x3FAF]  }
0x2d: {  	s3 =	simm.s32 $0x108;
	s8 =	sld [smem:$0x3FB0]  }
0x2e: {  	s3 =	simm.s32 @!p0 $0x1082;
	s9 =	sld [smem:$0x3FB1]  }
0x2f: {  	lr =	sadd.s32 s0, s3;
	s0 =	sld [smem:$0x3FA8]  }
0x30: {  	s3 =	sld [smem:$0x3FAB]  }
0x31: {  	[smem:$0x3FB4] =	sst s10  }
0x32: {  	s10 =	sld [smem:$0x3FB2];
	_ =	sdelay $0x3  }
0x33: {  	p0 =	seq.s32 s10, $0x1;
	s10 =	sld [smem:$0x3FB4];
	_ =	sdelay $0x3  }
0x34: {  	[smem:$0x3FB4] =	sst s10  }
0x35: {  	s10 =	sld [smem:$0x3FB3];
	_ =	sdelay $0x3  }
0x36: {  	p1 =	seq.s32 s10, $0x1;
	s10 =	sld [smem:$0x3FB4];
	_ =	sdelay $0x3  }
0x37: {  	[smem:$0x3FB4] =	sst s10  }
0x38: {  	s10 =	sld [smem:$0x3FB5]  }
0x39: {  	_ = 	snop;
	(pc) =	sbr.ind lr, $3  }
0x3a: {  	_ = 	snop  }
0x3b: {  	_ = 	snop  }
0x3c: {  	p2 =	seq.s32 s10, $0x1;
	s10 =	sld [smem:$0x3FB4]  }
0x3d: {  	_ =	shalt  }
0x3e: {  	_ =	shalt  }
0x3f: {  	_ =	shalt  }
0x40: {  	_ =	shalt  }
0x41: {  	_ =	shalt  }
0x42: {  	_ =	shalt  }
0x43: {  	_ =	shalt  }
0x44: {  	_ =	shalt  }
0x45: {  	_ =	shalt  }
0x46: {  	_ =	shalt  }
0x47: {  	_ =	shalt  }
0x48: {  	_ =	shalt  }
0x49: {  	_ =	shalt  }
0x4a: {  	_ =	shalt  }
0x4b: {  	_ =	shalt  }
0x4c: {  	_ =	shalt  }
0x4d: {  	_ =	shalt  }
0x4e: {  	_ =	shalt  }
0x4f: {  	_ =	shalt  }
0x50: {  	_ =	shalt  }
0x51: {  	_ =	shalt  }
0x52: {  	_ =	shalt  }
0x53: {  	_ =	shalt  }
0x54: {  	_ =	shalt  }
0x55: {  	_ =	shalt  }
0x56: {  	_ =	shalt  }
0x57: {  	_ =	shalt  }
0x58: {  	_ =	shalt  }
0x59: {  	_ =	shalt  }
0x5a: {  	_ =	shalt  }
0x5b: {  	_ =	shalt  }
0x5c: {  	_ =	shalt  }
0x5d: {  	_ =	shalt  }
0x5e: {  	_ =	shalt  }
0x5f: {  	_ =	shalt  }
0x60: {  	_ =	shalt  }
0x61: {  	_ =	shalt  }
0x62: {  	_ =	shalt  }
0x63: {  	_ =	shalt  }
0x64: {  	_ =	shalt  }
0x65: {  	_ =	shalt  }
0x66: {  	_ =	shalt  }
0x67: {  	_ =	shalt  }
0x68: {  	_ =	shalt  }
0x69: {  	_ =	shalt  }
0x6a: {  	_ =	shalt  }
0x6b: {  	_ =	shalt  }
0x6c: {  	_ =	shalt  }
0x6d: {  	_ =	shalt  }
0x6e: {  	_ =	shalt  }
0x6f: {  	_ =	shalt  }
0x70: {  	_ =	shalt  }
0x71: {  	_ =	shalt  }
0x72: {  	_ =	shalt  }
0x73: {  	_ =	shalt  }
0x74: {  	_ =	shalt  }
0x75: {  	_ =	shalt  }
0x76: {  	_ =	shalt  }
0x77: {  	_ =	shalt  }
0x78: {  	_ =	shalt  }
0x79: {  	_ =	shalt  }
0x7a: {  	_ =	shalt  }
0x7b: {  	_ =	shalt  }
0x7c: {  	_ =	shalt  }
0x7d: {  	_ =	shalt  }
0x7e: {  	_ =	shalt  }
0x7f: {  	_ =	shalt  }
0x80: {  	_ =	shalt  }
0x81: {  	_ =	shalt  }
0x82: {  	_ =	shalt  }
0x83: {  	_ =	shalt  }
0x84: {  	_ =	shalt  }
0x85: {  	_ =	shalt  }
0x86: {  	_ =	shalt  }
0x87: {  	_ =	shalt  }
.Lfunc_end0:
.L_simem_size_0:
called_computation.1_lowered:
.L_overlay_start_0:
0x88: {  	s2 =	sld [smem:$0x3FD9]  }
0x89: {  	s3 =	sld [smem:$0x3FFE];
	_ =	sdelay $0x1  }
0x8a: {  	s1 =	srdreg.scid  }
0x8b: {  	s0 =	sand.u32 $0x1, s1  }
0x8c: {  	s17 =	sshll.u32 s0, $0xA;
	s2 =	sadd.s32 s3, s2  }
0x8d: {  	s2 =	sadd.s32 s2, s17  }
0x8e: {  	[smem:$0x3FC0] =	sst s2  }
0x8f: {  	_ = 	snop  }
0x90: {  	s2 =	sld [smem:$0x3FD0];
	(tm) =	ssettm $0x1  }
0x91: {  	s18 =	sld [smem:$0x3FFB];
	_ =	sdelay $0x3  }
0x92: {  	_ =	strace s18  }
0x93: {  	s3 =	sld [smem:$0x3FFC];
	_ =	sdelay $0x3  }
0x94: {  	_ =	strace s3  }
0x95: {  	s3 =	sld [smem:$0x3FFD];
	_ =	sdelay $0x3  }
0x96: {  	_ =	strace s3  }
0x97: {  	_ =	strace $0x8FFFFFFF  }
0x98: {  	s19 =	sld [smem:$0x3FDB];
	_ =	sdelay $0x1  }
0x99: {  	s4 =	simm.s32 $_scs_section_size  }
0x9a: {  	s5 =	simm.s32 $_size__tile_overlayer_lowered;
	s6 =	simm.s32 $_tile_overlayer_lowered  }
0x9b: {  	s22 =	simm.s32 $0x1BFF;
	s21 =	sshll.u32 s6, $0x1;
	s3 =	sadd.s32 s4, s19  }
0x9c: {  	s7 =	simm.s32 $0x0;
	s20 =	sshll.u32 s5, $0x1;
	s5 =	sadd.s32 s21, s3  }
0x9d: {  	[timem:s7], [sflag:s22] =	dma.local [hbm:s5], s20  }
0x9e: {  	_ =	swait.ge [sflag:s22], s20  }
0x9f: {  	s4 =	ssub.s32 $0x0, s20;
	[sflag:s22] =	ssyncset.done $0x0  }
0xa0: {  	[sflag:s22] =	ssyncadd.s32 s4;
	_ =	sdelay $0x1  }
0xa1: {  	s23 =	simm.s32 $0x1B8B  }
0xa2: {  	_ =	swait.ge [sflag:s23], $0x1  }
0xa3: {  	[sflag:s23] =	ssyncset.done $0x0  }
0xa4: {  	s25 =	simm.s32 $0x1B8E;
	s24 =	sld [smem:$0x3FFE];
	[sflag:s23] =	ssyncadd.s32 $0xFFFFFFFF  }
0xa5: {  	s26 =	simm.s32 $execute0_lowered;
	[smem:$0x3FD2] =	sst s25  }
0xa6: {  	s5 =	sshll.u32 s26, $0x1;
	_ =	strace $0x80000049;
	[dreg:$0x1] =	wrdreg $0xFFFFFFFF  }
0xa7: {  	s28 =	simm.s32 $_size_execute0_lowered;
	s3 =	sadd.s32 s3, s5;
	[dreg:$0x0] =	wrdreg $0x0  }
0xa8: {  	s5 =	sshll.u32 s28, $0x1;
	[dreg:$0x2] =	wrdreg s3  }
0xa9: {  	[dreg:$0x3] =	wrdreg s5  }
0xaa: {  	[dreg:$0x4] =	wrdreg $0xC0  }
0xab: {  	_ =	task [dreg:s7], $0x5FFFF  }
0xac: {  	[dreg:$0x1] =	wrdreg $0xFFFFFFFF  }
0xad: {  	[dreg:$0x0] =	wrdreg $0x60  }
0xae: {  	[dreg:$0x2] =	wrdreg s2  }
0xaf: {  	[dreg:$0x3] =	wrdreg s24  }
0xb0: {  	[dreg:$0x4] =	wrdreg $0x9E200  }
0xb1: {  	[dreg:$0x5] =	wrdreg $0x9  }
0xb2: {  	_ =	task.clear_ibuf [dreg:s7], $0x6FFFF;
	_ =	strace $0x90000049  }
0xb3: {  	s29 =	simm.s32 $0x9;
	_ =	strace $0x8000004B  }
0xb4: {  	_ =	swait.ge [sflag:s29], $0x1  }
0xb5: {  	[sflag:s29] =	ssyncadd.s32 $0xFFFFFFFF  }
0xb6: {  	_ =	strace $0x9000004B  }
0xb7: {  	_ =	sfence  }
0xb8: {  	s30 =	sld [smem:$0x0];
	_ =	sdelay $0x2  }
0xb9: {  	s31 =	sshll.u32 s1, $0xD;
	s1 =	sshrl.u32 s1, $0x2  }
0xba: {  	s3 =	sand.u32 $0x4000, s31;
	s1 =	sadd.s32 s1, s30  }
0xbb: {  	s0 =	sor.u32 s3, s0;
	s1 =	sshll.u32 s1, $0x11  }
0xbc: {  	s0 =	sor.u32 s1, s0  }
0xbd: {  	s0 =	sadd.s32 $0x8F2B, s0  }
0xbe: {  	[sflag:s0] =	ssyncadd.remote.s32 $0x1  }
0xbf: {  	_ =	sfence.sel $0xFFFF  }
0xc0: {  	[dreg:$0x0] =	wrdreg $0xFFFFFFFF;
	(pc) =	sbr.abs _section_cstart, $3  }
0xc1: {  	[dreg:$0x1] =	wrdreg $0xFFFFFFFF  }
0xc2: {  	_ =	task.clear_ibuf [dreg:s7], $0x2FFFF;
	_ =	strace $0x9FFFFFFF  }
0xc3: {  	(tm) =	ssettm $0x7FFFFFFF  }
tec
execute0_lowered:
.L_overlay_start_1:
0x0: {  	(tag) =	ssettag $0x1  }
0x1: {  	s0 =	srdreg.scid;
	s1 =	rddreg [dreg:$0x0]  }
0x2: {  	s9 =	stileid.u32;
	s5 =	rddreg [dreg:$0x1]  }
0x3: {  	s3 =	rddreg [dreg:$0x2];
	s4 =	simm.s32 $0x0;
	s17 =	simm.s32 $0x4E20  }
0x4: {  	s18 =	simm.s32 $0x5;
	s19 =	simm.s32 $0x2710;
	s20 =	simm.s32 $0x50  }
0x5: {  	s21 =	simm.s32 $0x7620;
	s22 =	simm.s32 $0x1;
	s23 =	simm.s32 $0x3  }
0x6: {  	s24 =	simm.s32 $0x2;
	s26 =	simm.s32 $0x4;
	s29 =	simm.s32 $0x26C0  }
0x7: {  	s30 =	simm.s32 $0x4DD0;
	s31 =	simm.s32 $0x0;
	s0 =	sand.u32 $0x1, s0  }
0x8: {  	[smem:$0x7FF] =	sst s4;
	s8 =	smul.u32 $0x14000, s9;
	s2 =	sshll.u32 s0, $0x4  }
0x9: {  	s6 =	smul.u32 $0x140000, s0;
	_ =	strace $0x8000004A;
	s0 =	ssub.s32 $0x2, s0  }
0xa: {  	s2 =	sor.u32 s9, s2;
	s7 =	sshrl.u32 s0, $0x1;
	s9 =	smul.u32 $0x50000, s9  }
0xb: {  	s25 =	sadd.s32 s8, s3;
	s2 =	smul.u32 $0x4E2, s2;
	s6 =	sadd.s32 s8, s6  }
0xc: {  	s0 =	ssub.s32 s0, s7;
	s25 =	sshrl.u32 s25, $0x3;
	s6 =	sshrl.u32 s6, $0x3  }
0xd: {  	s28 =	sshrl.u32 s9, $0x2;
	s8 =	smax.u32 s0, $0x1;
	s2 =	sadd.s32 s2, s5  }
0xe: {  	s10 =	sadd.s32 s6, s5;
	s9 =	sadd.s32 s28, s3;
	s5 =	sadd.s32 $0x3800, s2  }
0xf: {  	s6 =	sadd.s32 $0xD600, s2;
	s7 =	sadd.s32 $0x71400, s10;
	s10 =	sadd.s32 $0x2800, s9  }
0x10: {  	s11 =	sadd.s32 $0x5000, s9;
	s12 =	sadd.s32 $0x7800, s9;
	s13 =	sadd.s32 $0xA000, s9  }
0x11: {  	v0 =	vimm.f32 $0.0e+00;
	s14 =	sadd.s32 $0xC800, s9;
	s15 =	sadd.s32 $0xF000, s9;
	s16 =	sadd.s32 $0x11800, s9  }
.LBB2_1:
0x12: {  	s2 =	simm.s32 $0x70;
	s0 =	simm.s32 $0x3C0  }
.LBB2_2:
0x13: {  	p0 =	sne.s32 s0, $0x9FC0;
	[tilespmem:s2+$0x4E20] =	vst v0  }
0x14: {  	[tilespmem:s2+$0x4DB0] =	vst v0  }
0x15: {  	[tilespmem:s2+$0x4DC0] =	vst v0  }
.Ltmp0:
0x16: {  	[tilespmem:s2+$0x4DD0] =	vst v0;
	(pc) =	sbr.rel @p0 .LBB2_2-.Ltmp0, $4  }
0x17: {  	[tilespmem:s2+$0x4DE0] =	vst v0  }
0x18: {  	[tilespmem:s2+$0x4DF0] =	vst v0  }
0x19: {  	[tilespmem:s2+$0x4E00] =	vst v0  }
0x1a: {  	[tilespmem:s2+$0x4E10] =	vst v0;
	s2 =	sshra.s32 s0, $0x2;
	s0 =	sadd.s32 $0x200, s0  }
0x1b: {  	[tilespmem:s2+$0x4E20] =	vst v0  }
0x1c: {  	[tilespmem:s2+$0x4DB0] =	vst v0  }
0x1d: {  	[tilespmem:s2+$0x4DC0] =	vst v0  }
0x1e: {  	[tilespmem:s2+$0x4DD0] =	vst v0  }
0x1f: {  	[tilespmem:s2+$0x4DE0] =	vst v0  }
0x20: {  	[tilespmem:s2+$0x4DF0] =	vst v0  }
0x21: {  	[tilespmem:s2+$0x4E00] =	vst v0  }
0x22: {  	[tilespmem:s2+$0x4E10] =	vst v0  }
0x23: {  	[spmem:s9] =	stream.linear.scatter [tilespmem:s17], [sflag:$0x5], $0x2800, $0x38;
	[tilespmem:$0x1DE20] =	vst v63  }
0x24: {  	_ =	swait.ge [sflag:s18], $0x2800  }
0x25: {  	[sflag:s18] =	ssyncset.done $0x0  }
0x26: {  	[sflag:s18] =	ssyncadd.s32 $0xFFFFD800  }
0x27: {  	[spmem:s10] =	stream.linear.scatter [tilespmem:s17], [sflag:$0x5], $0x2800, $0x38;
	[tilespmem:$0x1DE20] =	vst v63  }
0x28: {  	_ =	swait.ge [sflag:s18], $0x2800  }
0x29: {  	[sflag:s18] =	ssyncset.done $0x0  }
0x2a: {  	[sflag:s18] =	ssyncadd.s32 $0xFFFFD800  }
0x2b: {  	[spmem:s11] =	stream.linear.scatter [tilespmem:s17], [sflag:$0x5], $0x2800, $0x38;
	[tilespmem:$0x1DE20] =	vst v63  }
0x2c: {  	_ =	swait.ge [sflag:s18], $0x2800  }
0x2d: {  	[sflag:s18] =	ssyncset.done $0x0  }
0x2e: {  	[sflag:s18] =	ssyncadd.s32 $0xFFFFD800  }
0x2f: {  	[spmem:s12] =	stream.linear.scatter [tilespmem:s17], [sflag:$0x5], $0x2800, $0x38;
	[tilespmem:$0x1DE20] =	vst v63  }
0x30: {  	_ =	swait.ge [sflag:s18], $0x2800  }
0x31: {  	[sflag:s18] =	ssyncset.done $0x0  }
0x32: {  	[sflag:s18] =	ssyncadd.s32 $0xFFFFD800  }
0x33: {  	[spmem:s13] =	stream.linear.scatter [tilespmem:s17], [sflag:$0x5], $0x2800, $0x38;
	[tilespmem:$0x1DE20] =	vst v63  }
0x34: {  	_ =	swait.ge [sflag:s18], $0x2800  }
0x35: {  	[sflag:s18] =	ssyncset.done $0x0  }
0x36: {  	[sflag:s18] =	ssyncadd.s32 $0xFFFFD800  }
0x37: {  	[spmem:s14] =	stream.linear.scatter [tilespmem:s17], [sflag:$0x5], $0x2800, $0x38;
	[tilespmem:$0x1DE20] =	vst v63  }
0x38: {  	_ =	swait.ge [sflag:s18], $0x2800  }
0x39: {  	[sflag:s18] =	ssyncset.done $0x0  }
0x3a: {  	[sflag:s18] =	ssyncadd.s32 $0xFFFFD800  }
0x3b: {  	[spmem:s15] =	stream.linear.scatter [tilespmem:s17], [sflag:$0x5], $0x2800, $0x38;
	[tilespmem:$0x1DE20] =	vst v63  }
0x3c: {  	_ =	swait.ge [sflag:s18], $0x2800  }
0x3d: {  	[sflag:s18] =	ssyncset.done $0x0  }
0x3e: {  	[sflag:s18] =	ssyncadd.s32 $0xFFFFD800  }
0x3f: {  	[spmem:s16] =	stream.linear.scatter [tilespmem:s17], [sflag:$0x5], $0x2800, $0x38;
	[tilespmem:$0x1DE20] =	vst v63  }
0x40: {  	_ =	swait.ge [sflag:s18], $0x2800  }
0x41: {  	[sflag:s18] =	ssyncset.done $0x0  }
0x42: {  	[sflag:s18] =	ssyncadd.s32 $0xFFFFD800  }
0x43: {  	[tilespmem:s4], [sflag:$0x5] =	stream.linear.gather [hbm4b:s5+s4], $0x2710, $0x38;
	[tilespmem:$0x1DE20] =	vst v63  }
0x44: {  	_ =	swait.ge [sflag:s18], $0x2710  }
0x45: {  	[sflag:s18] =	ssyncset.done $0x0  }
0x46: {  	[sflag:s18] =	ssyncadd.s32 $0xFFFFD8F0  }
0x47: {  	[tilespmem:s19], [sflag:$0x5] =	stream.linear.gather [hbm4b:s6+s4], $0x2710, $0x38;
	[tilespmem:$0x1DE20] =	vst v63  }
0x48: {  	_ =	swait.ge [sflag:s18], $0x2710  }
0x49: {  	[sflag:s18] =	ssyncset.done $0x0  }
0x4a: {  	[sflag:s18] =	ssyncadd.s32 $0xFFFFD8F0  }
0x4b: {  	[bflag:$0x0] =	sbarrier.arrive $0xFFFF  }
0x4c: {  	[tilespmem:s17], [sflag:$0x1] =	stream.indirect.gather [hbm4b:s1+s20], $0x80, s4, s20, $0xb8;
	[tilespmem:$0x1DE20] =	vst v63  }
0x4d: {  	_ = 	snop  }
0x4e: {  	[tilespmem:s21], [sflag:$0x2] =	stream.indirect.gather [hbm4b:s1+s20], $0x80, s20, s20, $0xb8;
	[tilespmem:$0x1DE20] =	vst v63  }
0x4f: {  	_ =	swait.ge [sflag:s22], $0x2800  }
0x50: {  	[sflag:s22] =	ssyncset.done $0x0  }
0x51: {  	[sflag:s22] =	ssyncadd.s32 $0xFFFFD800  }
0x52: {  	[spmem:s3] =	stream.indirect.scatter.add.f32 [tilespmem:s17], [sflag:$0x3], $0x80, s19, s20, $0xb8;
	[tilespmem:$0x1DE20] =	vst v63  }
0x53: {  	_ =	swait.ge [sflag:s23], $0x2800  }
0x54: {  	[sflag:s23] =	ssyncset.done $0x0  }
0x55: {  	s0 =	simm.s32 $0xA0;
	[sflag:s23] =	ssyncadd.s32 $0xFFFFD800  }
0x56: {  	[tilespmem:s17], [sflag:$0x1] =	stream.indirect.gather [hbm4b:s1+s20], $0x80, s0, s20, $0xb8;
	[tilespmem:$0x1DE20] =	vst v63  }
0x57: {  	_ =	swait.ge [sflag:s24], $0x2800  }
0x58: {  	[sflag:s24] =	ssyncset.done $0x0  }
0x59: {  	s2 =	simm.s32 $0x2760;
	[sflag:s24] =	ssyncadd.s32 $0xFFFFD800  }
0x5a: {  	[spmem:s3] =	stream.indirect.scatter.add.f32 [tilespmem:s21], [sflag:$0x4], $0x80, s2, s20, $0xb8;
	[tilespmem:$0x1DE20] =	vst v63  }
0x5b: {  	_ =	swait.ge [sflag:s26], $0x2800  }
0x5c: {  	[sflag:s26] =	ssyncset.done $0x0  }
0x5d: {  	s28 =	simm.s32 $0xF0;
	[sflag:s26] =	ssyncadd.s32 $0xFFFFD800  }
0x5e: {  	[tilespmem:s21], [sflag:$0x2] =	stream.indirect.gather [hbm4b:s1+s20], $0x80, s28, s20, $0xb8;
	[tilespmem:$0x1DE20] =	vst v63  }
0x5f: {  	_ =	swait.ge [sflag:s22], $0x2800  }
0x60: {  	[sflag:s22] =	ssyncset.done $0x0  }
0x61: {  	s0 =	simm.s32 $0x27B0;
	s2 =	simm.s32 $0xFFFF6A00;
	[sflag:s22] =	ssyncadd.s32 $0xFFFFD800  }
.LBB2_4:
0x62: {  	[spmem:s3] =	stream.indirect.scatter.add.f32 [tilespmem:s17], [sflag:$0x3], $0x80, s0, s20, $0xb8;
	[tilespmem:$0x1DE20] =	vst v63  }
0x63: {  	s0 =	smov.u32 s2  }
0x64: {  	p0 =	sne.s32 s2, $0xFFFFFD80;
	s2 =	sadd.s32 $0x280, s2;
	_ =	swait.ge [sflag:s23], $0x2800  }
0x65: {  	s0 =	sshra.s32 s0, $0x2;
	[sflag:s23] =	ssyncset.done $0x0  }
0x66: {  	s28 =	sadd.s32 $0x26C0, s0;
	[sflag:s23] =	ssyncadd.s32 $0xFFFFD800  }
0x67: {  	[tilespmem:s17], [sflag:$0x1] =	stream.indirect.gather [hbm4b:s1+s20], $0x80, s28, s20, $0xb8;
	[tilespmem:$0x1DE20] =	vst v63  }
0x68: {  	_ =	swait.ge [sflag:s24], $0x2800  }
0x69: {  	[sflag:s24] =	ssyncset.done $0x0  }
0x6a: {  	s28 =	sadd.s32 $0x4D80, s0;
	[sflag:s24] =	ssyncadd.s32 $0xFFFFD800  }
0x6b: {  	[spmem:s3] =	stream.indirect.scatter.add.f32 [tilespmem:s21], [sflag:$0x4], $0x80, s28, s20, $0xb8;
	[tilespmem:$0x1DE20] =	vst v63  }
0x6c: {  	_ =	swait.ge [sflag:s26], $0x2800  }
0x6d: {  	[sflag:s26] =	ssyncset.done $0x0  }
.Ltmp1:
0x6e: {  	s28 =	sadd.s32 $0x2710, s0;
	[sflag:s26] =	ssyncadd.s32 $0xFFFFD800;
	(pc) =	sbr.rel @p0 .LBB2_4-.Ltmp1, $4  }
0x6f: {  	[tilespmem:s21], [sflag:$0x2] =	stream.indirect.gather [hbm4b:s1+s20], $0x80, s28, s20, $0xb8;
	[tilespmem:$0x1DE20] =	vst v63  }
0x70: {  	_ =	swait.ge [sflag:s22], $0x2800  }
0x71: {  	[sflag:s22] =	ssyncset.done $0x0  }
0x72: {  	s0 =	sadd.s32 $0x4DD0, s0;
	[sflag:s22] =	ssyncadd.s32 $0xFFFFD800  }
0x73: {  	[spmem:s3] =	stream.indirect.scatter.add.f32 [tilespmem:s17], [sflag:$0x3], $0x80, s0, s20, $0xb8;
	[tilespmem:$0x1DE20] =	vst v63  }
0x74: {  	_ =	swait.ge [sflag:s24], $0x2800  }
0x75: {  	[sflag:s24] =	ssyncset.done $0x0  }
0x76: {  	s2 =	simm.s32 $0x4D80;
	[sflag:s24] =	ssyncadd.s32 $0xFFFFD800  }
0x77: {  	[spmem:s3] =	stream.indirect.scatter.add.f32 [tilespmem:s21], [sflag:$0x4], $0x80, s2, s20, $0xb8;
	[tilespmem:$0x1DE20] =	vst v63  }
0x78: {  	_ =	swait.ge [sflag:s23], $0x2800  }
0x79: {  	[sflag:s23] =	ssyncset.done $0x0  }
0x7a: {  	[sflag:s23] =	ssyncadd.s32 $0xFFFFD800  }
0x7b: {  	[tilespmem:s17], [sflag:$0x1] =	stream.indirect.gather [hbm4b:s1+s20], $0x80, s29, s20, $0xb8;
	[tilespmem:$0x1DE20] =	vst v63  }
0x7c: {  	_ =	swait.ge [sflag:s22], $0x2800  }
0x7d: {  	[sflag:s22] =	ssyncset.done $0x0  }
0x7e: {  	[sflag:s22] =	ssyncadd.s32 $0xFFFFD800  }
0x7f: {  	[spmem:s3] =	stream.indirect.scatter.add.f32 [tilespmem:s17], [sflag:$0x3], $0x80, s30, s20, $0xb8;
	[tilespmem:$0x1DE20] =	vst v63  }
0x80: {  	_ =	swait.ge [sflag:s26], $0x2800  }
0x81: {  	[sflag:s26] =	ssyncset.done $0x0  }
0x82: {  	[sflag:s26] =	ssyncadd.s32 $0xFFFFD800  }
0x83: {  	_ =	swait.ge [sflag:s23], $0x2800  }
0x84: {  	s28 =	stileid.u32;
	s31 =	sadd.s32 $0x1, s31;
	[sflag:s23] =	ssyncset.done $0x0  }
0x85: {  	s0 =	sshll.u32 s28, $0x6;
	p0 =	sne.s32 s31, s8;
	[sflag:s23] =	ssyncadd.s32 $0xFFFFD800  }
.Ltmp2:
0x86: {  	s0 =	sor.u32 $0x1C05, s0;
	[bflag:$0x0] =	sbarrier.arrive $0xFFFF;
	(pc) =	sbr.rel @p0 .LBB2_1-.Ltmp2, $4  }
0x87: {  	[hbm:s7], [sflag:s0] =	dma.local [spmem:s25], $0x2800  }
0x88: {  	_ =	swait.ge [sflag:s18], $0x2800  }
0x89: {  	[sflag:s18] =	ssyncset.done $0x0  }
0x8a: {  	[sflag:s18] =	ssyncadd.s32 $0xFFFFD800  }
0x8b: {  	_ =	sfence.sel $0x180000  }
0x8c: {  	[bflag:$0x0] =	sbarrier.arrive $0xFFFF  }
0x8d: {  	_ =	strace $0x9000004A  }
0x8e: {  	s0 =	stileid.u32;
	[bflag:$0x2] =	sbarrier.arrive $0xFFFF  }
0x8f: {  	p0 =	sne.s32 s0, $0x0;
	s0 =	rddreg [dreg:$0x3]  }
0x90: {  	s0 =	sadd.s32 @!p0 $0x100000, s0  }
0x91: {  	[sflag:s0] =	ssyncadd.tile.s32 @!p0 $0x1;
	_ =	shalt  }
.Lfunc_end2:
_tile_overlayer_lowered:
.L_overlay_start_2:
0x92: {  	(tag) =	ssettag $0x2  }
0x93: {  	s0 =	rddreg [dreg:$0x0];
	s2 =	stileid.u32  }
0x94: {  	s1 =	rddreg [dreg:$0x1];
	p0 =	sne.s32 s2, $0x0  }
0x95: {  	s3 =	rddreg [dreg:$0x2];
	[bflag:$0x3] =	sbarrier.arrive $0xFFFF;
	s2 =	simm.s32 @!p0 $0x1C05  }
0x96: {  	[timem:s3], [sflag:s2] =	dma.local @!p0 [hbm:s0], s1  }
0x97: {  	s0 =	simm.s32 @!p0 $0x5  }
0x98: {  	_ =	swait.ge @!p0 [sflag:s0], s1  }
0x99: {  	s1 =	ssub.s32 @!p0 $0x0, s1;
	[sflag:s0] =	ssyncset.done @!p0 $0x0  }
0x9a: {  	[sflag:s0] =	ssyncadd.s32 @!p0 s1  }
0x9b: {  	[bflag:$0x3] =	sbarrier.arrive $0xFFFF  }
0x9c: {  	_ =	shalt  }

// kernel: kernel.16.cloned.1.call-start
scs
__scs_entry_jumppad:
0x0: {  	(pc) =	sbr.rel $0x88, $3  }
0x1: {  	(tag) =	ssettag $0x0;
	lr =	simm.s32 $0x1  }
0x2: {  	[smem:$0x3F99] =	sst lr;
	_ =	strace $0xD0000000  }
0x3: {  	_ = 	snop  }
0x4: {  	_ = 	snop  }
0x5: {  	_ = 	snop  }
0x6: {  	_ = 	snop  }
0x7: {  	_ = 	snop  }
__scs_overlays_trampoline_lowered:
0x8: {  	[smem:$0x3FA8] =	sst s0  }
0x9: {  	[smem:$0x3FA9] =	sst s1  }
0xa: {  	[smem:$0x3FAA] =	sst s2  }
0xb: {  	[smem:$0x3FAB] =	sst s3  }
0xc: {  	[smem:$0x3FAC] =	sst s4  }
0xd: {  	[smem:$0x3FAD] =	sst s5  }
0xe: {  	[smem:$0x3FAE] =	sst s6  }
0xf: {  	[smem:$0x3FAF] =	sst s7  }
0x10: {  	[smem:$0x3FB0] =	sst s8  }
0x11: {  	[smem:$0x3FB1] =	sst s9;
	s0 =	simm.s32 @!p0 $0x0  }
0x12: {  	s1 =	sld [smem:$0x3F97];
	s0 =	simm.s32 @p0 $0x1  }
0x13: {  	[smem:$0x3FB2] =	sst s0;
	s0 =	simm.s32 @!p1 $0x0  }
0x14: {  	s2 =	sld [smem:$0x3F96];
	s0 =	simm.s32 @p1 $0x1  }
0x15: {  	[smem:$0x3FB3] =	sst s0;
	s0 =	simm.s32 @!p2 $0x0  }
0x16: {  	s3 =	sld [smem:$0x3FDB];
	s0 =	simm.s32 @p2 $0x1  }
0x17: {  	s4 =	simm.s32 $0x1BF5;
	[smem:$0x3FB5] =	sst s0  }
0x18: {  	s0 =	sld [smem:$0x3F98];
	_ =	swait.ge [sflag:s4], $0x0  }
0x19: {  	s7 =	sld [smem:$0x3F99]  }
0x1a: {  	s8 =	sadd.s32 $0xFFFFE003, lr  }
0x1b: {  	s9 =	sadd.s32 $0xFFFFFEF7, lr;
	s5 =	simm.s32 $0xFFFFFFFF;
	p2 =	slt.u32 s8, $0xFFFFF086  }
0x1c: {  	p1 =	slt.u32 s9, $0xF7A;
	s5 =	simm.s32 @!p2 $0x0  }
0x1d: {  	s5 =	simm.s32 @p1 $0x1;
	p0 =	seq.s32 s7, s2  }
0x1e: {  	s7 =	smul.u32 @!p0 $0xF7A, s2;
	p2 =	seq.s32 @!p0 s5, $0x0  }
0x1f: {  	s9 =	smul.u32 $0xF7A, s1;
	s8 =	simm.s32 @!p0 $0x1BF5;
	p2 =	por !p2, p0  }
0x20: {  	[sflag:s8] =	ssyncset.s32 @!p0 $0xFFFFF086;
	s6 =	sadd.s32 @!p0 s3, s7;
	s7 =	simm.s32 @!p0 $0x108  }
0x21: {  	s3 =	sadd.s32 s3, s9;
	s6 =	sadd.s32 @!p0 $0x88, s6;
	s7 =	simm.s32 @p2 $0x1082  }
0x22: {  	[simem:s7], [sflag:s8] =	dma.local @!p0 [hbm:s6], $0xF7A  }
0x23: {  	s9 =	sor.u32 $0xD0000000, s2;
	s6 =	simm.s32 $0x108;
	_ =	swait.ge @!p0 [sflag:s8], $0x0  }
0x24: {  	s3 =	sadd.s32 $0x88, s3;
	s6 =	simm.s32 @!p1 $0x1082;
	[sflag:s4] =	ssyncset.s32 $0xFFFFF086  }
0x25: {  	[simem:s6], [sflag:s4] =	dma.local [hbm:s3], $0xF7A  }
0x26: {  	[smem:$0x3F99] =	sst s1;
	(tag) =	ssettag s2;
	_ =	strace s9  }
0x27: {  	s1 =	sld [smem:$0x3FA9]  }
0x28: {  	s2 =	sld [smem:$0x3FAA]  }
0x29: {  	s4 =	sld [smem:$0x3FAC]  }
0x2a: {  	p0 =	seq.s32 s5, $0x0;
	s5 =	sld [smem:$0x3FAD]  }
0x2b: {  	s6 =	sld [smem:$0x3FAE]  }
0x2c: {  	s7 =	sld [smem:$0x3FAF]  }
0x2d: {  	s3 =	simm.s32 $0x108;
	s8 =	sld [smem:$0x3FB0]  }
0x2e: {  	s3 =	simm.s32 @!p0 $0x1082;
	s9 =	sld [smem:$0x3FB1]  }
0x2f: {  	lr =	sadd.s32 s0, s3;
	s0 =	sld [smem:$0x3FA8]  }
0x30: {  	s3 =	sld [smem:$0x3FAB]  }
0x31: {  	[smem:$0x3FB4] =	sst s10  }
0x32: {  	s10 =	sld [smem:$0x3FB2];
	_ =	sdelay $0x3  }
0x33: {  	p0 =	seq.s32 s10, $0x1;
	s10 =	sld [smem:$0x3FB4];
	_ =	sdelay $0x3  }
0x34: {  	[smem:$0x3FB4] =	sst s10  }
0x35: {  	s10 =	sld [smem:$0x3FB3];
	_ =	sdelay $0x3  }
0x36: {  	p1 =	seq.s32 s10, $0x1;
	s10 =	sld [smem:$0x3FB4];
	_ =	sdelay $0x3  }
0x37: {  	[smem:$0x3FB4] =	sst s10  }
0x38: {  	s10 =	sld [smem:$0x3FB5]  }
0x39: {  	_ = 	snop;
	(pc) =	sbr.ind lr, $3  }
0x3a: {  	_ = 	snop  }
0x3b: {  	_ = 	snop  }
0x3c: {  	p2 =	seq.s32 s10, $0x1;
	s10 =	sld [smem:$0x3FB4]  }
0x3d: {  	_ =	shalt  }
0x3e: {  	_ =	shalt  }
0x3f: {  	_ =	shalt  }
0x40: {  	_ =	shalt  }
0x41: {  	_ =	shalt  }
0x42: {  	_ =	shalt  }
0x43: {  	_ =	shalt  }
0x44: {  	_ =	shalt  }
0x45: {  	_ =	shalt  }
0x46: {  	_ =	shalt  }
0x47: {  	_ =	shalt  }
0x48: {  	_ =	shalt  }
0x49: {  	_ =	shalt  }
0x4a: {  	_ =	shalt  }
0x4b: {  	_ =	shalt  }
0x4c: {  	_ =	shalt  }
0x4d: {  	_ =	shalt  }
0x4e: {  	_ =	shalt  }
0x4f: {  	_ =	shalt  }
0x50: {  	_ =	shalt  }
0x51: {  	_ =	shalt  }
0x52: {  	_ =	shalt  }
0x53: {  	_ =	shalt  }
0x54: {  	_ =	shalt  }
0x55: {  	_ =	shalt  }
0x56: {  	_ =	shalt  }
0x57: {  	_ =	shalt  }
0x58: {  	_ =	shalt  }
0x59: {  	_ =	shalt  }
0x5a: {  	_ =	shalt  }
0x5b: {  	_ =	shalt  }
0x5c: {  	_ =	shalt  }
0x5d: {  	_ =	shalt  }
0x5e: {  	_ =	shalt  }
0x5f: {  	_ =	shalt  }
0x60: {  	_ =	shalt  }
0x61: {  	_ =	shalt  }
0x62: {  	_ =	shalt  }
0x63: {  	_ =	shalt  }
0x64: {  	_ =	shalt  }
0x65: {  	_ =	shalt  }
0x66: {  	_ =	shalt  }
0x67: {  	_ =	shalt  }
0x68: {  	_ =	shalt  }
0x69: {  	_ =	shalt  }
0x6a: {  	_ =	shalt  }
0x6b: {  	_ =	shalt  }
0x6c: {  	_ =	shalt  }
0x6d: {  	_ =	shalt  }
0x6e: {  	_ =	shalt  }
0x6f: {  	_ =	shalt  }
0x70: {  	_ =	shalt  }
0x71: {  	_ =	shalt  }
0x72: {  	_ =	shalt  }
0x73: {  	_ =	shalt  }
0x74: {  	_ =	shalt  }
0x75: {  	_ =	shalt  }
0x76: {  	_ =	shalt  }
0x77: {  	_ =	shalt  }
0x78: {  	_ =	shalt  }
0x79: {  	_ =	shalt  }
0x7a: {  	_ =	shalt  }
0x7b: {  	_ =	shalt  }
0x7c: {  	_ =	shalt  }
0x7d: {  	_ =	shalt  }
0x7e: {  	_ =	shalt  }
0x7f: {  	_ =	shalt  }
0x80: {  	_ =	shalt  }
0x81: {  	_ =	shalt  }
0x82: {  	_ =	shalt  }
0x83: {  	_ =	shalt  }
0x84: {  	_ =	shalt  }
0x85: {  	_ =	shalt  }
0x86: {  	_ =	shalt  }
0x87: {  	_ =	shalt  }
.Lfunc_end0:
.L_simem_size_0:
called_computation.2_lowered:
.L_overlay_start_0:
0x88: {  	s2 =	sld [smem:$0x3FD9]  }
0x89: {  	s3 =	sld [smem:$0x3FFE];
	_ =	sdelay $0x1  }
0x8a: {  	s1 =	srdreg.scid  }
0x8b: {  	s0 =	sand.u32 $0x1, s1  }
0x8c: {  	s17 =	sshll.u32 s0, $0xA;
	s2 =	sadd.s32 s3, s2  }
0x8d: {  	s2 =	sadd.s32 s2, s17  }
0x8e: {  	[smem:$0x3FC0] =	sst s2  }
0x8f: {  	_ = 	snop  }
0x90: {  	s2 =	sld [smem:$0x3FD0];
	(tm) =	ssettm $0x1  }
0x91: {  	s18 =	sld [smem:$0x3FFB];
	_ =	sdelay $0x3  }
0x92: {  	_ =	strace s18  }
0x93: {  	s3 =	sld [smem:$0x3FFC];
	_ =	sdelay $0x3  }
0x94: {  	_ =	strace s3  }
0x95: {  	s3 =	sld [smem:$0x3FFD];
	_ =	sdelay $0x3  }
0x96: {  	_ =	strace s3  }
0x97: {  	_ =	strace $0x8FFFFFFF  }
0x98: {  	s19 =	sld [smem:$0x3FDB];
	_ =	sdelay $0x1  }
0x99: {  	s4 =	simm.s32 $_scs_section_size  }
0x9a: {  	s5 =	simm.s32 $_size__tile_overlayer_lowered;
	s6 =	simm.s32 $_tile_overlayer_lowered  }
0x9b: {  	s22 =	simm.s32 $0x1BFF;
	s21 =	sshll.u32 s6, $0x1;
	s3 =	sadd.s32 s4, s19  }
0x9c: {  	s7 =	simm.s32 $0x0;
	s20 =	sshll.u32 s5, $0x1;
	s5 =	sadd.s32 s21, s3  }
0x9d: {  	[timem:s7], [sflag:s22] =	dma.local [hbm:s5], s20  }
0x9e: {  	_ =	swait.ge [sflag:s22], s20  }
0x9f: {  	s4 =	ssub.s32 $0x0, s20;
	[sflag:s22] =	ssyncset.done $0x0  }
0xa0: {  	[sflag:s22] =	ssyncadd.s32 s4;
	_ =	sdelay $0x1  }
0xa1: {  	s23 =	simm.s32 $0x1B8B  }
0xa2: {  	_ =	swait.ge [sflag:s23], $0x1  }
0xa3: {  	[sflag:s23] =	ssyncset.done $0x0  }
0xa4: {  	s25 =	simm.s32 $0x1B8E;
	s24 =	sld [smem:$0x3FFE];
	[sflag:s23] =	ssyncadd.s32 $0xFFFFFFFF  }
0xa5: {  	s26 =	simm.s32 $execute0_lowered;
	[smem:$0x3FD2] =	sst s25  }
0xa6: {  	s5 =	sshll.u32 s26, $0x1;
	_ =	strace $0x8000004C;
	[dreg:$0x1] =	wrdreg $0xFFFFFFFF  }
0xa7: {  	s28 =	simm.s32 $_size_execute0_lowered;
	s3 =	sadd.s32 s3, s5;
	[dreg:$0x0] =	wrdreg $0x0  }
0xa8: {  	s5 =	sshll.u32 s28, $0x1;
	[dreg:$0x2] =	wrdreg s3  }
0xa9: {  	[dreg:$0x3] =	wrdreg s5  }
0xaa: {  	[dreg:$0x4] =	wrdreg $0xC0  }
0xab: {  	_ =	task [dreg:s7], $0x5FFFF  }
0xac: {  	[dreg:$0x1] =	wrdreg $0xFFFFFFFF  }
0xad: {  	[dreg:$0x0] =	wrdreg $0x60  }
0xae: {  	[dreg:$0x2] =	wrdreg s2  }
0xaf: {  	[dreg:$0x3] =	wrdreg s24  }
0xb0: {  	[dreg:$0x4] =	wrdreg $0x9E200  }
0xb1: {  	[dreg:$0x5] =	wrdreg $0x9  }
0xb2: {  	_ =	task.clear_ibuf [dreg:s7], $0x6FFFF;
	_ =	strace $0x9000004C  }
0xb3: {  	s29 =	simm.s32 $0x9;
	_ =	strace $0x8000004E  }
0xb4: {  	_ =	swait.ge [sflag:s29], $0x1  }
0xb5: {  	[sflag:s29] =	ssyncadd.s32 $0xFFFFFFFF  }
0xb6: {  	_ =	strace $0x9000004E  }
0xb7: {  	_ =	sfence  }
0xb8: {  	s30 =	sld [smem:$0x0];
	_ =	sdelay $0x2  }
0xb9: {  	s31 =	sshll.u32 s1, $0xD;
	s1 =	sshrl.u32 s1, $0x2  }
0xba: {  	s3 =	sand.u32 $0x4000, s31;
	s1 =	sadd.s32 s1, s30  }
0xbb: {  	s0 =	sor.u32 s3, s0;
	s1 =	sshll.u32 s1, $0x11  }
0xbc: {  	s0 =	sor.u32 s1, s0  }
0xbd: {  	s0 =	sadd.s32 $0x8F2B, s0  }
0xbe: {  	[sflag:s0] =	ssyncadd.remote.s32 $0x1  }
0xbf: {  	_ =	sfence.sel $0xFFFF  }
0xc0: {  	[dreg:$0x0] =	wrdreg $0xFFFFFFFF;
	(pc) =	sbr.abs _section_cstart, $3  }
0xc1: {  	[dreg:$0x1] =	wrdreg $0xFFFFFFFF  }
0xc2: {  	_ =	task.clear_ibuf [dreg:s7], $0x2FFFF;
	_ =	strace $0x9FFFFFFF  }
0xc3: {  	(tm) =	ssettm $0x7FFFFFFF  }
tec
execute0_lowered:
.L_overlay_start_1:
0x0: {  	(tag) =	ssettag $0x1  }
0x1: {  	s0 =	srdreg.scid;
	s1 =	rddreg [dreg:$0x0]  }
0x2: {  	s9 =	stileid.u32;
	s5 =	rddreg [dreg:$0x1]  }
0x3: {  	s3 =	rddreg [dreg:$0x2];
	s4 =	simm.s32 $0x0;
	s17 =	simm.s32 $0x4E20  }
0x4: {  	s18 =	simm.s32 $0x5;
	s19 =	simm.s32 $0x2710;
	s20 =	simm.s32 $0x50  }
0x5: {  	s21 =	simm.s32 $0x7620;
	s22 =	simm.s32 $0x1;
	s23 =	simm.s32 $0x3  }
0x6: {  	s24 =	simm.s32 $0x2;
	s26 =	simm.s32 $0x4;
	s29 =	simm.s32 $0x26C0  }
0x7: {  	s30 =	simm.s32 $0x4DD0;
	s31 =	simm.s32 $0x0;
	s0 =	sand.u32 $0x1, s0  }
0x8: {  	[smem:$0x7FF] =	sst s4;
	s8 =	smul.u32 $0x14000, s9;
	s2 =	sshll.u32 s0, $0x4  }
0x9: {  	s6 =	smul.u32 $0x140000, s0;
	_ =	strace $0x8000004D;
	s0 =	ssub.s32 $0x2, s0  }
0xa: {  	s2 =	sor.u32 s9, s2;
	s7 =	sshrl.u32 s0, $0x1;
	s9 =	smul.u32 $0x50000, s9  }
0xb: {  	s25 =	sadd.s32 s8, s3;
	s2 =	smul.u32 $0x4E2, s2;
	s6 =	sadd.s32 s8, s6  }
0xc: {  	s0 =	ssub.s32 s0, s7;
	s25 =	sshrl.u32 s25, $0x3;
	s6 =	sshrl.u32 s6, $0x3  }
0xd: {  	s28 =	sshrl.u32 s9, $0x2;
	s8 =	smax.u32 s0, $0x1;
	s2 =	sadd.s32 s2, s5  }
0xe: {  	s10 =	sadd.s32 s6, s5;
	s9 =	sadd.s32 s28, s3;
	s5 =	sadd.s32 $0x3800, s2  }
0xf: {  	s6 =	sadd.s32 $0xD600, s2;
	s7 =	sadd.s32 $0x71400, s10;
	s10 =	sadd.s32 $0x2800, s9  }
0x10: {  	s11 =	sadd.s32 $0x5000, s9;
	s12 =	sadd.s32 $0x7800, s9;
	s13 =	sadd.s32 $0xA000, s9  }
0x11: {  	v0 =	vimm.f32 $0.0e+00;
	s14 =	sadd.s32 $0xC800, s9;
	s15 =	sadd.s32 $0xF000, s9;
	s16 =	sadd.s32 $0x11800, s9  }
.LBB2_1:
0x12: {  	s2 =	simm.s32 $0x70;
	s0 =	simm.s32 $0x3C0  }
.LBB2_2:
0x13: {  	p0 =	sne.s32 s0, $0x9FC0;
	[tilespmem:s2+$0x4E20] =	vst v0  }
0x14: {  	[tilespmem:s2+$0x4DB0] =	vst v0  }
0x15: {  	[tilespmem:s2+$0x4DC0] =	vst v0  }
.Ltmp0:
0x16: {  	[tilespmem:s2+$0x4DD0] =	vst v0;
	(pc) =	sbr.rel @p0 .LBB2_2-.Ltmp0, $4  }
0x17: {  	[tilespmem:s2+$0x4DE0] =	vst v0  }
0x18: {  	[tilespmem:s2+$0x4DF0] =	vst v0  }
0x19: {  	[tilespmem:s2+$0x4E00] =	vst v0  }
0x1a: {  	[tilespmem:s2+$0x4E10] =	vst v0;
	s2 =	sshra.s32 s0, $0x2;
	s0 =	sadd.s32 $0x200, s0  }
0x1b: {  	[tilespmem:s2+$0x4E20] =	vst v0  }
0x1c: {  	[tilespmem:s2+$0x4DB0] =	vst v0  }
0x1d: {  	[tilespmem:s2+$0x4DC0] =	vst v0  }
0x1e: {  	[tilespmem:s2+$0x4DD0] =	vst v0  }
0x1f: {  	[tilespmem:s2+$0x4DE0] =	vst v0  }
0x20: {  	[tilespmem:s2+$0x4DF0] =	vst v0  }
0x21: {  	[tilespmem:s2+$0x4E00] =	vst v0  }
0x22: {  	[tilespmem:s2+$0x4E10] =	vst v0  }
0x23: {  	[spmem:s9] =	stream.linear.scatter [tilespmem:s17], [sflag:$0x5], $0x2800, $0x38;
	[tilespmem:$0x1DE20] =	vst v63  }
0x24: {  	_ =	swait.ge [sflag:s18], $0x2800  }
0x25: {  	[sflag:s18] =	ssyncset.done $0x0  }
0x26: {  	[sflag:s18] =	ssyncadd.s32 $0xFFFFD800  }
0x27: {  	[spmem:s10] =	stream.linear.scatter [tilespmem:s17], [sflag:$0x5], $0x2800, $0x38;
	[tilespmem:$0x1DE20] =	vst v63  }
0x28: {  	_ =	swait.ge [sflag:s18], $0x2800  }
0x29: {  	[sflag:s18] =	ssyncset.done $0x0  }
0x2a: {  	[sflag:s18] =	ssyncadd.s32 $0xFFFFD800  }
0x2b: {  	[spmem:s11] =	stream.linear.scatter [tilespmem:s17], [sflag:$0x5], $0x2800, $0x38;
	[tilespmem:$0x1DE20] =	vst v63  }
0x2c: {  	_ =	swait.ge [sflag:s18], $0x2800  }
0x2d: {  	[sflag:s18] =	ssyncset.done $0x0  }
0x2e: {  	[sflag:s18] =	ssyncadd.s32 $0xFFFFD800  }
0x2f: {  	[spmem:s12] =	stream.linear.scatter [tilespmem:s17], [sflag:$0x5], $0x2800, $0x38;
	[tilespmem:$0x1DE20] =	vst v63  }
0x30: {  	_ =	swait.ge [sflag:s18], $0x2800  }
0x31: {  	[sflag:s18] =	ssyncset.done $0x0  }
0x32: {  	[sflag:s18] =	ssyncadd.s32 $0xFFFFD800  }
0x33: {  	[spmem:s13] =	stream.linear.scatter [tilespmem:s17], [sflag:$0x5], $0x2800, $0x38;
	[tilespmem:$0x1DE20] =	vst v63  }
0x34: {  	_ =	swait.ge [sflag:s18], $0x2800  }
0x35: {  	[sflag:s18] =	ssyncset.done $0x0  }
0x36: {  	[sflag:s18] =	ssyncadd.s32 $0xFFFFD800  }
0x37: {  	[spmem:s14] =	stream.linear.scatter [tilespmem:s17], [sflag:$0x5], $0x2800, $0x38;
	[tilespmem:$0x1DE20] =	vst v63  }
0x38: {  	_ =	swait.ge [sflag:s18], $0x2800  }
0x39: {  	[sflag:s18] =	ssyncset.done $0x0  }
0x3a: {  	[sflag:s18] =	ssyncadd.s32 $0xFFFFD800  }
0x3b: {  	[spmem:s15] =	stream.linear.scatter [tilespmem:s17], [sflag:$0x5], $0x2800, $0x38;
	[tilespmem:$0x1DE20] =	vst v63  }
0x3c: {  	_ =	swait.ge [sflag:s18], $0x2800  }
0x3d: {  	[sflag:s18] =	ssyncset.done $0x0  }
0x3e: {  	[sflag:s18] =	ssyncadd.s32 $0xFFFFD800  }
0x3f: {  	[spmem:s16] =	stream.linear.scatter [tilespmem:s17], [sflag:$0x5], $0x2800, $0x38;
	[tilespmem:$0x1DE20] =	vst v63  }
0x40: {  	_ =	swait.ge [sflag:s18], $0x2800  }
0x41: {  	[sflag:s18] =	ssyncset.done $0x0  }
0x42: {  	[sflag:s18] =	ssyncadd.s32 $0xFFFFD800  }
0x43: {  	[tilespmem:s4], [sflag:$0x5] =	stream.linear.gather [hbm4b:s5+s4], $0x2710, $0x38;
	[tilespmem:$0x1DE20] =	vst v63  }
0x44: {  	_ =	swait.ge [sflag:s18], $0x2710  }
0x45: {  	[sflag:s18] =	ssyncset.done $0x0  }
0x46: {  	[sflag:s18] =	ssyncadd.s32 $0xFFFFD8F0  }
0x47: {  	[tilespmem:s19], [sflag:$0x5] =	stream.linear.gather [hbm4b:s6+s4], $0x2710, $0x38;
	[tilespmem:$0x1DE20] =	vst v63  }
0x48: {  	_ =	swait.ge [sflag:s18], $0x2710  }
0x49: {  	[sflag:s18] =	ssyncset.done $0x0  }
0x4a: {  	[sflag:s18] =	ssyncadd.s32 $0xFFFFD8F0  }
0x4b: {  	[bflag:$0x0] =	sbarrier.arrive $0xFFFF  }
0x4c: {  	[tilespmem:s17], [sflag:$0x1] =	stream.indirect.gather [hbm4b:s1+s20], $0x80, s4, s20, $0xb8;
	[tilespmem:$0x1DE20] =	vst v63  }
0x4d: {  	_ = 	snop  }
0x4e: {  	[tilespmem:s21], [sflag:$0x2] =	stream.indirect.gather [hbm4b:s1+s20], $0x80, s20, s20, $0xb8;
	[tilespmem:$0x1DE20] =	vst v63  }
0x4f: {  	_ =	swait.ge [sflag:s22], $0x2800  }
0x50: {  	[sflag:s22] =	ssyncset.done $0x0  }
0x51: {  	[sflag:s22] =	ssyncadd.s32 $0xFFFFD800  }
0x52: {  	[spmem:s3] =	stream.indirect.scatter.add.f32 [tilespmem:s17], [sflag:$0x3], $0x80, s19, s20, $0xb8;
	[tilespmem:$0x1DE20] =	vst v63  }
0x53: {  	_ =	swait.ge [sflag:s23], $0x2800  }
0x54: {  	[sflag:s23] =	ssyncset.done $0x0  }
0x55: {  	s0 =	simm.s32 $0xA0;
	[sflag:s23] =	ssyncadd.s32 $0xFFFFD800  }
0x56: {  	[tilespmem:s17], [sflag:$0x1] =	stream.indirect.gather [hbm4b:s1+s20], $0x80, s0, s20, $0xb8;
	[tilespmem:$0x1DE20] =	vst v63  }
0x57: {  	_ =	swait.ge [sflag:s24], $0x2800  }
0x58: {  	[sflag:s24] =	ssyncset.done $0x0  }
0x59: {  	s2 =	simm.s32 $0x2760;
	[sflag:s24] =	ssyncadd.s32 $0xFFFFD800  }
0x5a: {  	[spmem:s3] =	stream.indirect.scatter.add.f32 [tilespmem:s21], [sflag:$0x4], $0x80, s2, s20, $0xb8;
	[tilespmem:$0x1DE20] =	vst v63  }
0x5b: {  	_ =	swait.ge [sflag:s26], $0x2800  }
0x5c: {  	[sflag:s26] =	ssyncset.done $0x0  }
0x5d: {  	s28 =	simm.s32 $0xF0;
	[sflag:s26] =	ssyncadd.s32 $0xFFFFD800  }
0x5e: {  	[tilespmem:s21], [sflag:$0x2] =	stream.indirect.gather [hbm4b:s1+s20], $0x80, s28, s20, $0xb8;
	[tilespmem:$0x1DE20] =	vst v63  }
0x5f: {  	_ =	swait.ge [sflag:s22], $0x2800  }
0x60: {  	[sflag:s22] =	ssyncset.done $0x0  }
0x61: {  	s0 =	simm.s32 $0x27B0;
	s2 =	simm.s32 $0xFFFF6A00;
	[sflag:s22] =	ssyncadd.s32 $0xFFFFD800  }
.LBB2_4:
0x62: {  	[spmem:s3] =	stream.indirect.scatter.add.f32 [tilespmem:s17], [sflag:$0x3], $0x80, s0, s20, $0xb8;
	[tilespmem:$0x1DE20] =	vst v63  }
0x63: {  	s0 =	smov.u32 s2  }
0x64: {  	p0 =	sne.s32 s2, $0xFFFFFD80;
	s2 =	sadd.s32 $0x280, s2;
	_ =	swait.ge [sflag:s23], $0x2800  }
0x65: {  	s0 =	sshra.s32 s0, $0x2;
	[sflag:s23] =	ssyncset.done $0x0  }
0x66: {  	s28 =	sadd.s32 $0x26C0, s0;
	[sflag:s23] =	ssyncadd.s32 $0xFFFFD800  }
0x67: {  	[tilespmem:s17], [sflag:$0x1] =	stream.indirect.gather [hbm4b:s1+s20], $0x80, s28, s20, $0xb8;
	[tilespmem:$0x1DE20] =	vst v63  }
0x68: {  	_ =	swait.ge [sflag:s24], $0x2800  }
0x69: {  	[sflag:s24] =	ssyncset.done $0x0  }
0x6a: {  	s28 =	sadd.s32 $0x4D80, s0;
	[sflag:s24] =	ssyncadd.s32 $0xFFFFD800  }
0x6b: {  	[spmem:s3] =	stream.indirect.scatter.add.f32 [tilespmem:s21], [sflag:$0x4], $0x80, s28, s20, $0xb8;
	[tilespmem:$0x1DE20] =	vst v63  }
0x6c: {  	_ =	swait.ge [sflag:s26], $0x2800  }
0x6d: {  	[sflag:s26] =	ssyncset.done $0x0  }
.Ltmp1:
0x6e: {  	s28 =	sadd.s32 $0x2710, s0;
	[sflag:s26] =	ssyncadd.s32 $0xFFFFD800;
	(pc) =	sbr.rel @p0 .LBB2_4-.Ltmp1, $4  }
0x6f: {  	[tilespmem:s21], [sflag:$0x2] =	stream.indirect.gather [hbm4b:s1+s20], $0x80, s28, s20, $0xb8;
	[tilespmem:$0x1DE20] =	vst v63  }
0x70: {  	_ =	swait.ge [sflag:s22], $0x2800  }
0x71: {  	[sflag:s22] =	ssyncset.done $0x0  }
0x72: {  	s0 =	sadd.s32 $0x4DD0, s0;
	[sflag:s22] =	ssyncadd.s32 $0xFFFFD800  }
0x73: {  	[spmem:s3] =	stream.indirect.scatter.add.f32 [tilespmem:s17], [sflag:$0x3], $0x80, s0, s20, $0xb8;
	[tilespmem:$0x1DE20] =	vst v63  }
0x74: {  	_ =	swait.ge [sflag:s24], $0x2800  }
0x75: {  	[sflag:s24] =	ssyncset.done $0x0  }
0x76: {  	s2 =	simm.s32 $0x4D80;
	[sflag:s24] =	ssyncadd.s32 $0xFFFFD800  }
0x77: {  	[spmem:s3] =	stream.indirect.scatter.add.f32 [tilespmem:s21], [sflag:$0x4], $0x80, s2, s20, $0xb8;
	[tilespmem:$0x1DE20] =	vst v63  }
0x78: {  	_ =	swait.ge [sflag:s23], $0x2800  }
0x79: {  	[sflag:s23] =	ssyncset.done $0x0  }
0x7a: {  	[sflag:s23] =	ssyncadd.s32 $0xFFFFD800  }
0x7b: {  	[tilespmem:s17], [sflag:$0x1] =	stream.indirect.gather [hbm4b:s1+s20], $0x80, s29, s20, $0xb8;
	[tilespmem:$0x1DE20] =	vst v63  }
0x7c: {  	_ =	swait.ge [sflag:s22], $0x2800  }
0x7d: {  	[sflag:s22] =	ssyncset.done $0x0  }
0x7e: {  	[sflag:s22] =	ssyncadd.s32 $0xFFFFD800  }
0x7f: {  	[spmem:s3] =	stream.indirect.scatter.add.f32 [tilespmem:s17], [sflag:$0x3], $0x80, s30, s20, $0xb8;
	[tilespmem:$0x1DE20] =	vst v63  }
0x80: {  	_ =	swait.ge [sflag:s26], $0x2800  }
0x81: {  	[sflag:s26] =	ssyncset.done $0x0  }
0x82: {  	[sflag:s26] =	ssyncadd.s32 $0xFFFFD800  }
0x83: {  	_ =	swait.ge [sflag:s23], $0x2800  }
0x84: {  	s28 =	stileid.u32;
	s31 =	sadd.s32 $0x1, s31;
	[sflag:s23] =	ssyncset.done $0x0  }
0x85: {  	s0 =	sshll.u32 s28, $0x6;
	p0 =	sne.s32 s31, s8;
	[sflag:s23] =	ssyncadd.s32 $0xFFFFD800  }
.Ltmp2:
0x86: {  	s0 =	sor.u32 $0x1C05, s0;
	[bflag:$0x0] =	sbarrier.arrive $0xFFFF;
	(pc) =	sbr.rel @p0 .LBB2_1-.Ltmp2, $4  }
0x87: {  	[hbm:s7], [sflag:s0] =	dma.local [spmem:s25], $0x2800  }
0x88: {  	_ =	swait.ge [sflag:s18], $0x2800  }
0x89: {  	[sflag:s18] =	ssyncset.done $0x0  }
0x8a: {  	[sflag:s18] =	ssyncadd.s32 $0xFFFFD800  }
0x8b: {  	_ =	sfence.sel $0x180000  }
0x8c: {  	[bflag:$0x0] =	sbarrier.arrive $0xFFFF  }
0x8d: {  	_ =	strace $0x9000004D  }
0x8e: {  	s0 =	stileid.u32;
	[bflag:$0x2] =	sbarrier.arrive $0xFFFF  }
0x8f: {  	p0 =	sne.s32 s0, $0x0;
	s0 =	rddreg [dreg:$0x3]  }
0x90: {  	s0 =	sadd.s32 @!p0 $0x100000, s0  }
0x91: {  	[sflag:s0] =	ssyncadd.tile.s32 @!p0 $0x1;
	_ =	shalt  }
.Lfunc_end2:
_tile_overlayer_lowered:
.L_overlay_start_2:
0x92: {  	(tag) =	ssettag $0x2  }
0x93: {  	s0 =	rddreg [dreg:$0x0];
	s2 =	stileid.u32  }
0x94: {  	s1 =	rddreg [dreg:$0x1];
	p0 =	sne.s32 s2, $0x0  }
0x95: {  	s3 =	rddreg [dreg:$0x2];
	[bflag:$0x3] =	sbarrier.arrive $0xFFFF;
	s2 =	simm.s32 @!p0 $0x1C05  }
0x96: {  	[timem:s3], [sflag:s2] =	dma.local @!p0 [hbm:s0], s1  }
0x97: {  	s0 =	simm.s32 @!p0 $0x5  }
0x98: {  	_ =	swait.ge @!p0 [sflag:s0], s1  }
0x99: {  	s1 =	ssub.s32 @!p0 $0x0, s1;
	[sflag:s0] =	ssyncset.done @!p0 $0x0  }
0x9a: {  	[sflag:s0] =	ssyncadd.s32 @!p0 s1  }
0x9b: {  	[bflag:$0x3] =	sbarrier.arrive $0xFFFF  }
0x9c: {  	_ =	shalt  }

// kernel: kernel.19.cloned.1.call-start
scs
__scs_entry_jumppad:
0x0: {  	(pc) =	sbr.rel $0x88, $3  }
0x1: {  	(tag) =	ssettag $0x0;
	lr =	simm.s32 $0x1  }
0x2: {  	[smem:$0x3F99] =	sst lr;
	_ =	strace $0xD0000000  }
0x3: {  	_ = 	snop  }
0x4: {  	_ = 	snop  }
0x5: {  	_ = 	snop  }
0x6: {  	_ = 	snop  }
0x7: {  	_ = 	snop  }
__scs_overlays_trampoline_lowered:
0x8: {  	[smem:$0x3FA8] =	sst s0  }
0x9: {  	[smem:$0x3FA9] =	sst s1  }
0xa: {  	[smem:$0x3FAA] =	sst s2  }
0xb: {  	[smem:$0x3FAB] =	sst s3  }
0xc: {  	[smem:$0x3FAC] =	sst s4  }
0xd: {  	[smem:$0x3FAD] =	sst s5  }
0xe: {  	[smem:$0x3FAE] =	sst s6  }
0xf: {  	[smem:$0x3FAF] =	sst s7  }
0x10: {  	[smem:$0x3FB0] =	sst s8  }
0x11: {  	[smem:$0x3FB1] =	sst s9;
	s0 =	simm.s32 @!p0 $0x0  }
0x12: {  	s1 =	sld [smem:$0x3F97];
	s0 =	simm.s32 @p0 $0x1  }
0x13: {  	[smem:$0x3FB2] =	sst s0;
	s0 =	simm.s32 @!p1 $0x0  }
0x14: {  	s2 =	sld [smem:$0x3F96];
	s0 =	simm.s32 @p1 $0x1  }
0x15: {  	[smem:$0x3FB3] =	sst s0;
	s0 =	simm.s32 @!p2 $0x0  }
0x16: {  	s3 =	sld [smem:$0x3FDB];
	s0 =	simm.s32 @p2 $0x1  }
0x17: {  	s4 =	simm.s32 $0x1BF5;
	[smem:$0x3FB5] =	sst s0  }
0x18: {  	s0 =	sld [smem:$0x3F98];
	_ =	swait.ge [sflag:s4], $0x0  }
0x19: {  	s7 =	sld [smem:$0x3F99]  }
0x1a: {  	s8 =	sadd.s32 $0xFFFFE003, lr  }
0x1b: {  	s9 =	sadd.s32 $0xFFFFFEF7, lr;
	s5 =	simm.s32 $0xFFFFFFFF;
	p2 =	slt.u32 s8, $0xFFFFF086  }
0x1c: {  	p1 =	slt.u32 s9, $0xF7A;
	s5 =	simm.s32 @!p2 $0x0  }
0x1d: {  	s5 =	simm.s32 @p1 $0x1;
	p0 =	seq.s32 s7, s2  }
0x1e: {  	s7 =	smul.u32 @!p0 $0xF7A, s2;
	p2 =	seq.s32 @!p0 s5, $0x0  }
0x1f: {  	s9 =	smul.u32 $0xF7A, s1;
	s8 =	simm.s32 @!p0 $0x1BF5;
	p2 =	por !p2, p0  }
0x20: {  	[sflag:s8] =	ssyncset.s32 @!p0 $0xFFFFF086;
	s6 =	sadd.s32 @!p0 s3, s7;
	s7 =	simm.s32 @!p0 $0x108  }
0x21: {  	s3 =	sadd.s32 s3, s9;
	s6 =	sadd.s32 @!p0 $0x88, s6;
	s7 =	simm.s32 @p2 $0x1082  }
0x22: {  	[simem:s7], [sflag:s8] =	dma.local @!p0 [hbm:s6], $0xF7A  }
0x23: {  	s9 =	sor.u32 $0xD0000000, s2;
	s6 =	simm.s32 $0x108;
	_ =	swait.ge @!p0 [sflag:s8], $0x0  }
0x24: {  	s3 =	sadd.s32 $0x88, s3;
	s6 =	simm.s32 @!p1 $0x1082;
	[sflag:s4] =	ssyncset.s32 $0xFFFFF086  }
0x25: {  	[simem:s6], [sflag:s4] =	dma.local [hbm:s3], $0xF7A  }
0x26: {  	[smem:$0x3F99] =	sst s1;
	(tag) =	ssettag s2;
	_ =	strace s9  }
0x27: {  	s1 =	sld [smem:$0x3FA9]  }
0x28: {  	s2 =	sld [smem:$0x3FAA]  }
0x29: {  	s4 =	sld [smem:$0x3FAC]  }
0x2a: {  	p0 =	seq.s32 s5, $0x0;
	s5 =	sld [smem:$0x3FAD]  }
0x2b: {  	s6 =	sld [smem:$0x3FAE]  }
0x2c: {  	s7 =	sld [smem:$0x3FAF]  }
0x2d: {  	s3 =	simm.s32 $0x108;
	s8 =	sld [smem:$0x3FB0]  }
0x2e: {  	s3 =	simm.s32 @!p0 $0x1082;
	s9 =	sld [smem:$0x3FB1]  }
0x2f: {  	lr =	sadd.s32 s0, s3;
	s0 =	sld [smem:$0x3FA8]  }
0x30: {  	s3 =	sld [smem:$0x3FAB]  }
0x31: {  	[smem:$0x3FB4] =	sst s10  }
0x32: {  	s10 =	sld [smem:$0x3FB2];
	_ =	sdelay $0x3  }
0x33: {  	p0 =	seq.s32 s10, $0x1;
	s10 =	sld [smem:$0x3FB4];
	_ =	sdelay $0x3  }
0x34: {  	[smem:$0x3FB4] =	sst s10  }
0x35: {  	s10 =	sld [smem:$0x3FB3];
	_ =	sdelay $0x3  }
0x36: {  	p1 =	seq.s32 s10, $0x1;
	s10 =	sld [smem:$0x3FB4];
	_ =	sdelay $0x3  }
0x37: {  	[smem:$0x3FB4] =	sst s10  }
0x38: {  	s10 =	sld [smem:$0x3FB5]  }
0x39: {  	_ = 	snop;
	(pc) =	sbr.ind lr, $3  }
0x3a: {  	_ = 	snop  }
0x3b: {  	_ = 	snop  }
0x3c: {  	p2 =	seq.s32 s10, $0x1;
	s10 =	sld [smem:$0x3FB4]  }
0x3d: {  	_ =	shalt  }
0x3e: {  	_ =	shalt  }
0x3f: {  	_ =	shalt  }
0x40: {  	_ =	shalt  }
0x41: {  	_ =	shalt  }
0x42: {  	_ =	shalt  }
0x43: {  	_ =	shalt  }
0x44: {  	_ =	shalt  }
0x45: {  	_ =	shalt  }
0x46: {  	_ =	shalt  }
0x47: {  	_ =	shalt  }
0x48: {  	_ =	shalt  }
0x49: {  	_ =	shalt  }
0x4a: {  	_ =	shalt  }
0x4b: {  	_ =	shalt  }
0x4c: {  	_ =	shalt  }
0x4d: {  	_ =	shalt  }
0x4e: {  	_ =	shalt  }
0x4f: {  	_ =	shalt  }
0x50: {  	_ =	shalt  }
0x51: {  	_ =	shalt  }
0x52: {  	_ =	shalt  }
0x53: {  	_ =	shalt  }
0x54: {  	_ =	shalt  }
0x55: {  	_ =	shalt  }
0x56: {  	_ =	shalt  }
0x57: {  	_ =	shalt  }
0x58: {  	_ =	shalt  }
0x59: {  	_ =	shalt  }
0x5a: {  	_ =	shalt  }
0x5b: {  	_ =	shalt  }
0x5c: {  	_ =	shalt  }
0x5d: {  	_ =	shalt  }
0x5e: {  	_ =	shalt  }
0x5f: {  	_ =	shalt  }
0x60: {  	_ =	shalt  }
0x61: {  	_ =	shalt  }
0x62: {  	_ =	shalt  }
0x63: {  	_ =	shalt  }
0x64: {  	_ =	shalt  }
0x65: {  	_ =	shalt  }
0x66: {  	_ =	shalt  }
0x67: {  	_ =	shalt  }
0x68: {  	_ =	shalt  }
0x69: {  	_ =	shalt  }
0x6a: {  	_ =	shalt  }
0x6b: {  	_ =	shalt  }
0x6c: {  	_ =	shalt  }
0x6d: {  	_ =	shalt  }
0x6e: {  	_ =	shalt  }
0x6f: {  	_ =	shalt  }
0x70: {  	_ =	shalt  }
0x71: {  	_ =	shalt  }
0x72: {  	_ =	shalt  }
0x73: {  	_ =	shalt  }
0x74: {  	_ =	shalt  }
0x75: {  	_ =	shalt  }
0x76: {  	_ =	shalt  }
0x77: {  	_ =	shalt  }
0x78: {  	_ =	shalt  }
0x79: {  	_ =	shalt  }
0x7a: {  	_ =	shalt  }
0x7b: {  	_ =	shalt  }
0x7c: {  	_ =	shalt  }
0x7d: {  	_ =	shalt  }
0x7e: {  	_ =	shalt  }
0x7f: {  	_ =	shalt  }
0x80: {  	_ =	shalt  }
0x81: {  	_ =	shalt  }
0x82: {  	_ =	shalt  }
0x83: {  	_ =	shalt  }
0x84: {  	_ =	shalt  }
0x85: {  	_ =	shalt  }
0x86: {  	_ =	shalt  }
0x87: {  	_ =	shalt  }
.Lfunc_end0:
.L_simem_size_0:
called_computation.3_lowered:
.L_overlay_start_0:
0x88: {  	s2 =	sld [smem:$0x3FD9]  }
0x89: {  	s3 =	sld [smem:$0x3FFE];
	_ =	sdelay $0x1  }
0x8a: {  	s1 =	srdreg.scid  }
0x8b: {  	s0 =	sand.u32 $0x1, s1  }
0x8c: {  	s17 =	sshll.u32 s0, $0xA;
	s2 =	sadd.s32 s3, s2  }
0x8d: {  	s2 =	sadd.s32 s2, s17  }
0x8e: {  	[smem:$0x3FC0] =	sst s2  }
0x8f: {  	_ = 	snop  }
0x90: {  	s2 =	sld [smem:$0x3FD0];
	(tm) =	ssettm $0x1  }
0x91: {  	s18 =	sld [smem:$0x3FFB];
	_ =	sdelay $0x3  }
0x92: {  	_ =	strace s18  }
0x93: {  	s3 =	sld [smem:$0x3FFC];
	_ =	sdelay $0x3  }
0x94: {  	_ =	strace s3  }
0x95: {  	s3 =	sld [smem:$0x3FFD];
	_ =	sdelay $0x3  }
0x96: {  	_ =	strace s3  }
0x97: {  	_ =	strace $0x8FFFFFFF  }
0x98: {  	s19 =	sld [smem:$0x3FDB];
	_ =	sdelay $0x1  }
0x99: {  	s4 =	simm.s32 $_scs_section_size  }
0x9a: {  	s5 =	simm.s32 $_size__tile_overlayer_lowered;
	s6 =	simm.s32 $_tile_overlayer_lowered  }
0x9b: {  	s22 =	simm.s32 $0x1BFF;
	s21 =	sshll.u32 s6, $0x1;
	s3 =	sadd.s32 s4, s19  }
0x9c: {  	s7 =	simm.s32 $0x0;
	s20 =	sshll.u32 s5, $0x1;
	s5 =	sadd.s32 s21, s3  }
0x9d: {  	[timem:s7], [sflag:s22] =	dma.local [hbm:s5], s20  }
0x9e: {  	_ =	swait.ge [sflag:s22], s20  }
0x9f: {  	s4 =	ssub.s32 $0x0, s20;
	[sflag:s22] =	ssyncset.done $0x0  }
0xa0: {  	[sflag:s22] =	ssyncadd.s32 s4;
	_ =	sdelay $0x1  }
0xa1: {  	s23 =	simm.s32 $0x1B8B  }
0xa2: {  	_ =	swait.ge [sflag:s23], $0x1  }
0xa3: {  	[sflag:s23] =	ssyncset.done $0x0  }
0xa4: {  	s25 =	simm.s32 $0x1B8E;
	s24 =	sld [smem:$0x3FFE];
	[sflag:s23] =	ssyncadd.s32 $0xFFFFFFFF  }
0xa5: {  	s26 =	simm.s32 $execute0_lowered;
	[smem:$0x3FD2] =	sst s25  }
0xa6: {  	s5 =	sshll.u32 s26, $0x1;
	_ =	strace $0x8000004F;
	[dreg:$0x1] =	wrdreg $0xFFFFFFFF  }
0xa7: {  	s28 =	simm.s32 $_size_execute0_lowered;
	s3 =	sadd.s32 s3, s5;
	[dreg:$0x0] =	wrdreg $0x0  }
0xa8: {  	s5 =	sshll.u32 s28, $0x1;
	[dreg:$0x2] =	wrdreg s3  }
0xa9: {  	[dreg:$0x3] =	wrdreg s5  }
0xaa: {  	[dreg:$0x4] =	wrdreg $0xC0  }
0xab: {  	_ =	task [dreg:s7], $0x5FFFF  }
0xac: {  	[dreg:$0x1] =	wrdreg $0xFFFFFFFF  }
0xad: {  	[dreg:$0x0] =	wrdreg $0x60  }
0xae: {  	[dreg:$0x2] =	wrdreg s2  }
0xaf: {  	[dreg:$0x3] =	wrdreg s24  }
0xb0: {  	[dreg:$0x4] =	wrdreg $0x9E200  }
0xb1: {  	[dreg:$0x5] =	wrdreg $0x9  }
0xb2: {  	_ =	task.clear_ibuf [dreg:s7], $0x6FFFF;
	_ =	strace $0x9000004F  }
0xb3: {  	s29 =	simm.s32 $0x9;
	_ =	strace $0x80000051  }
0xb4: {  	_ =	swait.ge [sflag:s29], $0x1  }
0xb5: {  	[sflag:s29] =	ssyncadd.s32 $0xFFFFFFFF  }
0xb6: {  	_ =	strace $0x90000051  }
0xb7: {  	_ =	sfence  }
0xb8: {  	s30 =	sld [smem:$0x0];
	_ =	sdelay $0x2  }
0xb9: {  	s31 =	sshll.u32 s1, $0xD;
	s1 =	sshrl.u32 s1, $0x2  }
0xba: {  	s3 =	sand.u32 $0x4000, s31;
	s1 =	sadd.s32 s1, s30  }
0xbb: {  	s0 =	sor.u32 s3, s0;
	s1 =	sshll.u32 s1, $0x11  }
0xbc: {  	s0 =	sor.u32 s1, s0  }
0xbd: {  	s0 =	sadd.s32 $0x8F2B, s0  }
0xbe: {  	[sflag:s0] =	ssyncadd.remote.s32 $0x1  }
0xbf: {  	_ =	sfence.sel $0xFFFF  }
0xc0: {  	[dreg:$0x0] =	wrdreg $0xFFFFFFFF;
	(pc) =	sbr.abs _section_cstart, $3  }
0xc1: {  	[dreg:$0x1] =	wrdreg $0xFFFFFFFF  }
0xc2: {  	_ =	task.clear_ibuf [dreg:s7], $0x2FFFF;
	_ =	strace $0x9FFFFFFF  }
0xc3: {  	(tm) =	ssettm $0x7FFFFFFF  }
tec
execute0_lowered:
.L_overlay_start_1:
0x0: {  	(tag) =	ssettag $0x1  }
0x1: {  	s0 =	srdreg.scid;
	s1 =	rddreg [dreg:$0x0]  }
0x2: {  	s9 =	stileid.u32;
	s5 =	rddreg [dreg:$0x1]  }
0x3: {  	s3 =	rddreg [dreg:$0x2];
	s4 =	simm.s32 $0x0;
	s17 =	simm.s32 $0x4E20  }
0x4: {  	s18 =	simm.s32 $0x5;
	s19 =	simm.s32 $0x2710;
	s20 =	simm.s32 $0x50  }
0x5: {  	s21 =	simm.s32 $0x7620;
	s22 =	simm.s32 $0x1;
	s23 =	simm.s32 $0x3  }
0x6: {  	s24 =	simm.s32 $0x2;
	s26 =	simm.s32 $0x4;
	s29 =	simm.s32 $0x26C0  }
0x7: {  	s30 =	simm.s32 $0x4DD0;
	s31 =	simm.s32 $0x0;
	s0 =	sand.u32 $0x1, s0  }
0x8: {  	[smem:$0x7FF] =	sst s4;
	s8 =	smul.u32 $0x14000, s9;
	s2 =	sshll.u32 s0, $0x4  }
0x9: {  	s6 =	smul.u32 $0x140000, s0;
	_ =	strace $0x80000050;
	s0 =	ssub.s32 $0x2, s0  }
0xa: {  	s2 =	sor.u32 s9, s2;
	s7 =	sshrl.u32 s0, $0x1;
	s9 =	smul.u32 $0x50000, s9  }
0xb: {  	s25 =	sadd.s32 s8, s3;
	s2 =	smul.u32 $0x4E2, s2;
	s6 =	sadd.s32 s8, s6  }
0xc: {  	s0 =	ssub.s32 s0, s7;
	s25 =	sshrl.u32 s25, $0x3;
	s6 =	sshrl.u32 s6, $0x3  }
0xd: {  	s28 =	sshrl.u32 s9, $0x2;
	s8 =	smax.u32 s0, $0x1;
	s2 =	sadd.s32 s2, s5  }
0xe: {  	s10 =	sadd.s32 s6, s5;
	s9 =	sadd.s32 s28, s3;
	s5 =	sadd.s32 $0x3800, s2  }
0xf: {  	s6 =	sadd.s32 $0xD600, s2;
	s7 =	sadd.s32 $0x71400, s10;
	s10 =	sadd.s32 $0x2800, s9  }
0x10: {  	s11 =	sadd.s32 $0x5000, s9;
	s12 =	sadd.s32 $0x7800, s9;
	s13 =	sadd.s32 $0xA000, s9  }
0x11: {  	v0 =	vimm.f32 $0.0e+00;
	s14 =	sadd.s32 $0xC800, s9;
	s15 =	sadd.s32 $0xF000, s9;
	s16 =	sadd.s32 $0x11800, s9  }
.LBB2_1:
0x12: {  	s2 =	simm.s32 $0x70;
	s0 =	simm.s32 $0x3C0  }
.LBB2_2:
0x13: {  	p0 =	sne.s32 s0, $0x9FC0;
	[tilespmem:s2+$0x4E20] =	vst v0  }
0x14: {  	[tilespmem:s2+$0x4DB0] =	vst v0  }
0x15: {  	[tilespmem:s2+$0x4DC0] =	vst v0  }
.Ltmp0:
0x16: {  	[tilespmem:s2+$0x4DD0] =	vst v0;
	(pc) =	sbr.rel @p0 .LBB2_2-.Ltmp0, $4  }
0x17: {  	[tilespmem:s2+$0x4DE0] =	vst v0  }
0x18: {  	[tilespmem:s2+$0x4DF0] =	vst v0  }
0x19: {  	[tilespmem:s2+$0x4E00] =	vst v0  }
0x1a: {  	[tilespmem:s2+$0x4E10] =	vst v0;
	s2 =	sshra.s32 s0, $0x2;
	s0 =	sadd.s32 $0x200, s0  }
0x1b: {  	[tilespmem:s2+$0x4E20] =	vst v0  }
0x1c: {  	[tilespmem:s2+$0x4DB0] =	vst v0  }
0x1d: {  	[tilespmem:s2+$0x4DC0] =	vst v0  }
0x1e: {  	[tilespmem:s2+$0x4DD0] =	vst v0  }
0x1f: {  	[tilespmem:s2+$0x4DE0] =	vst v0  }
0x20: {  	[tilespmem:s2+$0x4DF0] =	vst v0  }
0x21: {  	[tilespmem:s2+$0x4E00] =	vst v0  }
0x22: {  	[tilespmem:s2+$0x4E10] =	vst v0  }
0x23: {  	[spmem:s9] =	stream.linear.scatter [tilespmem:s17], [sflag:$0x5], $0x2800, $0x38;
	[tilespmem:$0x1DE20] =	vst v63  }
0x24: {  	_ =	swait.ge [sflag:s18], $0x2800  }
0x25: {  	[sflag:s18] =	ssyncset.done $0x0  }
0x26: {  	[sflag:s18] =	ssyncadd.s32 $0xFFFFD800  }
0x27: {  	[spmem:s10] =	stream.linear.scatter [tilespmem:s17], [sflag:$0x5], $0x2800, $0x38;
	[tilespmem:$0x1DE20] =	vst v63  }
0x28: {  	_ =	swait.ge [sflag:s18], $0x2800  }
0x29: {  	[sflag:s18] =	ssyncset.done $0x0  }
0x2a: {  	[sflag:s18] =	ssyncadd.s32 $0xFFFFD800  }
0x2b: {  	[spmem:s11] =	stream.linear.scatter [tilespmem:s17], [sflag:$0x5], $0x2800, $0x38;
	[tilespmem:$0x1DE20] =	vst v63  }
0x2c: {  	_ =	swait.ge [sflag:s18], $0x2800  }
0x2d: {  	[sflag:s18] =	ssyncset.done $0x0  }
0x2e: {  	[sflag:s18] =	ssyncadd.s32 $0xFFFFD800  }
0x2f: {  	[spmem:s12] =	stream.linear.scatter [tilespmem:s17], [sflag:$0x5], $0x2800, $0x38;
	[tilespmem:$0x1DE20] =	vst v63  }
0x30: {  	_ =	swait.ge [sflag:s18], $0x2800  }
0x31: {  	[sflag:s18] =	ssyncset.done $0x0  }
0x32: {  	[sflag:s18] =	ssyncadd.s32 $0xFFFFD800  }
0x33: {  	[spmem:s13] =	stream.linear.scatter [tilespmem:s17], [sflag:$0x5], $0x2800, $0x38;
	[tilespmem:$0x1DE20] =	vst v63  }
0x34: {  	_ =	swait.ge [sflag:s18], $0x2800  }
0x35: {  	[sflag:s18] =	ssyncset.done $0x0  }
0x36: {  	[sflag:s18] =	ssyncadd.s32 $0xFFFFD800  }
0x37: {  	[spmem:s14] =	stream.linear.scatter [tilespmem:s17], [sflag:$0x5], $0x2800, $0x38;
	[tilespmem:$0x1DE20] =	vst v63  }
0x38: {  	_ =	swait.ge [sflag:s18], $0x2800  }
0x39: {  	[sflag:s18] =	ssyncset.done $0x0  }
0x3a: {  	[sflag:s18] =	ssyncadd.s32 $0xFFFFD800  }
0x3b: {  	[spmem:s15] =	stream.linear.scatter [tilespmem:s17], [sflag:$0x5], $0x2800, $0x38;
	[tilespmem:$0x1DE20] =	vst v63  }
0x3c: {  	_ =	swait.ge [sflag:s18], $0x2800  }
0x3d: {  	[sflag:s18] =	ssyncset.done $0x0  }
0x3e: {  	[sflag:s18] =	ssyncadd.s32 $0xFFFFD800  }
0x3f: {  	[spmem:s16] =	stream.linear.scatter [tilespmem:s17], [sflag:$0x5], $0x2800, $0x38;
	[tilespmem:$0x1DE20] =	vst v63  }
0x40: {  	_ =	swait.ge [sflag:s18], $0x2800  }
0x41: {  	[sflag:s18] =	ssyncset.done $0x0  }
0x42: {  	[sflag:s18] =	ssyncadd.s32 $0xFFFFD800  }
0x43: {  	[tilespmem:s4], [sflag:$0x5] =	stream.linear.gather [hbm4b:s5+s4], $0x2710, $0x38;
	[tilespmem:$0x1DE20] =	vst v63  }
0x44: {  	_ =	swait.ge [sflag:s18], $0x2710  }
0x45: {  	[sflag:s18] =	ssyncset.done $0x0  }
0x46: {  	[sflag:s18] =	ssyncadd.s32 $0xFFFFD8F0  }
0x47: {  	[tilespmem:s19], [sflag:$0x5] =	stream.linear.gather [hbm4b:s6+s4], $0x2710, $0x38;
	[tilespmem:$0x1DE20] =	vst v63  }
0x48: {  	_ =	swait.ge [sflag:s18], $0x2710  }
0x49: {  	[sflag:s18] =	ssyncset.done $0x0  }
0x4a: {  	[sflag:s18] =	ssyncadd.s32 $0xFFFFD8F0  }
0x4b: {  	[bflag:$0x0] =	sbarrier.arrive $0xFFFF  }
0x4c: {  	[tilespmem:s17], [sflag:$0x1] =	stream.indirect.gather [hbm4b:s1+s20], $0x80, s4, s20, $0xb8;
	[tilespmem:$0x1DE20] =	vst v63  }
0x4d: {  	_ = 	snop  }
0x4e: {  	[tilespmem:s21], [sflag:$0x2] =	stream.indirect.gather [hbm4b:s1+s20], $0x80, s20, s20, $0xb8;
	[tilespmem:$0x1DE20] =	vst v63  }
0x4f: {  	_ =	swait.ge [sflag:s22], $0x2800  }
0x50: {  	[sflag:s22] =	ssyncset.done $0x0  }
0x51: {  	[sflag:s22] =	ssyncadd.s32 $0xFFFFD800  }
0x52: {  	[spmem:s3] =	stream.indirect.scatter.add.f32 [tilespmem:s17], [sflag:$0x3], $0x80, s19, s20, $0xb8;
	[tilespmem:$0x1DE20] =	vst v63  }
0x53: {  	_ =	swait.ge [sflag:s23], $0x2800  }
0x54: {  	[sflag:s23] =	ssyncset.done $0x0  }
0x55: {  	s0 =	simm.s32 $0xA0;
	[sflag:s23] =	ssyncadd.s32 $0xFFFFD800  }
0x56: {  	[tilespmem:s17], [sflag:$0x1] =	stream.indirect.gather [hbm4b:s1+s20], $0x80, s0, s20, $0xb8;
	[tilespmem:$0x1DE20] =	vst v63  }
0x57: {  	_ =	swait.ge [sflag:s24], $0x2800  }
0x58: {  	[sflag:s24] =	ssyncset.done $0x0  }
0x59: {  	s2 =	simm.s32 $0x2760;
	[sflag:s24] =	ssyncadd.s32 $0xFFFFD800  }
0x5a: {  	[spmem:s3] =	stream.indirect.scatter.add.f32 [tilespmem:s21], [sflag:$0x4], $0x80, s2, s20, $0xb8;
	[tilespmem:$0x1DE20] =	vst v63  }
0x5b: {  	_ =	swait.ge [sflag:s26], $0x2800  }
0x5c: {  	[sflag:s26] =	ssyncset.done $0x0  }
0x5d: {  	s28 =	simm.s32 $0xF0;
	[sflag:s26] =	ssyncadd.s32 $0xFFFFD800  }
0x5e: {  	[tilespmem:s21], [sflag:$0x2] =	stream.indirect.gather [hbm4b:s1+s20], $0x80, s28, s20, $0xb8;
	[tilespmem:$0x1DE20] =	vst v63  }
0x5f: {  	_ =	swait.ge [sflag:s22], $0x2800  }
0x60: {  	[sflag:s22] =	ssyncset.done $0x0  }
0x61: {  	s0 =	simm.s32 $0x27B0;
	s2 =	simm.s32 $0xFFFF6A00;
	[sflag:s22] =	ssyncadd.s32 $0xFFFFD800  }
.LBB2_4:
0x62: {  	[spmem:s3] =	stream.indirect.scatter.add.f32 [tilespmem:s17], [sflag:$0x3], $0x80, s0, s20, $0xb8;
	[tilespmem:$0x1DE20] =	vst v63  }
0x63: {  	s0 =	smov.u32 s2  }
0x64: {  	p0 =	sne.s32 s2, $0xFFFFFD80;
	s2 =	sadd.s32 $0x280, s2;
	_ =	swait.ge [sflag:s23], $0x2800  }
0x65: {  	s0 =	sshra.s32 s0, $0x2;
	[sflag:s23] =	ssyncset.done $0x0  }
0x66: {  	s28 =	sadd.s32 $0x26C0, s0;
	[sflag:s23] =	ssyncadd.s32 $0xFFFFD800  }
0x67: {  	[tilespmem:s17], [sflag:$0x1] =	stream.indirect.gather [hbm4b:s1+s20], $0x80, s28, s20, $0xb8;
	[tilespmem:$0x1DE20] =	vst v63  }
0x68: {  	_ =	swait.ge [sflag:s24], $0x2800  }
0x69: {  	[sflag:s24] =	ssyncset.done $0x0  }
0x6a: {  	s28 =	sadd.s32 $0x4D80, s0;
	[sflag:s24] =	ssyncadd.s32 $0xFFFFD800  }
0x6b: {  	[spmem:s3] =	stream.indirect.scatter.add.f32 [tilespmem:s21], [sflag:$0x4], $0x80, s28, s20, $0xb8;
	[tilespmem:$0x1DE20] =	vst v63  }
0x6c: {  	_ =	swait.ge [sflag:s26], $0x2800  }
0x6d: {  	[sflag:s26] =	ssyncset.done $0x0  }
.Ltmp1:
0x6e: {  	s28 =	sadd.s32 $0x2710, s0;
	[sflag:s26] =	ssyncadd.s32 $0xFFFFD800;
	(pc) =	sbr.rel @p0 .LBB2_4-.Ltmp1, $4  }
0x6f: {  	[tilespmem:s21], [sflag:$0x2] =	stream.indirect.gather [hbm4b:s1+s20], $0x80, s28, s20, $0xb8;
	[tilespmem:$0x1DE20] =	vst v63  }
0x70: {  	_ =	swait.ge [sflag:s22], $0x2800  }
0x71: {  	[sflag:s22] =	ssyncset.done $0x0  }
0x72: {  	s0 =	sadd.s32 $0x4DD0, s0;
	[sflag:s22] =	ssyncadd.s32 $0xFFFFD800  }
0x73: {  	[spmem:s3] =	stream.indirect.scatter.add.f32 [tilespmem:s17], [sflag:$0x3], $0x80, s0, s20, $0xb8;
	[tilespmem:$0x1DE20] =	vst v63  }
0x74: {  	_ =	swait.ge [sflag:s24], $0x2800  }
0x75: {  	[sflag:s24] =	ssyncset.done $0x0  }
0x76: {  	s2 =	simm.s32 $0x4D80;
	[sflag:s24] =	ssyncadd.s32 $0xFFFFD800  }
0x77: {  	[spmem:s3] =	stream.indirect.scatter.add.f32 [tilespmem:s21], [sflag:$0x4], $0x80, s2, s20, $0xb8;
	[tilespmem:$0x1DE20] =	vst v63  }
0x78: {  	_ =	swait.ge [sflag:s23], $0x2800  }
0x79: {  	[sflag:s23] =	ssyncset.done $0x0  }
0x7a: {  	[sflag:s23] =	ssyncadd.s32 $0xFFFFD800  }
0x7b: {  	[tilespmem:s17], [sflag:$0x1] =	stream.indirect.gather [hbm4b:s1+s20], $0x80, s29, s20, $0xb8;
	[tilespmem:$0x1DE20] =	vst v63  }
0x7c: {  	_ =	swait.ge [sflag:s22], $0x2800  }
0x7d: {  	[sflag:s22] =	ssyncset.done $0x0  }
0x7e: {  	[sflag:s22] =	ssyncadd.s32 $0xFFFFD800  }
0x7f: {  	[spmem:s3] =	stream.indirect.scatter.add.f32 [tilespmem:s17], [sflag:$0x3], $0x80, s30, s20, $0xb8;
	[tilespmem:$0x1DE20] =	vst v63  }
0x80: {  	_ =	swait.ge [sflag:s26], $0x2800  }
0x81: {  	[sflag:s26] =	ssyncset.done $0x0  }
0x82: {  	[sflag:s26] =	ssyncadd.s32 $0xFFFFD800  }
0x83: {  	_ =	swait.ge [sflag:s23], $0x2800  }
0x84: {  	s28 =	stileid.u32;
	s31 =	sadd.s32 $0x1, s31;
	[sflag:s23] =	ssyncset.done $0x0  }
0x85: {  	s0 =	sshll.u32 s28, $0x6;
	p0 =	sne.s32 s31, s8;
	[sflag:s23] =	ssyncadd.s32 $0xFFFFD800  }
.Ltmp2:
0x86: {  	s0 =	sor.u32 $0x1C05, s0;
	[bflag:$0x0] =	sbarrier.arrive $0xFFFF;
	(pc) =	sbr.rel @p0 .LBB2_1-.Ltmp2, $4  }
0x87: {  	[hbm:s7], [sflag:s0] =	dma.local [spmem:s25], $0x2800  }
0x88: {  	_ =	swait.ge [sflag:s18], $0x2800  }
0x89: {  	[sflag:s18] =	ssyncset.done $0x0  }
0x8a: {  	[sflag:s18] =	ssyncadd.s32 $0xFFFFD800  }
0x8b: {  	_ =	sfence.sel $0x180000  }
0x8c: {  	[bflag:$0x0] =	sbarrier.arrive $0xFFFF  }
0x8d: {  	_ =	strace $0x90000050  }
0x8e: {  	s0 =	stileid.u32;
	[bflag:$0x2] =	sbarrier.arrive $0xFFFF  }
0x8f: {  	p0 =	sne.s32 s0, $0x0;
	s0 =	rddreg [dreg:$0x3]  }
0x90: {  	s0 =	sadd.s32 @!p0 $0x100000, s0  }
0x91: {  	[sflag:s0] =	ssyncadd.tile.s32 @!p0 $0x1;
	_ =	shalt  }
.Lfunc_end2:
_tile_overlayer_lowered:
.L_overlay_start_2:
0x92: {  	(tag) =	ssettag $0x2  }
0x93: {  	s0 =	rddreg [dreg:$0x0];
	s2 =	stileid.u32  }
0x94: {  	s1 =	rddreg [dreg:$0x1];
	p0 =	sne.s32 s2, $0x0  }
0x95: {  	s3 =	rddreg [dreg:$0x2];
	[bflag:$0x3] =	sbarrier.arrive $0xFFFF;
	s2 =	simm.s32 @!p0 $0x1C05  }
0x96: {  	[timem:s3], [sflag:s2] =	dma.local @!p0 [hbm:s0], s1  }
0x97: {  	s0 =	simm.s32 @!p0 $0x5  }
0x98: {  	_ =	swait.ge @!p0 [sflag:s0], s1  }
0x99: {  	s1 =	ssub.s32 @!p0 $0x0, s1;
	[sflag:s0] =	ssyncset.done @!p0 $0x0  }
0x9a: {  	[sflag:s0] =	ssyncadd.s32 @!p0 s1  }
0x9b: {  	[bflag:$0x3] =	sbarrier.arrive $0xFFFF  }
0x9c: {  	_ =	shalt  }

</sc_bundles>
